<compile_context>
chip_gen: v7x
topology: tpu7x:2x2x1
jax: 0.10.2.dev20260603
libtpu: 0.0.44.dev20260713+nightly
codegen_flags: <defaults>
</compile_context>

<pallas_src>
import functools

import jax
import jax.numpy as jnp
from jax import lax
from jax.experimental import pallas as pl
from jax.experimental.pallas import tpu as pltpu
from jax.experimental.pallas import tpu_sc as plsc

_N = 10000
_D = 128
_E = 320000
_NPAD = 10240
_NCORES = 2
_NSUB = 16
_NTILES = _NCORES * _NSUB
_B = 128
_NB = 79
_EPT = _NB * _B
_RPT = _NPAD // _NSUB


@functools.partial(
    pl.kernel,
    mesh=plsc.VectorSubcoreMesh(core_axis_name="c", subcore_axis_name="s"),
    out_type=jax.ShapeDtypeStruct((_NCORES * _NPAD, _D), jnp.float32),
    scratch_types=[
        pltpu.VMEM((_NB, _B), jnp.int32),
        pltpu.VMEM((_NB, _B), jnp.int32),
        pltpu.VMEM((_B, _D), jnp.float32),
        pltpu.SemaphoreType.DMA,
        pltpu.VMEM_SHARED((_NPAD, _D), jnp.float32),
    ],
)
def _edge_pass(u_hbm, col_hbm, row_hbm, z_hbm, agg_hbm,
               col_v, row_v, buf, gsem, acc):
    c = lax.axis_index("c")
    s = lax.axis_index("s")
    w = c * _NSUB + s
    base = s * _RPT

    pltpu.sync_copy(z_hbm.at[pl.ds(base, _RPT)], acc.at[pl.ds(base, _RPT)])

    plsc.subcore_barrier()

    pltpu.sync_copy(col_hbm.at[w], col_v)
    pltpu.sync_copy(row_hbm.at[w], row_v)

    def _body(g, carry):
        pltpu.async_copy(u_hbm.at[col_v.at[g]], buf, gsem).wait()
        pltpu.sync_copy(buf, acc.at[row_v.at[g]], add=True)
        return carry

    lax.fori_loop(0, _NB, _body, 0)

    plsc.subcore_barrier()

    pltpu.sync_copy(acc.at[pl.ds(base, _RPT)],
                    agg_hbm.at[pl.ds(c * _NPAD + base, _RPT)])


_R = 2560
_GRID = _NPAD // _R


def _prep_body(feat_b, agg0_b, agg1_b, u0_b, a_b, c_b, sqd_b):
    deg = agg0_b[...] + agg1_b[...] + 1.0
    dinv = lax.rsqrt(deg)
    u0_b[...] = feat_b[...] * dinv
    inv = 1.0 / deg
    a_b[...] = 0.5 + 0.5 * inv
    c_b[...] = 0.5 * inv
    sqd_b[...] = deg * dinv


def _combine_body(u_b, agg0_b, agg1_b, a_b, c_b, out_b):
    out_b[...] = a_b[...] * u_b[...] + c_b[...] * (agg0_b[...] + agg1_b[...])


def _final_body(u_b, sqd_b, wt_b, bias_b, out_b):
    h = u_b[...] * sqd_b[...]
    out_b[...] = jnp.dot(h, wt_b[...],
                         preferred_element_type=jnp.float32) + bias_b[...]


def _row_spec():
    return pl.BlockSpec((_R, _D), lambda i: (i, 0))


def _agg_specs():
    return [pl.BlockSpec((_R, _D), lambda i: (i, 0)),
            pl.BlockSpec((_R, _D), lambda i: (i + _GRID, 0))]


_prep_call = pl.pallas_call(
    _prep_body,
    grid=(_GRID,),
    in_specs=[_row_spec()] + _agg_specs(),
    out_specs=[_row_spec()] * 4,
    out_shape=[jax.ShapeDtypeStruct((_NPAD, _D), jnp.float32)] * 4,
)

_combine_call = pl.pallas_call(
    _combine_body,
    grid=(_GRID,),
    in_specs=[_row_spec()] + _agg_specs() + [_row_spec(), _row_spec()],
    out_specs=_row_spec(),
    out_shape=jax.ShapeDtypeStruct((_NPAD, _D), jnp.float32),
)

_final_call = pl.pallas_call(
    _final_body,
    grid=(_GRID,),
    in_specs=[_row_spec(), _row_spec(),
              pl.BlockSpec((_D, _D), lambda i: (0, 0)),
              pl.BlockSpec((1, _D), lambda i: (0, 0))],
    out_specs=_row_spec(),
    out_shape=jax.ShapeDtypeStruct((_NPAD, _D), jnp.float32),
)


def kernel(feat, edge_index, W, b):
    row = edge_index[0]
    col = edge_index[1]
    pad = _NTILES * _EPT - _E
    sink = jnp.full((pad,), _NPAD - 1, jnp.int32)
    colp = jnp.concatenate([col, sink]).reshape(_NTILES, _NB, _B)
    rowp = jnp.concatenate([row, sink]).reshape(_NTILES, _NB, _B)

    featp = jnp.pad(feat, ((0, _NPAD - _N), (0, 0)))
    ones = jnp.pad(jnp.ones((_N, _D), jnp.float32), ((0, _NPAD - _N), (0, 0)))
    zeros = jnp.zeros((_NPAD, _D), jnp.float32)

    agg_deg = _edge_pass(ones, colp, rowp, zeros)
    u, a, cf, sqd = _prep_call(featp, agg_deg, agg_deg)

    for _ in range(8):
        agg = _edge_pass(u, colp, rowp, zeros)
        u = _combine_call(u, agg, agg, a, cf)

    out = _final_call(u, sqd, W.T, b.reshape(1, _D))
    return out[:_N]

# --- scband reference (transcript-rebuilt; emitter-appended) ---
"""Pipeline reference for scband-dgc-36850819400500 (READ-ONLY COPY).

The authoritative reference and input builder live on the scoring server;
editing this copy changes nothing except your own understanding.
"""

import jax, jax.numpy as jnp
import numpy as np

N = 10000
E = 320000
D = 128
C = 128
K = 4
T = 2.0
DELTA = T / K
STEPS = 2 ** (K - 1)  # the torch loop squares the operator K-1 times -> M^(2^(K-1))


def setup_inputs(seed: int = 0) -> dict:
    key = jax.random.key(seed)
    k1, k2, k3 = jax.random.split(key, 3)
    feat = jax.random.normal(k1, (N, D), dtype=jnp.float32)
    edge_index = jax.random.randint(k2, (2, E), 0, N, dtype=jnp.int32)
    # fc: Linear(in_feats=D, out_feats=C), xavier_uniform weight, zero bias
    limit = np.sqrt(6.0 / (D + C))
    W = jax.random.uniform(k3, (C, D), minval=-limit, maxval=limit, dtype=jnp.float32)
    b = jnp.zeros((C,), dtype=jnp.float32)
    return {"feat": feat, "edge_index": edge_index, "W": W, "b": b}


def reference(feat, edge_index, W, b):
    row = edge_index[0]
    col = edge_index[1]
    # normalized augmented adjacency S = D^-1/2 (A + I) D^-1/2
    deg = jnp.bincount(row, length=N).astype(jnp.float32) + 1.0
    dinv = 1.0 / jnp.sqrt(deg)
    ew = dinv[row] * dinv[col]        # off-diagonal weights
    self_w = dinv * dinv              # self-loop weights

    def smv(x):
        msg = ew[:, None] * x[col]
        agg = jnp.zeros_like(x).at[row].add(msg)
        return agg + self_w[:, None] * x

    # M = (1-delta) I + delta S ; apply M^(2^(K-1)) to feat
    h = feat
    for _ in range(STEPS):
        h = (1.0 - DELTA) * h + DELTA * smv(h)
    # fc
    return h @ W.T + b

if __name__ == "__main__":
    import jax
    _d = setup_inputs()
    print(jax.jit(kernel)(*tuple(_d.values())))

</pallas_src>

<mosaic_0001>
#map = affine_map<(d0, d1) -> (0, 0)>
#map1 = affine_map<(d0, d1) -> (0, 0, 0)>
module attributes {stable_mosaic.version = 14 : i64} {
  func.func @_edge_pass(%arg0: i32, %arg1: i32, %arg2: memref<10240x128xf32, #tpu.memory_space<hbm>>, %arg3: memref<32x79x128xi32, #tpu.memory_space<hbm>>, %arg4: memref<32x79x128xi32, #tpu.memory_space<hbm>>, %arg5: memref<10240x128xf32, #tpu.memory_space<hbm>>, %arg6: memref<20480x128xf32, #tpu.memory_space<hbm>>, %arg7: memref<79x128xi32, #tpu.memory_space<vmem>>, %arg8: memref<79x128xi32, #tpu.memory_space<vmem>>, %arg9: memref<128x128xf32, #tpu.memory_space<vmem>>, %arg10: memref<!tpu.dma_semaphore, #tpu.memory_space<semaphore_mem>>, %arg11: memref<10240x128xf32, #tpu.memory_space<vmem_shared>>) attributes {dimension_semantics = [#tpu.dimension_semantics<core_parallel>, #tpu.dimension_semantics<subcore_parallel>], iteration_bounds = array<i64: 2, 16>, scalar_prefetch = 0 : i64, scratch_operands = 5 : i64, tpu.core_type = #tpu.core_type<sc_vector_subcore>, window_params = [{transform_indices = #map}, {transform_indices = #map1}, {transform_indices = #map1}, {transform_indices = #map}, {transform_indices = #map}]} {
    %mul3A = arith.constant 16 : i32
    %mul3A_0 = arith.muli %arg0, %mul3A : i32
    %add3A = arith.addi %mul3A_0, %arg1 : i32
    %mul3A_1 = arith.constant 640 : i32
    %mul3A_2 = arith.muli %arg1, %mul3A_1 : i32
    "tpu.region"() ({
      %run_scoped3A = tpu.sem_alloc : memref<!tpu.dma_semaphore, #tpu.memory_space<semaphore_mem>>
      %dma_start3A = arith.constant 0 : i32
      %dma_start3A_12 = tpu.memref_slice %arg11[%mul3A_2, %dma_start3A] : memref<10240x128xf32, #tpu.memory_space<vmem_shared>> -> memref<640x128xf32, #tpu.memory_space<vmem_shared>>
      %dma_start3A_13 = arith.constant 0 : i32
      %dma_start3A_14 = tpu.memref_slice %arg5[%mul3A_2, %dma_start3A_13] : memref<10240x128xf32, #tpu.memory_space<hbm>> -> memref<640x128xf32, #tpu.memory_space<hbm>>
      tpu.enqueue_dma source(%dma_start3A_14 : memref<640x128xf32, #tpu.memory_space<hbm>>) target(%dma_start3A_12 : memref<640x128xf32, #tpu.memory_space<vmem_shared>>) target_semaphore(%run_scoped3A : memref<!tpu.dma_semaphore, #tpu.memory_space<semaphore_mem>>)
      %dma_wait3A = arith.constant 0 : i32
      %dma_wait3A_15 = tpu.memref_slice %arg11[%mul3A_2, %dma_wait3A] : memref<10240x128xf32, #tpu.memory_space<vmem_shared>> -> memref<640x128xf32, #tpu.memory_space<vmem_shared>>
      %dma_wait3A_16 = arith.constant 0 : i32
      %dma_wait3A_17 = tpu.memref_slice %arg5[%mul3A_2, %dma_wait3A_16] : memref<10240x128xf32, #tpu.memory_space<hbm>> -> memref<640x128xf32, #tpu.memory_space<hbm>>
      tpu.wait_dma2 semaphore(%run_scoped3A : memref<!tpu.dma_semaphore, #tpu.memory_space<semaphore_mem>>) src(%dma_wait3A_17 : memref<640x128xf32, #tpu.memory_space<hbm>>) dst(%dma_wait3A_15 : memref<640x128xf32, #tpu.memory_space<vmem_shared>>)
      tpu.yield
    }) : () -> ()
    %barrier3A = arith.constant 0 : index
    tpu.barrier barrier_id(%barrier3A)
    "tpu.region"() ({
      %run_scoped3A = tpu.sem_alloc : memref<!tpu.dma_semaphore, #tpu.memory_space<semaphore_mem>>
      %dma_start3A = arith.constant 0 : i32
      %dma_start3A_12 = arith.constant 0 : i32
      %dma_start3A_13 = tpu.memref_slice %arg3[%add3A, %dma_start3A, %dma_start3A_12] : memref<32x79x128xi32, #tpu.memory_space<hbm>> -> memref<1x79x128xi32, #tpu.memory_space<hbm>>
      %dma_start3A_14 = tpu.memref_squeeze %dma_start3A_13 : memref<1x79x128xi32, #tpu.memory_space<hbm>> -> memref<79x128xi32, #tpu.memory_space<hbm>>
      %dma_start3A_15 = arith.constant 0 : i32
      %dma_start3A_16 = arith.constant 0 : i32
      %dma_start3A_17 = tpu.memref_slice %arg3[%add3A, %dma_start3A_15, %dma_start3A_16] : memref<32x79x128xi32, #tpu.memory_space<hbm>> -> memref<1x79x128xi32, #tpu.memory_space<hbm>>
      %dma_start3A_18 = tpu.memref_squeeze %dma_start3A_17 : memref<1x79x128xi32, #tpu.memory_space<hbm>> -> memref<79x128xi32, #tpu.memory_space<hbm>>
      tpu.enqueue_dma source(%dma_start3A_18 : memref<79x128xi32, #tpu.memory_space<hbm>>) target(%arg7 : memref<79x128xi32, #tpu.memory_space<vmem>>) target_semaphore(%run_scoped3A : memref<!tpu.dma_semaphore, #tpu.memory_space<semaphore_mem>>)
      %dma_wait3A = arith.constant 0 : i32
      %dma_wait3A_19 = arith.constant 0 : i32
      %dma_wait3A_20 = tpu.memref_slice %arg3[%add3A, %dma_wait3A, %dma_wait3A_19] : memref<32x79x128xi32, #tpu.memory_space<hbm>> -> memref<1x79x128xi32, #tpu.memory_space<hbm>>
      %dma_wait3A_21 = tpu.memref_squeeze %dma_wait3A_20 : memref<1x79x128xi32, #tpu.memory_space<hbm>> -> memref<79x128xi32, #tpu.memory_space<hbm>>
      %dma_wait3A_22 = arith.constant 0 : i32
      %dma_wait3A_23 = arith.constant 0 : i32
      %dma_wait3A_24 = tpu.memref_slice %arg3[%add3A, %dma_wait3A_22, %dma_wait3A_23] : memref<32x79x128xi32, #tpu.memory_space<hbm>> -> memref<1x79x128xi32, #tpu.memory_space<hbm>>
      %dma_wait3A_25 = tpu.memref_squeeze %dma_wait3A_24 : memref<1x79x128xi32, #tpu.memory_space<hbm>> -> memref<79x128xi32, #tpu.memory_space<hbm>>
      tpu.wait_dma2 semaphore(%run_scoped3A : memref<!tpu.dma_semaphore, #tpu.memory_space<semaphore_mem>>) src(%dma_wait3A_25 : memref<79x128xi32, #tpu.memory_space<hbm>>) dst(%arg7 : memref<79x128xi32, #tpu.memory_space<vmem>>)
      tpu.yield
    }) : () -> ()
    "tpu.region"() ({
      %run_scoped3A = tpu.sem_alloc : memref<!tpu.dma_semaphore, #tpu.memory_space<semaphore_mem>>
      %dma_start3A = arith.constant 0 : i32
      %dma_start3A_12 = arith.constant 0 : i32
      %dma_start3A_13 = tpu.memref_slice %arg4[%add3A, %dma_start3A, %dma_start3A_12] : memref<32x79x128xi32, #tpu.memory_space<hbm>> -> memref<1x79x128xi32, #tpu.memory_space<hbm>>
      %dma_start3A_14 = tpu.memref_squeeze %dma_start3A_13 : memref<1x79x128xi32, #tpu.memory_space<hbm>> -> memref<79x128xi32, #tpu.memory_space<hbm>>
      %dma_start3A_15 = arith.constant 0 : i32
      %dma_start3A_16 = arith.constant 0 : i32
      %dma_start3A_17 = tpu.memref_slice %arg4[%add3A, %dma_start3A_15, %dma_start3A_16] : memref<32x79x128xi32, #tpu.memory_space<hbm>> -> memref<1x79x128xi32, #tpu.memory_space<hbm>>
      %dma_start3A_18 = tpu.memref_squeeze %dma_start3A_17 : memref<1x79x128xi32, #tpu.memory_space<hbm>> -> memref<79x128xi32, #tpu.memory_space<hbm>>
      tpu.enqueue_dma source(%dma_start3A_18 : memref<79x128xi32, #tpu.memory_space<hbm>>) target(%arg8 : memref<79x128xi32, #tpu.memory_space<vmem>>) target_semaphore(%run_scoped3A : memref<!tpu.dma_semaphore, #tpu.memory_space<semaphore_mem>>)
      %dma_wait3A = arith.constant 0 : i32
      %dma_wait3A_19 = arith.constant 0 : i32
      %dma_wait3A_20 = tpu.memref_slice %arg4[%add3A, %dma_wait3A, %dma_wait3A_19] : memref<32x79x128xi32, #tpu.memory_space<hbm>> -> memref<1x79x128xi32, #tpu.memory_space<hbm>>
      %dma_wait3A_21 = tpu.memref_squeeze %dma_wait3A_20 : memref<1x79x128xi32, #tpu.memory_space<hbm>> -> memref<79x128xi32, #tpu.memory_space<hbm>>
      %dma_wait3A_22 = arith.constant 0 : i32
      %dma_wait3A_23 = arith.constant 0 : i32
      %dma_wait3A_24 = tpu.memref_slice %arg4[%add3A, %dma_wait3A_22, %dma_wait3A_23] : memref<32x79x128xi32, #tpu.memory_space<hbm>> -> memref<1x79x128xi32, #tpu.memory_space<hbm>>
      %dma_wait3A_25 = tpu.memref_squeeze %dma_wait3A_24 : memref<1x79x128xi32, #tpu.memory_space<hbm>> -> memref<79x128xi32, #tpu.memory_space<hbm>>
      tpu.wait_dma2 semaphore(%run_scoped3A : memref<!tpu.dma_semaphore, #tpu.memory_space<semaphore_mem>>) src(%dma_wait3A_25 : memref<79x128xi32, #tpu.memory_space<hbm>>) dst(%arg8 : memref<79x128xi32, #tpu.memory_space<vmem>>)
      tpu.yield
    }) : () -> ()
    %scan3A = arith.constant 0 : i32
    %scan3A_3 = arith.constant 0 : i32
    %scan3A_4 = arith.constant 79 : i32
    %scan3A_5 = arith.addi %scan3A_3, %scan3A_4 : i32
    %scan3A_6 = arith.constant 1 : i32
    scf.for %scan3A_12 = %scan3A_3 to %scan3A_5 step %scan3A_6  : i32 {
      %dma_start3A = arith.constant 0 : i32
      %dma_start3A_13 = tpu.memref_slice %arg7[%scan3A_12, %dma_start3A] : memref<79x128xi32, #tpu.memory_space<vmem>> -> memref<1x128xi32, #tpu.memory_space<vmem>>
      %dma_start3A_14 = tpu.memref_squeeze %dma_start3A_13 : memref<1x128xi32, #tpu.memory_space<vmem>> -> memref<128xi32, #tpu.memory_space<vmem>>
      %dma_start3A_15 = arith.constant 0 : i32
      %dma_start3A_16 = arith.constant 0 : i32
      %dma_start3A_17 = tpu.memref_slice %arg2[%dma_start3A_15, %dma_start3A_16] : memref<10240x128xf32, #tpu.memory_space<hbm>> -> memref<10240x128xf32, #tpu.memory_space<hbm>>
      tpu.enqueue_indirect_dma source(%dma_start3A_17 : memref<10240x128xf32, #tpu.memory_space<hbm>>) target(%arg9 : memref<128x128xf32, #tpu.memory_space<vmem>>) offsets(%dma_start3A_14 : memref<128xi32, #tpu.memory_space<vmem>>) semaphore(%arg10 : memref<!tpu.dma_semaphore, #tpu.memory_space<semaphore_mem>>)
      %dma_wait3A = arith.constant 0 : i32
      %dma_wait3A_18 = tpu.memref_slice %arg7[%scan3A_12, %dma_wait3A] : memref<79x128xi32, #tpu.memory_space<vmem>> -> memref<1x128xi32, #tpu.memory_space<vmem>>
      %dma_wait3A_19 = tpu.memref_squeeze %dma_wait3A_18 : memref<1x128xi32, #tpu.memory_space<vmem>> -> memref<128xi32, #tpu.memory_space<vmem>>
      %dma_wait3A_20 = arith.constant 0 : i32
      %dma_wait3A_21 = arith.constant 0 : i32
      %dma_wait3A_22 = tpu.memref_slice %arg2[%dma_wait3A_20, %dma_wait3A_21] : memref<10240x128xf32, #tpu.memory_space<hbm>> -> memref<10240x128xf32, #tpu.memory_space<hbm>>
      tpu.wait_indirect_dma semaphore(%arg10 : memref<!tpu.dma_semaphore, #tpu.memory_space<semaphore_mem>>) src(%dma_wait3A_22 : memref<10240x128xf32, #tpu.memory_space<hbm>>) dst(%arg9 : memref<128x128xf32, #tpu.memory_space<vmem>>)
      "tpu.region"() ({
        %run_scoped3A = tpu.sem_alloc : memref<!tpu.dma_semaphore, #tpu.memory_space<semaphore_mem>>
        %dma_start3A_23 = arith.constant 0 : i32
        %dma_start3A_24 = tpu.memref_slice %arg8[%scan3A_12, %dma_start3A_23] : memref<79x128xi32, #tpu.memory_space<vmem>> -> memref<1x128xi32, #tpu.memory_space<vmem>>
        %dma_start3A_25 = tpu.memref_squeeze %dma_start3A_24 : memref<1x128xi32, #tpu.memory_space<vmem>> -> memref<128xi32, #tpu.memory_space<vmem>>
        %dma_start3A_26 = arith.constant 0 : i32
        %dma_start3A_27 = arith.constant 0 : i32
        %dma_start3A_28 = tpu.memref_slice %arg11[%dma_start3A_26, %dma_start3A_27] : memref<10240x128xf32, #tpu.memory_space<vmem_shared>> -> memref<10240x128xf32, #tpu.memory_space<vmem_shared>>
        tpu.enqueue_indirect_dma source(%arg9 : memref<128x128xf32, #tpu.memory_space<vmem>>) target(%dma_start3A_28 : memref<10240x128xf32, #tpu.memory_space<vmem_shared>>) offsets(%dma_start3A_25 : memref<128xi32, #tpu.memory_space<vmem>>) semaphore(%run_scoped3A : memref<!tpu.dma_semaphore, #tpu.memory_space<semaphore_mem>>) {add = true}
        %dma_wait3A_29 = arith.constant 0 : i32
        %dma_wait3A_30 = tpu.memref_slice %arg8[%scan3A_12, %dma_wait3A_29] : memref<79x128xi32, #tpu.memory_space<vmem>> -> memref<1x128xi32, #tpu.memory_space<vmem>>
        %dma_wait3A_31 = tpu.memref_squeeze %dma_wait3A_30 : memref<1x128xi32, #tpu.memory_space<vmem>> -> memref<128xi32, #tpu.memory_space<vmem>>
        %dma_wait3A_32 = arith.constant 0 : i32
        %dma_wait3A_33 = arith.constant 0 : i32
        %dma_wait3A_34 = tpu.memref_slice %arg11[%dma_wait3A_32, %dma_wait3A_33] : memref<10240x128xf32, #tpu.memory_space<vmem_shared>> -> memref<10240x128xf32, #tpu.memory_space<vmem_shared>>
        tpu.wait_indirect_dma semaphore(%run_scoped3A : memref<!tpu.dma_semaphore, #tpu.memory_space<semaphore_mem>>) src(%arg9 : memref<128x128xf32, #tpu.memory_space<vmem>>) dst(%dma_wait3A_34 : memref<10240x128xf32, #tpu.memory_space<vmem_shared>>)
        tpu.yield
      }) : () -> ()
    }
    %scan3A_7 = arith.constant 79 : i32
    %barrier3A_8 = arith.constant 0 : index
    tpu.barrier barrier_id(%barrier3A_8)
    %mul3A_9 = arith.constant 10240 : i32
    %mul3A_10 = arith.muli %arg0, %mul3A_9 : i32
    %add3A_11 = arith.addi %mul3A_10, %mul3A_2 : i32
    "tpu.region"() ({
      %run_scoped3A = tpu.sem_alloc : memref<!tpu.dma_semaphore, #tpu.memory_space<semaphore_mem>>
      %dma_start3A = arith.constant 0 : i32
      %dma_start3A_12 = tpu.memref_slice %arg6[%add3A_11, %dma_start3A] : memref<20480x128xf32, #tpu.memory_space<hbm>> -> memref<640x128xf32, #tpu.memory_space<hbm>>
      %dma_start3A_13 = arith.constant 0 : i32
      %dma_start3A_14 = tpu.memref_slice %arg11[%mul3A_2, %dma_start3A_13] : memref<10240x128xf32, #tpu.memory_space<vmem_shared>> -> memref<640x128xf32, #tpu.memory_space<vmem_shared>>
      tpu.enqueue_dma source(%dma_start3A_14 : memref<640x128xf32, #tpu.memory_space<vmem_shared>>) target(%dma_start3A_12 : memref<640x128xf32, #tpu.memory_space<hbm>>) target_semaphore(%run_scoped3A : memref<!tpu.dma_semaphore, #tpu.memory_space<semaphore_mem>>)
      %dma_wait3A = arith.constant 0 : i32
      %dma_wait3A_15 = tpu.memref_slice %arg6[%add3A_11, %dma_wait3A] : memref<20480x128xf32, #tpu.memory_space<hbm>> -> memref<640x128xf32, #tpu.memory_space<hbm>>
      %dma_wait3A_16 = arith.constant 0 : i32
      %dma_wait3A_17 = tpu.memref_slice %arg11[%mul3A_2, %dma_wait3A_16] : memref<10240x128xf32, #tpu.memory_space<vmem_shared>> -> memref<640x128xf32, #tpu.memory_space<vmem_shared>>
      tpu.wait_dma2 semaphore(%run_scoped3A : memref<!tpu.dma_semaphore, #tpu.memory_space<semaphore_mem>>) src(%dma_wait3A_17 : memref<640x128xf32, #tpu.memory_space<vmem_shared>>) dst(%dma_wait3A_15 : memref<640x128xf32, #tpu.memory_space<hbm>>)
      tpu.yield
    }) : () -> ()
    return
  }
}

#map = affine_map<(d0, d1) -> (0, 0)>
#map1 = affine_map<(d0, d1) -> (0, 0, 0)>
module attributes {stable_mosaic.version = 14 : i64} {
  func.func @_edge_pass(%arg0: i32, %arg1: i32, %arg2: memref<10240x128xf32, #tpu.memory_space<hbm>>, %arg3: memref<32x79x128xi32, #tpu.memory_space<hbm>>, %arg4: memref<32x79x128xi32, #tpu.memory_space<hbm>>, %arg5: memref<10240x128xf32, #tpu.memory_space<hbm>>, %arg6: memref<20480x128xf32, #tpu.memory_space<hbm>>, %arg7: memref<79x128xi32, #tpu.memory_space<vmem>>, %arg8: memref<79x128xi32, #tpu.memory_space<vmem>>, %arg9: memref<128x128xf32, #tpu.memory_space<vmem>>, %arg10: memref<!tpu.dma_semaphore, #tpu.memory_space<semaphore_mem>>, %arg11: memref<10240x128xf32, #tpu.memory_space<vmem_shared>>) attributes {dimension_semantics = [#tpu.dimension_semantics<core_parallel>, #tpu.dimension_semantics<subcore_parallel>], iteration_bounds = array<i64: 2, 16>, scalar_prefetch = 0 : i64, scratch_operands = 5 : i64, tpu.core_type = #tpu.core_type<sc_vector_subcore>, window_params = [{transform_indices = #map}, {transform_indices = #map1}, {transform_indices = #map1}, {transform_indices = #map}, {transform_indices = #map}]} {
    %mul3A = arith.constant 16 : i32
    %mul3A_0 = arith.muli %arg0, %mul3A : i32
    %add3A = arith.addi %mul3A_0, %arg1 : i32
    %mul3A_1 = arith.constant 640 : i32
    %mul3A_2 = arith.muli %arg1, %mul3A_1 : i32
    "tpu.region"() ({
      %run_scoped3A = tpu.sem_alloc : memref<!tpu.dma_semaphore, #tpu.memory_space<semaphore_mem>>
      %dma_start3A = arith.constant 0 : i32
      %dma_start3A_12 = tpu.memref_slice %arg11[%mul3A_2, %dma_start3A] : memref<10240x128xf32, #tpu.memory_space<vmem_shared>> -> memref<640x128xf32, #tpu.memory_space<vmem_shared>>
      %dma_start3A_13 = arith.constant 0 : i32
      %dma_start3A_14 = tpu.memref_slice %arg5[%mul3A_2, %dma_start3A_13] : memref<10240x128xf32, #tpu.memory_space<hbm>> -> memref<640x128xf32, #tpu.memory_space<hbm>>
      tpu.enqueue_dma source(%dma_start3A_14 : memref<640x128xf32, #tpu.memory_space<hbm>>) target(%dma_start3A_12 : memref<640x128xf32, #tpu.memory_space<vmem_shared>>) target_semaphore(%run_scoped3A : memref<!tpu.dma_semaphore, #tpu.memory_space<semaphore_mem>>)
      %dma_wait3A = arith.constant 0 : i32
      %dma_wait3A_15 = tpu.memref_slice %arg11[%mul3A_2, %dma_wait3A] : memref<10240x128xf32, #tpu.memory_space<vmem_shared>> -> memref<640x128xf32, #tpu.memory_space<vmem_shared>>
      %dma_wait3A_16 = arith.constant 0 : i32
      %dma_wait3A_17 = tpu.memref_slice %arg5[%mul3A_2, %dma_wait3A_16] : memref<10240x128xf32, #tpu.memory_space<hbm>> -> memref<640x128xf32, #tpu.memory_space<hbm>>
      tpu.wait_dma2 semaphore(%run_scoped3A : memref<!tpu.dma_semaphore, #tpu.memory_space<semaphore_mem>>) src(%dma_wait3A_17 : memref<640x128xf32, #tpu.memory_space<hbm>>) dst(%dma_wait3A_15 : memref<640x128xf32, #tpu.memory_space<vmem_shared>>)
      tpu.yield
    }) : () -> ()
    %barrier3A = arith.constant 0 : index
    tpu.barrier barrier_id(%barrier3A)
    "tpu.region"() ({
      %run_scoped3A = tpu.sem_alloc : memref<!tpu.dma_semaphore, #tpu.memory_space<semaphore_mem>>
      %dma_start3A = arith.constant 0 : i32
      %dma_start3A_12 = arith.constant 0 : i32
      %dma_start3A_13 = tpu.memref_slice %arg3[%add3A, %dma_start3A, %dma_start3A_12] : memref<32x79x128xi32, #tpu.memory_space<hbm>> -> memref<1x79x128xi32, #tpu.memory_space<hbm>>
      %dma_start3A_14 = tpu.memref_squeeze %dma_start3A_13 : memref<1x79x128xi32, #tpu.memory_space<hbm>> -> memref<79x128xi32, #tpu.memory_space<hbm>>
      %dma_start3A_15 = arith.constant 0 : i32
      %dma_start3A_16 = arith.constant 0 : i32
      %dma_start3A_17 = tpu.memref_slice %arg3[%add3A, %dma_start3A_15, %dma_start3A_16] : memref<32x79x128xi32, #tpu.memory_space<hbm>> -> memref<1x79x128xi32, #tpu.memory_space<hbm>>
      %dma_start3A_18 = tpu.memref_squeeze %dma_start3A_17 : memref<1x79x128xi32, #tpu.memory_space<hbm>> -> memref<79x128xi32, #tpu.memory_space<hbm>>
      tpu.enqueue_dma source(%dma_start3A_18 : memref<79x128xi32, #tpu.memory_space<hbm>>) target(%arg7 : memref<79x128xi32, #tpu.memory_space<vmem>>) target_semaphore(%run_scoped3A : memref<!tpu.dma_semaphore, #tpu.memory_space<semaphore_mem>>)
      %dma_wait3A = arith.constant 0 : i32
      %dma_wait3A_19 = arith.constant 0 : i32
      %dma_wait3A_20 = tpu.memref_slice %arg3[%add3A, %dma_wait3A, %dma_wait3A_19] : memref<32x79x128xi32, #tpu.memory_space<hbm>> -> memref<1x79x128xi32, #tpu.memory_space<hbm>>
      %dma_wait3A_21 = tpu.memref_squeeze %dma_wait3A_20 : memref<1x79x128xi32, #tpu.memory_space<hbm>> -> memref<79x128xi32, #tpu.memory_space<hbm>>
      %dma_wait3A_22 = arith.constant 0 : i32
      %dma_wait3A_23 = arith.constant 0 : i32
      %dma_wait3A_24 = tpu.memref_slice %arg3[%add3A, %dma_wait3A_22, %dma_wait3A_23] : memref<32x79x128xi32, #tpu.memory_space<hbm>> -> memref<1x79x128xi32, #tpu.memory_space<hbm>>
      %dma_wait3A_25 = tpu.memref_squeeze %dma_wait3A_24 : memref<1x79x128xi32, #tpu.memory_space<hbm>> -> memref<79x128xi32, #tpu.memory_space<hbm>>
      tpu.wait_dma2 semaphore(%run_scoped3A : memref<!tpu.dma_semaphore, #tpu.memory_space<semaphore_mem>>) src(%dma_wait3A_25 : memref<79x128xi32, #tpu.memory_space<hbm>>) dst(%arg7 : memref<79x128xi32, #tpu.memory_space<vmem>>)
      tpu.yield
    }) : () -> ()
    "tpu.region"() ({
      %run_scoped3A = tpu.sem_alloc : memref<!tpu.dma_semaphore, #tpu.memory_space<semaphore_mem>>
      %dma_start3A = arith.constant 0 : i32
      %dma_start3A_12 = arith.constant 0 : i32
      %dma_start3A_13 = tpu.memref_slice %arg4[%add3A, %dma_start3A, %dma_start3A_12] : memref<32x79x128xi32, #tpu.memory_space<hbm>> -> memref<1x79x128xi32, #tpu.memory_space<hbm>>
      %dma_start3A_14 = tpu.memref_squeeze %dma_start3A_13 : memref<1x79x128xi32, #tpu.memory_space<hbm>> -> memref<79x128xi32, #tpu.memory_space<hbm>>
      %dma_start3A_15 = arith.constant 0 : i32
      %dma_start3A_16 = arith.constant 0 : i32
      %dma_start3A_17 = tpu.memref_slice %arg4[%add3A, %dma_start3A_15, %dma_start3A_16] : memref<32x79x128xi32, #tpu.memory_space<hbm>> -> memref<1x79x128xi32, #tpu.memory_space<hbm>>
      %dma_start3A_18 = tpu.memref_squeeze %dma_start3A_17 : memref<1x79x128xi32, #tpu.memory_space<hbm>> -> memref<79x128xi32, #tpu.memory_space<hbm>>
      tpu.enqueue_dma source(%dma_start3A_18 : memref<79x128xi32, #tpu.memory_space<hbm>>) target(%arg8 : memref<79x128xi32, #tpu.memory_space<vmem>>) target_semaphore(%run_scoped3A : memref<!tpu.dma_semaphore, #tpu.memory_space<semaphore_mem>>)
      %dma_wait3A = arith.constant 0 : i32
      %dma_wait3A_19 = arith.constant 0 : i32
      %dma_wait3A_20 = tpu.memref_slice %arg4[%add3A, %dma_wait3A, %dma_wait3A_19] : memref<32x79x128xi32, #tpu.memory_space<hbm>> -> memref<1x79x128xi32, #tpu.memory_space<hbm>>
      %dma_wait3A_21 = tpu.memref_squeeze %dma_wait3A_20 : memref<1x79x128xi32, #tpu.memory_space<hbm>> -> memref<79x128xi32, #tpu.memory_space<hbm>>
      %dma_wait3A_22 = arith.constant 0 : i32
      %dma_wait3A_23 = arith.constant 0 : i32
      %dma_wait3A_24 = tpu.memref_slice %arg4[%add3A, %dma_wait3A_22, %dma_wait3A_23] : memref<32x79x128xi32, #tpu.memory_space<hbm>> -> memref<1x79x128xi32, #tpu.memory_space<hbm>>
      %dma_wait3A_25 = tpu.memref_squeeze %dma_wait3A_24 : memref<1x79x128xi32, #tpu.memory_space<hbm>> -> memref<79x128xi32, #tpu.memory_space<hbm>>
      tpu.wait_dma2 semaphore(%run_scoped3A : memref<!tpu.dma_semaphore, #tpu.memory_space<semaphore_mem>>) src(%dma_wait3A_25 : memref<79x128xi32, #tpu.memory_space<hbm>>) dst(%arg8 : memref<79x128xi32, #tpu.memory_space<vmem>>)
      tpu.yield
    }) : () -> ()
    %scan3A = arith.constant 0 : i32
    %scan3A_3 = arith.constant 0 : i32
    %scan3A_4 = arith.constant 79 : i32
    %scan3A_5 = arith.addi %scan3A_3, %scan3A_4 : i32
    %scan3A_6 = arith.constant 1 : i32
    scf.for %scan3A_12 = %scan3A_3 to %scan3A_5 step %scan3A_6  : i32 {
      %dma_start3A = arith.constant 0 : i32
      %dma_start3A_13 = tpu.memref_slice %arg7[%scan3A_12, %dma_start3A] : memref<79x128xi32, #tpu.memory_space<vmem>> -> memref<1x128xi32, #tpu.memory_space<vmem>>
      %dma_start3A_14 = tpu.memref_squeeze %dma_start3A_13 : memref<1x128xi32, #tpu.memory_space<vmem>> -> memref<128xi32, #tpu.memory_space<vmem>>
      %dma_start3A_15 = arith.constant 0 : i32
      %dma_start3A_16 = arith.constant 0 : i32
      %dma_start3A_17 = tpu.memref_slice %arg2[%dma_start3A_15, %dma_start3A_16] : memref<10240x128xf32, #tpu.memory_space<hbm>> -> memref<10240x128xf32, #tpu.memory_space<hbm>>
      tpu.enqueue_indirect_dma source(%dma_start3A_17 : memref<10240x128xf32, #tpu.memory_space<hbm>>) target(%arg9 : memref<128x128xf32, #tpu.memory_space<vmem>>) offsets(%dma_start3A_14 : memref<128xi32, #tpu.memory_space<vmem>>) semaphore(%arg10 : memref<!tpu.dma_semaphore, #tpu.memory_space<semaphore_mem>>)
      %dma_wait3A = arith.constant 0 : i32
      %dma_wait3A_18 = tpu.memref_slice %arg7[%scan3A_12, %dma_wait3A] : memref<79x128xi32, #tpu.memory_space<vmem>> -> memref<1x128xi32, #tpu.memory_space<vmem>>
      %dma_wait3A_19 = tpu.memref_squeeze %dma_wait3A_18 : memref<1x128xi32, #tpu.memory_space<vmem>> -> memref<128xi32, #tpu.memory_space<vmem>>
      %dma_wait3A_20 = arith.constant 0 : i32
      %dma_wait3A_21 = arith.constant 0 : i32
      %dma_wait3A_22 = tpu.memref_slice %arg2[%dma_wait3A_20, %dma_wait3A_21] : memref<10240x128xf32, #tpu.memory_space<hbm>> -> memref<10240x128xf32, #tpu.memory_space<hbm>>
      tpu.wait_indirect_dma semaphore(%arg10 : memref<!tpu.dma_semaphore, #tpu.memory_space<semaphore_mem>>) src(%dma_wait3A_22 : memref<10240x128xf32, #tpu.memory_space<hbm>>) dst(%arg9 : memref<128x128xf32, #tpu.memory_space<vmem>>)
      "tpu.region"() ({
        %run_scoped3A = tpu.sem_alloc : memref<!tpu.dma_semaphore, #tpu.memory_space<semaphore_mem>>
        %dma_start3A_23 = arith.constant 0 : i32
        %dma_start3A_24 = tpu.memref_slice %arg8[%scan3A_12, %dma_start3A_23] : memref<79x128xi32, #tpu.memory_space<vmem>> -> memref<1x128xi32, #tpu.memory_space<vmem>>
        %dma_start3A_25 = tpu.memref_squeeze %dma_start3A_24 : memref<1x128xi32, #tpu.memory_space<vmem>> -> memref<128xi32, #tpu.memory_space<vmem>>
        %dma_start3A_26 = arith.constant 0 : i32
        %dma_start3A_27 = arith.constant 0 : i32
        %dma_start3A_28 = tpu.memref_slice %arg11[%dma_start3A_26, %dma_start3A_27] : memref<10240x128xf32, #tpu.memory_space<vmem_shared>> -> memref<10240x128xf32, #tpu.memory_space<vmem_shared>>
        tpu.enqueue_indirect_dma source(%arg9 : memref<128x128xf32, #tpu.memory_space<vmem>>) target(%dma_start3A_28 : memref<10240x128xf32, #tpu.memory_space<vmem_shared>>) offsets(%dma_start3A_25 : memref<128xi32, #tpu.memory_space<vmem>>) semaphore(%run_scoped3A : memref<!tpu.dma_semaphore, #tpu.memory_space<semaphore_mem>>) {add = true}
        %dma_wait3A_29 = arith.constant 0 : i32
        %dma_wait3A_30 = tpu.memref_slice %arg8[%scan3A_12, %dma_wait3A_29] : memref<79x128xi32, #tpu.memory_space<vmem>> -> memref<1x128xi32, #tpu.memory_space<vmem>>
        %dma_wait3A_31 = tpu.memref_squeeze %dma_wait3A_30 : memref<1x128xi32, #tpu.memory_space<vmem>> -> memref<128xi32, #tpu.memory_space<vmem>>
        %dma_wait3A_32 = arith.constant 0 : i32
        %dma_wait3A_33 = arith.constant 0 : i32
        %dma_wait3A_34 = tpu.memref_slice %arg11[%dma_wait3A_32, %dma_wait3A_33] : memref<10240x128xf32, #tpu.memory_space<vmem_shared>> -> memref<10240x128xf32, #tpu.memory_space<vmem_shared>>
        tpu.wait_indirect_dma semaphore(%run_scoped3A : memref<!tpu.dma_semaphore, #tpu.memory_space<semaphore_mem>>) src(%arg9 : memref<128x128xf32, #tpu.memory_space<vmem>>) dst(%dma_wait3A_34 : memref<10240x128xf32, #tpu.memory_space<vmem_shared>>)
        tpu.yield
      }) : () -> ()
    }
    %scan3A_7 = arith.constant 79 : i32
    %barrier3A_8 = arith.constant 0 : index
    tpu.barrier barrier_id(%barrier3A_8)
    %mul3A_9 = arith.constant 10240 : i32
    %mul3A_10 = arith.muli %arg0, %mul3A_9 : i32
    %add3A_11 = arith.addi %mul3A_10, %mul3A_2 : i32
    "tpu.region"() ({
      %run_scoped3A = tpu.sem_alloc : memref<!tpu.dma_semaphore, #tpu.memory_space<semaphore_mem>>
      %dma_start3A = arith.constant 0 : i32
      %dma_start3A_12 = tpu.memref_slice %arg6[%add3A_11, %dma_start3A] : memref<20480x128xf32, #tpu.memory_space<hbm>> -> memref<640x128xf32, #tpu.memory_space<hbm>>
      %dma_start3A_13 = arith.constant 0 : i32
      %dma_start3A_14 = tpu.memref_slice %arg11[%mul3A_2, %dma_start3A_13] : memref<10240x128xf32, #tpu.memory_space<vmem_shared>> -> memref<640x128xf32, #tpu.memory_space<vmem_shared>>
      tpu.enqueue_dma source(%dma_start3A_14 : memref<640x128xf32, #tpu.memory_space<vmem_shared>>) target(%dma_start3A_12 : memref<640x128xf32, #tpu.memory_space<hbm>>) target_semaphore(%run_scoped3A : memref<!tpu.dma_semaphore, #tpu.memory_space<semaphore_mem>>)
      %dma_wait3A = arith.constant 0 : i32
      %dma_wait3A_15 = tpu.memref_slice %arg6[%add3A_11, %dma_wait3A] : memref<20480x128xf32, #tpu.memory_space<hbm>> -> memref<640x128xf32, #tpu.memory_space<hbm>>
      %dma_wait3A_16 = arith.constant 0 : i32
      %dma_wait3A_17 = tpu.memref_slice %arg11[%mul3A_2, %dma_wait3A_16] : memref<10240x128xf32, #tpu.memory_space<vmem_shared>> -> memref<640x128xf32, #tpu.memory_space<vmem_shared>>
      tpu.wait_dma2 semaphore(%run_scoped3A : memref<!tpu.dma_semaphore, #tpu.memory_space<semaphore_mem>>) src(%dma_wait3A_17 : memref<640x128xf32, #tpu.memory_space<vmem_shared>>) dst(%dma_wait3A_15 : memref<640x128xf32, #tpu.memory_space<hbm>>)
      tpu.yield
    }) : () -> ()
    return
  }
}

#map = affine_map<(d0, d1) -> (0, 0)>
#map1 = affine_map<(d0, d1) -> (0, 0, 0)>
module attributes {stable_mosaic.version = 14 : i64} {
  func.func @_edge_pass(%arg0: i32, %arg1: i32, %arg2: memref<10240x128xf32, #tpu.memory_space<hbm>>, %arg3: memref<32x79x128xi32, #tpu.memory_space<hbm>>, %arg4: memref<32x79x128xi32, #tpu.memory_space<hbm>>, %arg5: memref<10240x128xf32, #tpu.memory_space<hbm>>, %arg6: memref<20480x128xf32, #tpu.memory_space<hbm>>, %arg7: memref<79x128xi32, #tpu.memory_space<vmem>>, %arg8: memref<79x128xi32, #tpu.memory_space<vmem>>, %arg9: memref<128x128xf32, #tpu.memory_space<vmem>>, %arg10: memref<!tpu.dma_semaphore, #tpu.memory_space<semaphore_mem>>, %arg11: memref<10240x128xf32, #tpu.memory_space<vmem_shared>>) attributes {dimension_semantics = [#tpu.dimension_semantics<core_parallel>, #tpu.dimension_semantics<subcore_parallel>], iteration_bounds = array<i64: 2, 16>, scalar_prefetch = 0 : i64, scratch_operands = 5 : i64, tpu.core_type = #tpu.core_type<sc_vector_subcore>, window_params = [{transform_indices = #map}, {transform_indices = #map1}, {transform_indices = #map1}, {transform_indices = #map}, {transform_indices = #map}]} {
    %mul3A = arith.constant 16 : i32
    %mul3A_0 = arith.muli %arg0, %mul3A : i32
    %add3A = arith.addi %mul3A_0, %arg1 : i32
    %mul3A_1 = arith.constant 640 : i32
    %mul3A_2 = arith.muli %arg1, %mul3A_1 : i32
    "tpu.region"() ({
      %run_scoped3A = tpu.sem_alloc : memref<!tpu.dma_semaphore, #tpu.memory_space<semaphore_mem>>
      %dma_start3A = arith.constant 0 : i32
      %dma_start3A_12 = tpu.memref_slice %arg11[%mul3A_2, %dma_start3A] : memref<10240x128xf32, #tpu.memory_space<vmem_shared>> -> memref<640x128xf32, #tpu.memory_space<vmem_shared>>
      %dma_start3A_13 = arith.constant 0 : i32
      %dma_start3A_14 = tpu.memref_slice %arg5[%mul3A_2, %dma_start3A_13] : memref<10240x128xf32, #tpu.memory_space<hbm>> -> memref<640x128xf32, #tpu.memory_space<hbm>>
      tpu.enqueue_dma source(%dma_start3A_14 : memref<640x128xf32, #tpu.memory_space<hbm>>) target(%dma_start3A_12 : memref<640x128xf32, #tpu.memory_space<vmem_shared>>) target_semaphore(%run_scoped3A : memref<!tpu.dma_semaphore, #tpu.memory_space<semaphore_mem>>)
      %dma_wait3A = arith.constant 0 : i32
      %dma_wait3A_15 = tpu.memref_slice %arg11[%mul3A_2, %dma_wait3A] : memref<10240x128xf32, #tpu.memory_space<vmem_shared>> -> memref<640x128xf32, #tpu.memory_space<vmem_shared>>
      %dma_wait3A_16 = arith.constant 0 : i32
      %dma_wait3A_17 = tpu.memref_slice %arg5[%mul3A_2, %dma_wait3A_16] : memref<10240x128xf32, #tpu.memory_space<hbm>> -> memref<640x128xf32, #tpu.memory_space<hbm>>
      tpu.wait_dma2 semaphore(%run_scoped3A : memref<!tpu.dma_semaphore, #tpu.memory_space<semaphore_mem>>) src(%dma_wait3A_17 : memref<640x128xf32, #tpu.memory_space<hbm>>) dst(%dma_wait3A_15 : memref<640x128xf32, #tpu.memory_space<vmem_shared>>)
      tpu.yield
    }) : () -> ()
    %barrier3A = arith.constant 0 : index
    tpu.barrier barrier_id(%barrier3A)
    "tpu.region"() ({
      %run_scoped3A = tpu.sem_alloc : memref<!tpu.dma_semaphore, #tpu.memory_space<semaphore_mem>>
      %dma_start3A = arith.constant 0 : i32
      %dma_start3A_12 = arith.constant 0 : i32
      %dma_start3A_13 = tpu.memref_slice %arg3[%add3A, %dma_start3A, %dma_start3A_12] : memref<32x79x128xi32, #tpu.memory_space<hbm>> -> memref<1x79x128xi32, #tpu.memory_space<hbm>>
      %dma_start3A_14 = tpu.memref_squeeze %dma_start3A_13 : memref<1x79x128xi32, #tpu.memory_space<hbm>> -> memref<79x128xi32, #tpu.memory_space<hbm>>
      %dma_start3A_15 = arith.constant 0 : i32
      %dma_start3A_16 = arith.constant 0 : i32
      %dma_start3A_17 = tpu.memref_slice %arg3[%add3A, %dma_start3A_15, %dma_start3A_16] : memref<32x79x128xi32, #tpu.memory_space<hbm>> -> memref<1x79x128xi32, #tpu.memory_space<hbm>>
      %dma_start3A_18 = tpu.memref_squeeze %dma_start3A_17 : memref<1x79x128xi32, #tpu.memory_space<hbm>> -> memref<79x128xi32, #tpu.memory_space<hbm>>
      tpu.enqueue_dma source(%dma_start3A_18 : memref<79x128xi32, #tpu.memory_space<hbm>>) target(%arg7 : memref<79x128xi32, #tpu.memory_space<vmem>>) target_semaphore(%run_scoped3A : memref<!tpu.dma_semaphore, #tpu.memory_space<semaphore_mem>>)
      %dma_wait3A = arith.constant 0 : i32
      %dma_wait3A_19 = arith.constant 0 : i32
      %dma_wait3A_20 = tpu.memref_slice %arg3[%add3A, %dma_wait3A, %dma_wait3A_19] : memref<32x79x128xi32, #tpu.memory_space<hbm>> -> memref<1x79x128xi32, #tpu.memory_space<hbm>>
      %dma_wait3A_21 = tpu.memref_squeeze %dma_wait3A_20 : memref<1x79x128xi32, #tpu.memory_space<hbm>> -> memref<79x128xi32, #tpu.memory_space<hbm>>
      %dma_wait3A_22 = arith.constant 0 : i32
      %dma_wait3A_23 = arith.constant 0 : i32
      %dma_wait3A_24 = tpu.memref_slice %arg3[%add3A, %dma_wait3A_22, %dma_wait3A_23] : memref<32x79x128xi32, #tpu.memory_space<hbm>> -> memref<1x79x128xi32, #tpu.memory_space<hbm>>
      %dma_wait3A_25 = tpu.memref_squeeze %dma_wait3A_24 : memref<1x79x128xi32, #tpu.memory_space<hbm>> -> memref<79x128xi32, #tpu.memory_space<hbm>>
      tpu.wait_dma2 semaphore(%run_scoped3A : memref<!tpu.dma_semaphore, #tpu.memory_space<semaphore_mem>>) src(%dma_wait3A_25 : memref<79x128xi32, #tpu.memory_space<hbm>>) dst(%arg7 : memref<79x128xi32, #tpu.memory_space<vmem>>)
      tpu.yield
    }) : () -> ()
    "tpu.region"() ({
      %run_scoped3A = tpu.sem_alloc : memref<!tpu.dma_semaphore, #tpu.memory_space<semaphore_mem>>
      %dma_start3A = arith.constant 0 : i32
      %dma_start3A_12 = arith.constant 0 : i32
      %dma_start3A_13 = tpu.memref_slice %arg4[%add3A, %dma_start3A, %dma_start3A_12] : memref<32x79x128xi32, #tpu.memory_space<hbm>> -> memref<1x79x128xi32, #tpu.memory_space<hbm>>
      %dma_start3A_14 = tpu.memref_squeeze %dma_start3A_13 : memref<1x79x128xi32, #tpu.memory_space<hbm>> -> memref<79x128xi32, #tpu.memory_space<hbm>>
      %dma_start3A_15 = arith.constant 0 : i32
      %dma_start3A_16 = arith.constant 0 : i32
      %dma_start3A_17 = tpu.memref_slice %arg4[%add3A, %dma_start3A_15, %dma_start3A_16] : memref<32x79x128xi32, #tpu.memory_space<hbm>> -> memref<1x79x128xi32, #tpu.memory_space<hbm>>
      %dma_start3A_18 = tpu.memref_squeeze %dma_start3A_17 : memref<1x79x128xi32, #tpu.memory_space<hbm>> -> memref<79x128xi32, #tpu.memory_space<hbm>>
      tpu.enqueue_dma source(%dma_start3A_18 : memref<79x128xi32, #tpu.memory_space<hbm>>) target(%arg8 : memref<79x128xi32, #tpu.memory_space<vmem>>) target_semaphore(%run_scoped3A : memref<!tpu.dma_semaphore, #tpu.memory_space<semaphore_mem>>)
      %dma_wait3A = arith.constant 0 : i32
      %dma_wait3A_19 = arith.constant 0 : i32
      %dma_wait3A_20 = tpu.memref_slice %arg4[%add3A, %dma_wait3A, %dma_wait3A_19] : memref<32x79x128xi32, #tpu.memory_space<hbm>> -> memref<1x79x128xi32, #tpu.memory_space<hbm>>
      %dma_wait3A_21 = tpu.memref_squeeze %dma_wait3A_20 : memref<1x79x128xi32, #tpu.memory_space<hbm>> -> memref<79x128xi32, #tpu.memory_space<hbm>>
      %dma_wait3A_22 = arith.constant 0 : i32
      %dma_wait3A_23 = arith.constant 0 : i32
      %dma_wait3A_24 = tpu.memref_slice %arg4[%add3A, %dma_wait3A_22, %dma_wait3A_23] : memref<32x79x128xi32, #tpu.memory_space<hbm>> -> memref<1x79x128xi32, #tpu.memory_space<hbm>>
      %dma_wait3A_25 = tpu.memref_squeeze %dma_wait3A_24 : memref<1x79x128xi32, #tpu.memory_space<hbm>> -> memref<79x128xi32, #tpu.memory_space<hbm>>
      tpu.wait_dma2 semaphore(%run_scoped3A : memref<!tpu.dma_semaphore, #tpu.memory_space<semaphore_mem>>) src(%dma_wait3A_25 : memref<79x128xi32, #tpu.memory_space<hbm>>) dst(%arg8 : memref<79x128xi32, #tpu.memory_space<vmem>>)
      tpu.yield
    }) : () -> ()
    %scan3A = arith.constant 0 : i32
    %scan3A_3 = arith.constant 0 : i32
    %scan3A_4 = arith.constant 79 : i32
    %scan3A_5 = arith.addi %scan3A_3, %scan3A_4 : i32
    %scan3A_6 = arith.constant 1 : i32
    scf.for %scan3A_12 = %scan3A_3 to %scan3A_5 step %scan3A_6  : i32 {
      %dma_start3A = arith.constant 0 : i32
      %dma_start3A_13 = tpu.memref_slice %arg7[%scan3A_12, %dma_start3A] : memref<79x128xi32, #tpu.memory_space<vmem>> -> memref<1x128xi32, #tpu.memory_space<vmem>>
      %dma_start3A_14 = tpu.memref_squeeze %dma_start3A_13 : memref<1x128xi32, #tpu.memory_space<vmem>> -> memref<128xi32, #tpu.memory_space<vmem>>
      %dma_start3A_15 = arith.constant 0 : i32
      %dma_start3A_16 = arith.constant 0 : i32
      %dma_start3A_17 = tpu.memref_slice %arg2[%dma_start3A_15, %dma_start3A_16] : memref<10240x128xf32, #tpu.memory_space<hbm>> -> memref<10240x128xf32, #tpu.memory_space<hbm>>
      tpu.enqueue_indirect_dma source(%dma_start3A_17 : memref<10240x128xf32, #tpu.memory_space<hbm>>) target(%arg9 : memref<128x128xf32, #tpu.memory_space<vmem>>) offsets(%dma_start3A_14 : memref<128xi32, #tpu.memory_space<vmem>>) semaphore(%arg10 : memref<!tpu.dma_semaphore, #tpu.memory_space<semaphore_mem>>)
      %dma_wait3A = arith.constant 0 : i32
      %dma_wait3A_18 = tpu.memref_slice %arg7[%scan3A_12, %dma_wait3A] : memref<79x128xi32, #tpu.memory_space<vmem>> -> memref<1x128xi32, #tpu.memory_space<vmem>>
      %dma_wait3A_19 = tpu.memref_squeeze %dma_wait3A_18 : memref<1x128xi32, #tpu.memory_space<vmem>> -> memref<128xi32, #tpu.memory_space<vmem>>
      %dma_wait3A_20 = arith.constant 0 : i32
      %dma_wait3A_21 = arith.constant 0 : i32
      %dma_wait3A_22 = tpu.memref_slice %arg2[%dma_wait3A_20, %dma_wait3A_21] : memref<10240x128xf32, #tpu.memory_space<hbm>> -> memref<10240x128xf32, #tpu.memory_space<hbm>>
      tpu.wait_indirect_dma semaphore(%arg10 : memref<!tpu.dma_semaphore, #tpu.memory_space<semaphore_mem>>) src(%dma_wait3A_22 : memref<10240x128xf32, #tpu.memory_space<hbm>>) dst(%arg9 : memref<128x128xf32, #tpu.memory_space<vmem>>)
      "tpu.region"() ({
        %run_scoped3A = tpu.sem_alloc : memref<!tpu.dma_semaphore, #tpu.memory_space<semaphore_mem>>
        %dma_start3A_23 = arith.constant 0 : i32
        %dma_start3A_24 = tpu.memref_slice %arg8[%scan3A_12, %dma_start3A_23] : memref<79x128xi32, #tpu.memory_space<vmem>> -> memref<1x128xi32, #tpu.memory_space<vmem>>
        %dma_start3A_25 = tpu.memref_squeeze %dma_start3A_24 : memref<1x128xi32, #tpu.memory_space<vmem>> -> memref<128xi32, #tpu.memory_space<vmem>>
        %dma_start3A_26 = arith.constant 0 : i32
        %dma_start3A_27 = arith.constant 0 : i32
        %dma_start3A_28 = tpu.memref_slice %arg11[%dma_start3A_26, %dma_start3A_27] : memref<10240x128xf32, #tpu.memory_space<vmem_shared>> -> memref<10240x128xf32, #tpu.memory_space<vmem_shared>>
        tpu.enqueue_indirect_dma source(%arg9 : memref<128x128xf32, #tpu.memory_space<vmem>>) target(%dma_start3A_28 : memref<10240x128xf32, #tpu.memory_space<vmem_shared>>) offsets(%dma_start3A_25 : memref<128xi32, #tpu.memory_space<vmem>>) semaphore(%run_scoped3A : memref<!tpu.dma_semaphore, #tpu.memory_space<semaphore_mem>>) {add = true}
        %dma_wait3A_29 = arith.constant 0 : i32
        %dma_wait3A_30 = tpu.memref_slice %arg8[%scan3A_12, %dma_wait3A_29] : memref<79x128xi32, #tpu.memory_space<vmem>> -> memref<1x128xi32, #tpu.memory_space<vmem>>
        %dma_wait3A_31 = tpu.memref_squeeze %dma_wait3A_30 : memref<1x128xi32, #tpu.memory_space<vmem>> -> memref<128xi32, #tpu.memory_space<vmem>>
        %dma_wait3A_32 = arith.constant 0 : i32
        %dma_wait3A_33 = arith.constant 0 : i32
        %dma_wait3A_34 = tpu.memref_slice %arg11[%dma_wait3A_32, %dma_wait3A_33] : memref<10240x128xf32, #tpu.memory_space<vmem_shared>> -> memref<10240x128xf32, #tpu.memory_space<vmem_shared>>
        tpu.wait_indirect_dma semaphore(%run_scoped3A : memref<!tpu.dma_semaphore, #tpu.memory_space<semaphore_mem>>) src(%arg9 : memref<128x128xf32, #tpu.memory_space<vmem>>) dst(%dma_wait3A_34 : memref<10240x128xf32, #tpu.memory_space<vmem_shared>>)
        tpu.yield
      }) : () -> ()
    }
    %scan3A_7 = arith.constant 79 : i32
    %barrier3A_8 = arith.constant 0 : index
    tpu.barrier barrier_id(%barrier3A_8)
    %mul3A_9 = arith.constant 10240 : i32
    %mul3A_10 = arith.muli %arg0, %mul3A_9 : i32
    %add3A_11 = arith.addi %mul3A_10, %mul3A_2 : i32
    "tpu.region"() ({
      %run_scoped3A = tpu.sem_alloc : memref<!tpu.dma_semaphore, #tpu.memory_space<semaphore_mem>>
      %dma_start3A = arith.constant 0 : i32
      %dma_start3A_12 = tpu.memref_slice %arg6[%add3A_11, %dma_start3A] : memref<20480x128xf32, #tpu.memory_space<hbm>> -> memref<640x128xf32, #tpu.memory_space<hbm>>
      %dma_start3A_13 = arith.constant 0 : i32
      %dma_start3A_14 = tpu.memref_slice %arg11[%mul3A_2, %dma_start3A_13] : memref<10240x128xf32, #tpu.memory_space<vmem_shared>> -> memref<640x128xf32, #tpu.memory_space<vmem_shared>>
      tpu.enqueue_dma source(%dma_start3A_14 : memref<640x128xf32, #tpu.memory_space<vmem_shared>>) target(%dma_start3A_12 : memref<640x128xf32, #tpu.memory_space<hbm>>) target_semaphore(%run_scoped3A : memref<!tpu.dma_semaphore, #tpu.memory_space<semaphore_mem>>)
      %dma_wait3A = arith.constant 0 : i32
      %dma_wait3A_15 = tpu.memref_slice %arg6[%add3A_11, %dma_wait3A] : memref<20480x128xf32, #tpu.memory_space<hbm>> -> memref<640x128xf32, #tpu.memory_space<hbm>>
      %dma_wait3A_16 = arith.constant 0 : i32
      %dma_wait3A_17 = tpu.memref_slice %arg11[%mul3A_2, %dma_wait3A_16] : memref<10240x128xf32, #tpu.memory_space<vmem_shared>> -> memref<640x128xf32, #tpu.memory_space<vmem_shared>>
      tpu.wait_dma2 semaphore(%run_scoped3A : memref<!tpu.dma_semaphore, #tpu.memory_space<semaphore_mem>>) src(%dma_wait3A_17 : memref<640x128xf32, #tpu.memory_space<vmem_shared>>) dst(%dma_wait3A_15 : memref<640x128xf32, #tpu.memory_space<hbm>>)
      tpu.yield
    }) : () -> ()
    return
  }
}

#map = affine_map<(d0, d1) -> (0, 0)>
#map1 = affine_map<(d0, d1) -> (0, 0, 0)>
module attributes {stable_mosaic.version = 14 : i64} {
  func.func @_edge_pass(%arg0: i32, %arg1: i32, %arg2: memref<10240x128xf32, #tpu.memory_space<hbm>>, %arg3: memref<32x79x128xi32, #tpu.memory_space<hbm>>, %arg4: memref<32x79x128xi32, #tpu.memory_space<hbm>>, %arg5: memref<10240x128xf32, #tpu.memory_space<hbm>>, %arg6: memref<20480x128xf32, #tpu.memory_space<hbm>>, %arg7: memref<79x128xi32, #tpu.memory_space<vmem>>, %arg8: memref<79x128xi32, #tpu.memory_space<vmem>>, %arg9: memref<128x128xf32, #tpu.memory_space<vmem>>, %arg10: memref<!tpu.dma_semaphore, #tpu.memory_space<semaphore_mem>>, %arg11: memref<10240x128xf32, #tpu.memory_space<vmem_shared>>) attributes {dimension_semantics = [#tpu.dimension_semantics<core_parallel>, #tpu.dimension_semantics<subcore_parallel>], iteration_bounds = array<i64: 2, 16>, scalar_prefetch = 0 : i64, scratch_operands = 5 : i64, tpu.core_type = #tpu.core_type<sc_vector_subcore>, window_params = [{transform_indices = #map}, {transform_indices = #map1}, {transform_indices = #map1}, {transform_indices = #map}, {transform_indices = #map}]} {
    %mul3A = arith.constant 16 : i32
    %mul3A_0 = arith.muli %arg0, %mul3A : i32
    %add3A = arith.addi %mul3A_0, %arg1 : i32
    %mul3A_1 = arith.constant 640 : i32
    %mul3A_2 = arith.muli %arg1, %mul3A_1 : i32
    "tpu.region"() ({
      %run_scoped3A = tpu.sem_alloc : memref<!tpu.dma_semaphore, #tpu.memory_space<semaphore_mem>>
      %dma_start3A = arith.constant 0 : i32
      %dma_start3A_12 = tpu.memref_slice %arg11[%mul3A_2, %dma_start3A] : memref<10240x128xf32, #tpu.memory_space<vmem_shared>> -> memref<640x128xf32, #tpu.memory_space<vmem_shared>>
      %dma_start3A_13 = arith.constant 0 : i32
      %dma_start3A_14 = tpu.memref_slice %arg5[%mul3A_2, %dma_start3A_13] : memref<10240x128xf32, #tpu.memory_space<hbm>> -> memref<640x128xf32, #tpu.memory_space<hbm>>
      tpu.enqueue_dma source(%dma_start3A_14 : memref<640x128xf32, #tpu.memory_space<hbm>>) target(%dma_start3A_12 : memref<640x128xf32, #tpu.memory_space<vmem_shared>>) target_semaphore(%run_scoped3A : memref<!tpu.dma_semaphore, #tpu.memory_space<semaphore_mem>>)
      %dma_wait3A = arith.constant 0 : i32
      %dma_wait3A_15 = tpu.memref_slice %arg11[%mul3A_2, %dma_wait3A] : memref<10240x128xf32, #tpu.memory_space<vmem_shared>> -> memref<640x128xf32, #tpu.memory_space<vmem_shared>>
      %dma_wait3A_16 = arith.constant 0 : i32
      %dma_wait3A_17 = tpu.memref_slice %arg5[%mul3A_2, %dma_wait3A_16] : memref<10240x128xf32, #tpu.memory_space<hbm>> -> memref<640x128xf32, #tpu.memory_space<hbm>>
      tpu.wait_dma2 semaphore(%run_scoped3A : memref<!tpu.dma_semaphore, #tpu.memory_space<semaphore_mem>>) src(%dma_wait3A_17 : memref<640x128xf32, #tpu.memory_space<hbm>>) dst(%dma_wait3A_15 : memref<640x128xf32, #tpu.memory_space<vmem_shared>>)
      tpu.yield
    }) : () -> ()
    %barrier3A = arith.constant 0 : index
    tpu.barrier barrier_id(%barrier3A)
    "tpu.region"() ({
      %run_scoped3A = tpu.sem_alloc : memref<!tpu.dma_semaphore, #tpu.memory_space<semaphore_mem>>
      %dma_start3A = arith.constant 0 : i32
      %dma_start3A_12 = arith.constant 0 : i32
      %dma_start3A_13 = tpu.memref_slice %arg3[%add3A, %dma_start3A, %dma_start3A_12] : memref<32x79x128xi32, #tpu.memory_space<hbm>> -> memref<1x79x128xi32, #tpu.memory_space<hbm>>
      %dma_start3A_14 = tpu.memref_squeeze %dma_start3A_13 : memref<1x79x128xi32, #tpu.memory_space<hbm>> -> memref<79x128xi32, #tpu.memory_space<hbm>>
      %dma_start3A_15 = arith.constant 0 : i32
      %dma_start3A_16 = arith.constant 0 : i32
      %dma_start3A_17 = tpu.memref_slice %arg3[%add3A, %dma_start3A_15, %dma_start3A_16] : memref<32x79x128xi32, #tpu.memory_space<hbm>> -> memref<1x79x128xi32, #tpu.memory_space<hbm>>
      %dma_start3A_18 = tpu.memref_squeeze %dma_start3A_17 : memref<1x79x128xi32, #tpu.memory_space<hbm>> -> memref<79x128xi32, #tpu.memory_space<hbm>>
      tpu.enqueue_dma source(%dma_start3A_18 : memref<79x128xi32, #tpu.memory_space<hbm>>) target(%arg7 : memref<79x128xi32, #tpu.memory_space<vmem>>) target_semaphore(%run_scoped3A : memref<!tpu.dma_semaphore, #tpu.memory_space<semaphore_mem>>)
      %dma_wait3A = arith.constant 0 : i32
      %dma_wait3A_19 = arith.constant 0 : i32
      %dma_wait3A_20 = tpu.memref_slice %arg3[%add3A, %dma_wait3A, %dma_wait3A_19] : memref<32x79x128xi32, #tpu.memory_space<hbm>> -> memref<1x79x128xi32, #tpu.memory_space<hbm>>
      %dma_wait3A_21 = tpu.memref_squeeze %dma_wait3A_20 : memref<1x79x128xi32, #tpu.memory_space<hbm>> -> memref<79x128xi32, #tpu.memory_space<hbm>>
      %dma_wait3A_22 = arith.constant 0 : i32
      %dma_wait3A_23 = arith.constant 0 : i32
      %dma_wait3A_24 = tpu.memref_slice %arg3[%add3A, %dma_wait3A_22, %dma_wait3A_23] : memref<32x79x128xi32, #tpu.memory_space<hbm>> -> memref<1x79x128xi32, #tpu.memory_space<hbm>>
      %dma_wait3A_25 = tpu.memref_squeeze %dma_wait3A_24 : memref<1x79x128xi32, #tpu.memory_space<hbm>> -> memref<79x128xi32, #tpu.memory_space<hbm>>
      tpu.wait_dma2 semaphore(%run_scoped3A : memref<!tpu.dma_semaphore, #tpu.memory_space<semaphore_mem>>) src(%dma_wait3A_25 : memref<79x128xi32, #tpu.memory_space<hbm>>) dst(%arg7 : memref<79x128xi32, #tpu.memory_space<vmem>>)
      tpu.yield
    }) : () -> ()
    "tpu.region"() ({
      %run_scoped3A = tpu.sem_alloc : memref<!tpu.dma_semaphore, #tpu.memory_space<semaphore_mem>>
      %dma_start3A = arith.constant 0 : i32
      %dma_start3A_12 = arith.constant 0 : i32
      %dma_start3A_13 = tpu.memref_slice %arg4[%add3A, %dma_start3A, %dma_start3A_12] : memref<32x79x128xi32, #tpu.memory_space<hbm>> -> memref<1x79x128xi32, #tpu.memory_space<hbm>>
      %dma_start3A_14 = tpu.memref_squeeze %dma_start3A_13 : memref<1x79x128xi32, #tpu.memory_space<hbm>> -> memref<79x128xi32, #tpu.memory_space<hbm>>
      %dma_start3A_15 = arith.constant 0 : i32
      %dma_start3A_16 = arith.constant 0 : i32
      %dma_start3A_17 = tpu.memref_slice %arg4[%add3A, %dma_start3A_15, %dma_start3A_16] : memref<32x79x128xi32, #tpu.memory_space<hbm>> -> memref<1x79x128xi32, #tpu.memory_space<hbm>>
      %dma_start3A_18 = tpu.memref_squeeze %dma_start3A_17 : memref<1x79x128xi32, #tpu.memory_space<hbm>> -> memref<79x128xi32, #tpu.memory_space<hbm>>
      tpu.enqueue_dma source(%dma_start3A_18 : memref<79x128xi32, #tpu.memory_space<hbm>>) target(%arg8 : memref<79x128xi32, #tpu.memory_space<vmem>>) target_semaphore(%run_scoped3A : memref<!tpu.dma_semaphore, #tpu.memory_space<semaphore_mem>>)
      %dma_wait3A = arith.constant 0 : i32
      %dma_wait3A_19 = arith.constant 0 : i32
      %dma_wait3A_20 = tpu.memref_slice %arg4[%add3A, %dma_wait3A, %dma_wait3A_19] : memref<32x79x128xi32, #tpu.memory_space<hbm>> -> memref<1x79x128xi32, #tpu.memory_space<hbm>>
      %dma_wait3A_21 = tpu.memref_squeeze %dma_wait3A_20 : memref<1x79x128xi32, #tpu.memory_space<hbm>> -> memref<79x128xi32, #tpu.memory_space<hbm>>
      %dma_wait3A_22 = arith.constant 0 : i32
      %dma_wait3A_23 = arith.constant 0 : i32
      %dma_wait3A_24 = tpu.memref_slice %arg4[%add3A, %dma_wait3A_22, %dma_wait3A_23] : memref<32x79x128xi32, #tpu.memory_space<hbm>> -> memref<1x79x128xi32, #tpu.memory_space<hbm>>
      %dma_wait3A_25 = tpu.memref_squeeze %dma_wait3A_24 : memref<1x79x128xi32, #tpu.memory_space<hbm>> -> memref<79x128xi32, #tpu.memory_space<hbm>>
      tpu.wait_dma2 semaphore(%run_scoped3A : memref<!tpu.dma_semaphore, #tpu.memory_space<semaphore_mem>>) src(%dma_wait3A_25 : memref<79x128xi32, #tpu.memory_space<hbm>>) dst(%arg8 : memref<79x128xi32, #tpu.memory_space<vmem>>)
      tpu.yield
    }) : () -> ()
    %scan3A = arith.constant 0 : i32
    %scan3A_3 = arith.constant 0 : i32
    %scan3A_4 = arith.constant 79 : i32
    %scan3A_5 = arith.addi %scan3A_3, %scan3A_4 : i32
    %scan3A_6 = arith.constant 1 : i32
    scf.for %scan3A_12 = %scan3A_3 to %scan3A_5 step %scan3A_6  : i32 {
      %dma_start3A = arith.constant 0 : i32
      %dma_start3A_13 = tpu.memref_slice %arg7[%scan3A_12, %dma_start3A] : memref<79x128xi32, #tpu.memory_space<vmem>> -> memref<1x128xi32, #tpu.memory_space<vmem>>
      %dma_start3A_14 = tpu.memref_squeeze %dma_start3A_13 : memref<1x128xi32, #tpu.memory_space<vmem>> -> memref<128xi32, #tpu.memory_space<vmem>>
      %dma_start3A_15 = arith.constant 0 : i32
      %dma_start3A_16 = arith.constant 0 : i32
      %dma_start3A_17 = tpu.memref_slice %arg2[%dma_start3A_15, %dma_start3A_16] : memref<10240x128xf32, #tpu.memory_space<hbm>> -> memref<10240x128xf32, #tpu.memory_space<hbm>>
      tpu.enqueue_indirect_dma source(%dma_start3A_17 : memref<10240x128xf32, #tpu.memory_space<hbm>>) target(%arg9 : memref<128x128xf32, #tpu.memory_space<vmem>>) offsets(%dma_start3A_14 : memref<128xi32, #tpu.memory_space<vmem>>) semaphore(%arg10 : memref<!tpu.dma_semaphore, #tpu.memory_space<semaphore_mem>>)
      %dma_wait3A = arith.constant 0 : i32
      %dma_wait3A_18 = tpu.memref_slice %arg7[%scan3A_12, %dma_wait3A] : memref<79x128xi32, #tpu.memory_space<vmem>> -> memref<1x128xi32, #tpu.memory_space<vmem>>
      %dma_wait3A_19 = tpu.memref_squeeze %dma_wait3A_18 : memref<1x128xi32, #tpu.memory_space<vmem>> -> memref<128xi32, #tpu.memory_space<vmem>>
      %dma_wait3A_20 = arith.constant 0 : i32
      %dma_wait3A_21 = arith.constant 0 : i32
      %dma_wait3A_22 = tpu.memref_slice %arg2[%dma_wait3A_20, %dma_wait3A_21] : memref<10240x128xf32, #tpu.memory_space<hbm>> -> memref<10240x128xf32, #tpu.memory_space<hbm>>
      tpu.wait_indirect_dma semaphore(%arg10 : memref<!tpu.dma_semaphore, #tpu.memory_space<semaphore_mem>>) src(%dma_wait3A_22 : memref<10240x128xf32, #tpu.memory_space<hbm>>) dst(%arg9 : memref<128x128xf32, #tpu.memory_space<vmem>>)
      "tpu.region"() ({
        %run_scoped3A = tpu.sem_alloc : memref<!tpu.dma_semaphore, #tpu.memory_space<semaphore_mem>>
        %dma_start3A_23 = arith.constant 0 : i32
        %dma_start3A_24 = tpu.memref_slice %arg8[%scan3A_12, %dma_start3A_23] : memref<79x128xi32, #tpu.memory_space<vmem>> -> memref<1x128xi32, #tpu.memory_space<vmem>>
        %dma_start3A_25 = tpu.memref_squeeze %dma_start3A_24 : memref<1x128xi32, #tpu.memory_space<vmem>> -> memref<128xi32, #tpu.memory_space<vmem>>
        %dma_start3A_26 = arith.constant 0 : i32
        %dma_start3A_27 = arith.constant 0 : i32
        %dma_start3A_28 = tpu.memref_slice %arg11[%dma_start3A_26, %dma_start3A_27] : memref<10240x128xf32, #tpu.memory_space<vmem_shared>> -> memref<10240x128xf32, #tpu.memory_space<vmem_shared>>
        tpu.enqueue_indirect_dma source(%arg9 : memref<128x128xf32, #tpu.memory_space<vmem>>) target(%dma_start3A_28 : memref<10240x128xf32, #tpu.memory_space<vmem_shared>>) offsets(%dma_start3A_25 : memref<128xi32, #tpu.memory_space<vmem>>) semaphore(%run_scoped3A : memref<!tpu.dma_semaphore, #tpu.memory_space<semaphore_mem>>) {add = true}
        %dma_wait3A_29 = arith.constant 0 : i32
        %dma_wait3A_30 = tpu.memref_slice %arg8[%scan3A_12, %dma_wait3A_29] : memref<79x128xi32, #tpu.memory_space<vmem>> -> memref<1x128xi32, #tpu.memory_space<vmem>>
        %dma_wait3A_31 = tpu.memref_squeeze %dma_wait3A_30 : memref<1x128xi32, #tpu.memory_space<vmem>> -> memref<128xi32, #tpu.memory_space<vmem>>
        %dma_wait3A_32 = arith.constant 0 : i32
        %dma_wait3A_33 = arith.constant 0 : i32
        %dma_wait3A_34 = tpu.memref_slice %arg11[%dma_wait3A_32, %dma_wait3A_33] : memref<10240x128xf32, #tpu.memory_space<vmem_shared>> -> memref<10240x128xf32, #tpu.memory_space<vmem_shared>>
        tpu.wait_indirect_dma semaphore(%run_scoped3A : memref<!tpu.dma_semaphore, #tpu.memory_space<semaphore_mem>>) src(%arg9 : memref<128x128xf32, #tpu.memory_space<vmem>>) dst(%dma_wait3A_34 : memref<10240x128xf32, #tpu.memory_space<vmem_shared>>)
        tpu.yield
      }) : () -> ()
    }
    %scan3A_7 = arith.constant 79 : i32
    %barrier3A_8 = arith.constant 0 : index
    tpu.barrier barrier_id(%barrier3A_8)
    %mul3A_9 = arith.constant 10240 : i32
    %mul3A_10 = arith.muli %arg0, %mul3A_9 : i32
    %add3A_11 = arith.addi %mul3A_10, %mul3A_2 : i32
    "tpu.region"() ({
      %run_scoped3A = tpu.sem_alloc : memref<!tpu.dma_semaphore, #tpu.memory_space<semaphore_mem>>
      %dma_start3A = arith.constant 0 : i32
      %dma_start3A_12 = tpu.memref_slice %arg6[%add3A_11, %dma_start3A] : memref<20480x128xf32, #tpu.memory_space<hbm>> -> memref<640x128xf32, #tpu.memory_space<hbm>>
      %dma_start3A_13 = arith.constant 0 : i32
      %dma_start3A_14 = tpu.memref_slice %arg11[%mul3A_2, %dma_start3A_13] : memref<10240x128xf32, #tpu.memory_space<vmem_shared>> -> memref<640x128xf32, #tpu.memory_space<vmem_shared>>
      tpu.enqueue_dma source(%dma_start3A_14 : memref<640x128xf32, #tpu.memory_space<vmem_shared>>) target(%dma_start3A_12 : memref<640x128xf32, #tpu.memory_space<hbm>>) target_semaphore(%run_scoped3A : memref<!tpu.dma_semaphore, #tpu.memory_space<semaphore_mem>>)
      %dma_wait3A = arith.constant 0 : i32
      %dma_wait3A_15 = tpu.memref_slice %arg6[%add3A_11, %dma_wait3A] : memref<20480x128xf32, #tpu.memory_space<hbm>> -> memref<640x128xf32, #tpu.memory_space<hbm>>
      %dma_wait3A_16 = arith.constant 0 : i32
      %dma_wait3A_17 = tpu.memref_slice %arg11[%mul3A_2, %dma_wait3A_16] : memref<10240x128xf32, #tpu.memory_space<vmem_shared>> -> memref<640x128xf32, #tpu.memory_space<vmem_shared>>
      tpu.wait_dma2 semaphore(%run_scoped3A : memref<!tpu.dma_semaphore, #tpu.memory_space<semaphore_mem>>) src(%dma_wait3A_17 : memref<640x128xf32, #tpu.memory_space<vmem_shared>>) dst(%dma_wait3A_15 : memref<640x128xf32, #tpu.memory_space<hbm>>)
      tpu.yield
    }) : () -> ()
    return
  }
}

#map = affine_map<(d0, d1) -> (0, 0)>
#map1 = affine_map<(d0, d1) -> (0, 0, 0)>
module attributes {stable_mosaic.version = 14 : i64} {
  func.func @_edge_pass(%arg0: i32, %arg1: i32, %arg2: memref<10240x128xf32, #tpu.memory_space<hbm>>, %arg3: memref<32x79x128xi32, #tpu.memory_space<hbm>>, %arg4: memref<32x79x128xi32, #tpu.memory_space<hbm>>, %arg5: memref<10240x128xf32, #tpu.memory_space<hbm>>, %arg6: memref<20480x128xf32, #tpu.memory_space<hbm>>, %arg7: memref<79x128xi32, #tpu.memory_space<vmem>>, %arg8: memref<79x128xi32, #tpu.memory_space<vmem>>, %arg9: memref<128x128xf32, #tpu.memory_space<vmem>>, %arg10: memref<!tpu.dma_semaphore, #tpu.memory_space<semaphore_mem>>, %arg11: memref<10240x128xf32, #tpu.memory_space<vmem_shared>>) attributes {dimension_semantics = [#tpu.dimension_semantics<core_parallel>, #tpu.dimension_semantics<subcore_parallel>], iteration_bounds = array<i64: 2, 16>, scalar_prefetch = 0 : i64, scratch_operands = 5 : i64, tpu.core_type = #tpu.core_type<sc_vector_subcore>, window_params = [{transform_indices = #map}, {transform_indices = #map1}, {transform_indices = #map1}, {transform_indices = #map}, {transform_indices = #map}]} {
    %mul3A = arith.constant 16 : i32
    %mul3A_0 = arith.muli %arg0, %mul3A : i32
    %add3A = arith.addi %mul3A_0, %arg1 : i32
    %mul3A_1 = arith.constant 640 : i32
    %mul3A_2 = arith.muli %arg1, %mul3A_1 : i32
    "tpu.region"() ({
      %run_scoped3A = tpu.sem_alloc : memref<!tpu.dma_semaphore, #tpu.memory_space<semaphore_mem>>
      %dma_start3A = arith.constant 0 : i32
      %dma_start3A_12 = tpu.memref_slice %arg11[%mul3A_2, %dma_start3A] : memref<10240x128xf32, #tpu.memory_space<vmem_shared>> -> memref<640x128xf32, #tpu.memory_space<vmem_shared>>
      %dma_start3A_13 = arith.constant 0 : i32
      %dma_start3A_14 = tpu.memref_slice %arg5[%mul3A_2, %dma_start3A_13] : memref<10240x128xf32, #tpu.memory_space<hbm>> -> memref<640x128xf32, #tpu.memory_space<hbm>>
      tpu.enqueue_dma source(%dma_start3A_14 : memref<640x128xf32, #tpu.memory_space<hbm>>) target(%dma_start3A_12 : memref<640x128xf32, #tpu.memory_space<vmem_shared>>) target_semaphore(%run_scoped3A : memref<!tpu.dma_semaphore, #tpu.memory_space<semaphore_mem>>)
      %dma_wait3A = arith.constant 0 : i32
      %dma_wait3A_15 = tpu.memref_slice %arg11[%mul3A_2, %dma_wait3A] : memref<10240x128xf32, #tpu.memory_space<vmem_shared>> -> memref<640x128xf32, #tpu.memory_space<vmem_shared>>
      %dma_wait3A_16 = arith.constant 0 : i32
      %dma_wait3A_17 = tpu.memref_slice %arg5[%mul3A_2, %dma_wait3A_16] : memref<10240x128xf32, #tpu.memory_space<hbm>> -> memref<640x128xf32, #tpu.memory_space<hbm>>
      tpu.wait_dma2 semaphore(%run_scoped3A : memref<!tpu.dma_semaphore, #tpu.memory_space<semaphore_mem>>) src(%dma_wait3A_17 : memref<640x128xf32, #tpu.memory_space<hbm>>) dst(%dma_wait3A_15 : memref<640x128xf32, #tpu.memory_space<vmem_shared>>)
      tpu.yield
    }) : () -> ()
    %barrier3A = arith.constant 0 : index
    tpu.barrier barrier_id(%barrier3A)
    "tpu.region"() ({
      %run_scoped3A = tpu.sem_alloc : memref<!tpu.dma_semaphore, #tpu.memory_space<semaphore_mem>>
      %dma_start3A = arith.constant 0 : i32
      %dma_start3A_12 = arith.constant 0 : i32
      %dma_start3A_13 = tpu.memref_slice %arg3[%add3A, %dma_start3A, %dma_start3A_12] : memref<32x79x128xi32, #tpu.memory_space<hbm>> -> memref<1x79x128xi32, #tpu.memory_space<hbm>>
      %dma_start3A_14 = tpu.memref_squeeze %dma_start3A_13 : memref<1x79x128xi32, #tpu.memory_space<hbm>> -> memref<79x128xi32, #tpu.memory_space<hbm>>
      %dma_start3A_15 = arith.constant 0 : i32
      %dma_start3A_16 = arith.constant 0 : i32
      %dma_start3A_17 = tpu.memref_slice %arg3[%add3A, %dma_start3A_15, %dma_start3A_16] : memref<32x79x128xi32, #tpu.memory_space<hbm>> -> memref<1x79x128xi32, #tpu.memory_space<hbm>>
      %dma_start3A_18 = tpu.memref_squeeze %dma_start3A_17 : memref<1x79x128xi32, #tpu.memory_space<hbm>> -> memref<79x128xi32, #tpu.memory_space<hbm>>
      tpu.enqueue_dma source(%dma_start3A_18 : memref<79x128xi32, #tpu.memory_space<hbm>>) target(%arg7 : memref<79x128xi32, #tpu.memory_space<vmem>>) target_semaphore(%run_scoped3A : memref<!tpu.dma_semaphore, #tpu.memory_space<semaphore_mem>>)
      %dma_wait3A = arith.constant 0 : i32
      %dma_wait3A_19 = arith.constant 0 : i32
      %dma_wait3A_20 = tpu.memref_slice %arg3[%add3A, %dma_wait3A, %dma_wait3A_19] : memref<32x79x128xi32, #tpu.memory_space<hbm>> -> memref<1x79x128xi32, #tpu.memory_space<hbm>>
      %dma_wait3A_21 = tpu.memref_squeeze %dma_wait3A_20 : memref<1x79x128xi32, #tpu.memory_space<hbm>> -> memref<79x128xi32, #tpu.memory_space<hbm>>
      %dma_wait3A_22 = arith.constant 0 : i32
      %dma_wait3A_23 = arith.constant 0 : i32
      %dma_wait3A_24 = tpu.memref_slice %arg3[%add3A, %dma_wait3A_22, %dma_wait3A_23] : memref<32x79x128xi32, #tpu.memory_space<hbm>> -> memref<1x79x128xi32, #tpu.memory_space<hbm>>
      %dma_wait3A_25 = tpu.memref_squeeze %dma_wait3A_24 : memref<1x79x128xi32, #tpu.memory_space<hbm>> -> memref<79x128xi32, #tpu.memory_space<hbm>>
      tpu.wait_dma2 semaphore(%run_scoped3A : memref<!tpu.dma_semaphore, #tpu.memory_space<semaphore_mem>>) src(%dma_wait3A_25 : memref<79x128xi32, #tpu.memory_space<hbm>>) dst(%arg7 : memref<79x128xi32, #tpu.memory_space<vmem>>)
      tpu.yield
    }) : () -> ()
    "tpu.region"() ({
      %run_scoped3A = tpu.sem_alloc : memref<!tpu.dma_semaphore, #tpu.memory_space<semaphore_mem>>
      %dma_start3A = arith.constant 0 : i32
      %dma_start3A_12 = arith.constant 0 : i32
      %dma_start3A_13 = tpu.memref_slice %arg4[%add3A, %dma_start3A, %dma_start3A_12] : memref<32x79x128xi32, #tpu.memory_space<hbm>> -> memref<1x79x128xi32, #tpu.memory_space<hbm>>
      %dma_start3A_14 = tpu.memref_squeeze %dma_start3A_13 : memref<1x79x128xi32, #tpu.memory_space<hbm>> -> memref<79x128xi32, #tpu.memory_space<hbm>>
      %dma_start3A_15 = arith.constant 0 : i32
      %dma_start3A_16 = arith.constant 0 : i32
      %dma_start3A_17 = tpu.memref_slice %arg4[%add3A, %dma_start3A_15, %dma_start3A_16] : memref<32x79x128xi32, #tpu.memory_space<hbm>> -> memref<1x79x128xi32, #tpu.memory_space<hbm>>
      %dma_start3A_18 = tpu.memref_squeeze %dma_start3A_17 : memref<1x79x128xi32, #tpu.memory_space<hbm>> -> memref<79x128xi32, #tpu.memory_space<hbm>>
      tpu.enqueue_dma source(%dma_start3A_18 : memref<79x128xi32, #tpu.memory_space<hbm>>) target(%arg8 : memref<79x128xi32, #tpu.memory_space<vmem>>) target_semaphore(%run_scoped3A : memref<!tpu.dma_semaphore, #tpu.memory_space<semaphore_mem>>)
      %dma_wait3A = arith.constant 0 : i32
      %dma_wait3A_19 = arith.constant 0 : i32
      %dma_wait3A_20 = tpu.memref_slice %arg4[%add3A, %dma_wait3A, %dma_wait3A_19] : memref<32x79x128xi32, #tpu.memory_space<hbm>> -> memref<1x79x128xi32, #tpu.memory_space<hbm>>
      %dma_wait3A_21 = tpu.memref_squeeze %dma_wait3A_20 : memref<1x79x128xi32, #tpu.memory_space<hbm>> -> memref<79x128xi32, #tpu.memory_space<hbm>>
      %dma_wait3A_22 = arith.constant 0 : i32
      %dma_wait3A_23 = arith.constant 0 : i32
      %dma_wait3A_24 = tpu.memref_slice %arg4[%add3A, %dma_wait3A_22, %dma_wait3A_23] : memref<32x79x128xi32, #tpu.memory_space<hbm>> -> memref<1x79x128xi32, #tpu.memory_space<hbm>>
      %dma_wait3A_25 = tpu.memref_squeeze %dma_wait3A_24 : memref<1x79x128xi32, #tpu.memory_space<hbm>> -> memref<79x128xi32, #tpu.memory_space<hbm>>
      tpu.wait_dma2 semaphore(%run_scoped3A : memref<!tpu.dma_semaphore, #tpu.memory_space<semaphore_mem>>) src(%dma_wait3A_25 : memref<79x128xi32, #tpu.memory_space<hbm>>) dst(%arg8 : memref<79x128xi32, #tpu.memory_space<vmem>>)
      tpu.yield
    }) : () -> ()
    %scan3A = arith.constant 0 : i32
    %scan3A_3 = arith.constant 0 : i32
    %scan3A_4 = arith.constant 79 : i32
    %scan3A_5 = arith.addi %scan3A_3, %scan3A_4 : i32
    %scan3A_6 = arith.constant 1 : i32
    scf.for %scan3A_12 = %scan3A_3 to %scan3A_5 step %scan3A_6  : i32 {
      %dma_start3A = arith.constant 0 : i32
      %dma_start3A_13 = tpu.memref_slice %arg7[%scan3A_12, %dma_start3A] : memref<79x128xi32, #tpu.memory_space<vmem>> -> memref<1x128xi32, #tpu.memory_space<vmem>>
      %dma_start3A_14 = tpu.memref_squeeze %dma_start3A_13 : memref<1x128xi32, #tpu.memory_space<vmem>> -> memref<128xi32, #tpu.memory_space<vmem>>
      %dma_start3A_15 = arith.constant 0 : i32
      %dma_start3A_16 = arith.constant 0 : i32
      %dma_start3A_17 = tpu.memref_slice %arg2[%dma_start3A_15, %dma_start3A_16] : memref<10240x128xf32, #tpu.memory_space<hbm>> -> memref<10240x128xf32, #tpu.memory_space<hbm>>
      tpu.enqueue_indirect_dma source(%dma_start3A_17 : memref<10240x128xf32, #tpu.memory_space<hbm>>) target(%arg9 : memref<128x128xf32, #tpu.memory_space<vmem>>) offsets(%dma_start3A_14 : memref<128xi32, #tpu.memory_space<vmem>>) semaphore(%arg10 : memref<!tpu.dma_semaphore, #tpu.memory_space<semaphore_mem>>)
      %dma_wait3A = arith.constant 0 : i32
      %dma_wait3A_18 = tpu.memref_slice %arg7[%scan3A_12, %dma_wait3A] : memref<79x128xi32, #tpu.memory_space<vmem>> -> memref<1x128xi32, #tpu.memory_space<vmem>>
      %dma_wait3A_19 = tpu.memref_squeeze %dma_wait3A_18 : memref<1x128xi32, #tpu.memory_space<vmem>> -> memref<128xi32, #tpu.memory_space<vmem>>
      %dma_wait3A_20 = arith.constant 0 : i32
      %dma_wait3A_21 = arith.constant 0 : i32
      %dma_wait3A_22 = tpu.memref_slice %arg2[%dma_wait3A_20, %dma_wait3A_21] : memref<10240x128xf32, #tpu.memory_space<hbm>> -> memref<10240x128xf32, #tpu.memory_space<hbm>>
      tpu.wait_indirect_dma semaphore(%arg10 : memref<!tpu.dma_semaphore, #tpu.memory_space<semaphore_mem>>) src(%dma_wait3A_22 : memref<10240x128xf32, #tpu.memory_space<hbm>>) dst(%arg9 : memref<128x128xf32, #tpu.memory_space<vmem>>)
      "tpu.region"() ({
        %run_scoped3A = tpu.sem_alloc : memref<!tpu.dma_semaphore, #tpu.memory_space<semaphore_mem>>
        %dma_start3A_23 = arith.constant 0 : i32
        %dma_start3A_24 = tpu.memref_slice %arg8[%scan3A_12, %dma_start3A_23] : memref<79x128xi32, #tpu.memory_space<vmem>> -> memref<1x128xi32, #tpu.memory_space<vmem>>
        %dma_start3A_25 = tpu.memref_squeeze %dma_start3A_24 : memref<1x128xi32, #tpu.memory_space<vmem>> -> memref<128xi32, #tpu.memory_space<vmem>>
        %dma_start3A_26 = arith.constant 0 : i32
        %dma_start3A_27 = arith.constant 0 : i32
        %dma_start3A_28 = tpu.memref_slice %arg11[%dma_start3A_26, %dma_start3A_27] : memref<10240x128xf32, #tpu.memory_space<vmem_shared>> -> memref<10240x128xf32, #tpu.memory_space<vmem_shared>>
        tpu.enqueue_indirect_dma source(%arg9 : memref<128x128xf32, #tpu.memory_space<vmem>>) target(%dma_start3A_28 : memref<10240x128xf32, #tpu.memory_space<vmem_shared>>) offsets(%dma_start3A_25 : memref<128xi32, #tpu.memory_space<vmem>>) semaphore(%run_scoped3A : memref<!tpu.dma_semaphore, #tpu.memory_space<semaphore_mem>>) {add = true}
        %dma_wait3A_29 = arith.constant 0 : i32
        %dma_wait3A_30 = tpu.memref_slice %arg8[%scan3A_12, %dma_wait3A_29] : memref<79x128xi32, #tpu.memory_space<vmem>> -> memref<1x128xi32, #tpu.memory_space<vmem>>
        %dma_wait3A_31 = tpu.memref_squeeze %dma_wait3A_30 : memref<1x128xi32, #tpu.memory_space<vmem>> -> memref<128xi32, #tpu.memory_space<vmem>>
        %dma_wait3A_32 = arith.constant 0 : i32
        %dma_wait3A_33 = arith.constant 0 : i32
        %dma_wait3A_34 = tpu.memref_slice %arg11[%dma_wait3A_32, %dma_wait3A_33] : memref<10240x128xf32, #tpu.memory_space<vmem_shared>> -> memref<10240x128xf32, #tpu.memory_space<vmem_shared>>
        tpu.wait_indirect_dma semaphore(%run_scoped3A : memref<!tpu.dma_semaphore, #tpu.memory_space<semaphore_mem>>) src(%arg9 : memref<128x128xf32, #tpu.memory_space<vmem>>) dst(%dma_wait3A_34 : memref<10240x128xf32, #tpu.memory_space<vmem_shared>>)
        tpu.yield
      }) : () -> ()
    }
    %scan3A_7 = arith.constant 79 : i32
    %barrier3A_8 = arith.constant 0 : index
    tpu.barrier barrier_id(%barrier3A_8)
    %mul3A_9 = arith.constant 10240 : i32
    %mul3A_10 = arith.muli %arg0, %mul3A_9 : i32
    %add3A_11 = arith.addi %mul3A_10, %mul3A_2 : i32
    "tpu.region"() ({
      %run_scoped3A = tpu.sem_alloc : memref<!tpu.dma_semaphore, #tpu.memory_space<semaphore_mem>>
      %dma_start3A = arith.constant 0 : i32
      %dma_start3A_12 = tpu.memref_slice %arg6[%add3A_11, %dma_start3A] : memref<20480x128xf32, #tpu.memory_space<hbm>> -> memref<640x128xf32, #tpu.memory_space<hbm>>
      %dma_start3A_13 = arith.constant 0 : i32
      %dma_start3A_14 = tpu.memref_slice %arg11[%mul3A_2, %dma_start3A_13] : memref<10240x128xf32, #tpu.memory_space<vmem_shared>> -> memref<640x128xf32, #tpu.memory_space<vmem_shared>>
      tpu.enqueue_dma source(%dma_start3A_14 : memref<640x128xf32, #tpu.memory_space<vmem_shared>>) target(%dma_start3A_12 : memref<640x128xf32, #tpu.memory_space<hbm>>) target_semaphore(%run_scoped3A : memref<!tpu.dma_semaphore, #tpu.memory_space<semaphore_mem>>)
      %dma_wait3A = arith.constant 0 : i32
      %dma_wait3A_15 = tpu.memref_slice %arg6[%add3A_11, %dma_wait3A] : memref<20480x128xf32, #tpu.memory_space<hbm>> -> memref<640x128xf32, #tpu.memory_space<hbm>>
      %dma_wait3A_16 = arith.constant 0 : i32
      %dma_wait3A_17 = tpu.memref_slice %arg11[%mul3A_2, %dma_wait3A_16] : memref<10240x128xf32, #tpu.memory_space<vmem_shared>> -> memref<640x128xf32, #tpu.memory_space<vmem_shared>>
      tpu.wait_dma2 semaphore(%run_scoped3A : memref<!tpu.dma_semaphore, #tpu.memory_space<semaphore_mem>>) src(%dma_wait3A_17 : memref<640x128xf32, #tpu.memory_space<vmem_shared>>) dst(%dma_wait3A_15 : memref<640x128xf32, #tpu.memory_space<hbm>>)
      tpu.yield
    }) : () -> ()
    return
  }
}

#map = affine_map<(d0, d1) -> (0, 0)>
#map1 = affine_map<(d0, d1) -> (0, 0, 0)>
module attributes {stable_mosaic.version = 14 : i64} {
  func.func @_edge_pass(%arg0: i32, %arg1: i32, %arg2: memref<10240x128xf32, #tpu.memory_space<hbm>>, %arg3: memref<32x79x128xi32, #tpu.memory_space<hbm>>, %arg4: memref<32x79x128xi32, #tpu.memory_space<hbm>>, %arg5: memref<10240x128xf32, #tpu.memory_space<hbm>>, %arg6: memref<20480x128xf32, #tpu.memory_space<hbm>>, %arg7: memref<79x128xi32, #tpu.memory_space<vmem>>, %arg8: memref<79x128xi32, #tpu.memory_space<vmem>>, %arg9: memref<128x128xf32, #tpu.memory_space<vmem>>, %arg10: memref<!tpu.dma_semaphore, #tpu.memory_space<semaphore_mem>>, %arg11: memref<10240x128xf32, #tpu.memory_space<vmem_shared>>) attributes {dimension_semantics = [#tpu.dimension_semantics<core_parallel>, #tpu.dimension_semantics<subcore_parallel>], iteration_bounds = array<i64: 2, 16>, scalar_prefetch = 0 : i64, scratch_operands = 5 : i64, tpu.core_type = #tpu.core_type<sc_vector_subcore>, window_params = [{transform_indices = #map}, {transform_indices = #map1}, {transform_indices = #map1}, {transform_indices = #map}, {transform_indices = #map}]} {
    %mul3A = arith.constant 16 : i32
    %mul3A_0 = arith.muli %arg0, %mul3A : i32
    %add3A = arith.addi %mul3A_0, %arg1 : i32
    %mul3A_1 = arith.constant 640 : i32
    %mul3A_2 = arith.muli %arg1, %mul3A_1 : i32
    "tpu.region"() ({
      %run_scoped3A = tpu.sem_alloc : memref<!tpu.dma_semaphore, #tpu.memory_space<semaphore_mem>>
      %dma_start3A = arith.constant 0 : i32
      %dma_start3A_12 = tpu.memref_slice %arg11[%mul3A_2, %dma_start3A] : memref<10240x128xf32, #tpu.memory_space<vmem_shared>> -> memref<640x128xf32, #tpu.memory_space<vmem_shared>>
      %dma_start3A_13 = arith.constant 0 : i32
      %dma_start3A_14 = tpu.memref_slice %arg5[%mul3A_2, %dma_start3A_13] : memref<10240x128xf32, #tpu.memory_space<hbm>> -> memref<640x128xf32, #tpu.memory_space<hbm>>
      tpu.enqueue_dma source(%dma_start3A_14 : memref<640x128xf32, #tpu.memory_space<hbm>>) target(%dma_start3A_12 : memref<640x128xf32, #tpu.memory_space<vmem_shared>>) target_semaphore(%run_scoped3A : memref<!tpu.dma_semaphore, #tpu.memory_space<semaphore_mem>>)
      %dma_wait3A = arith.constant 0 : i32
      %dma_wait3A_15 = tpu.memref_slice %arg11[%mul3A_2, %dma_wait3A] : memref<10240x128xf32, #tpu.memory_space<vmem_shared>> -> memref<640x128xf32, #tpu.memory_space<vmem_shared>>
      %dma_wait3A_16 = arith.constant 0 : i32
      %dma_wait3A_17 = tpu.memref_slice %arg5[%mul3A_2, %dma_wait3A_16] : memref<10240x128xf32, #tpu.memory_space<hbm>> -> memref<640x128xf32, #tpu.memory_space<hbm>>
      tpu.wait_dma2 semaphore(%run_scoped3A : memref<!tpu.dma_semaphore, #tpu.memory_space<semaphore_mem>>) src(%dma_wait3A_17 : memref<640x128xf32, #tpu.memory_space<hbm>>) dst(%dma_wait3A_15 : memref<640x128xf32, #tpu.memory_space<vmem_shared>>)
      tpu.yield
    }) : () -> ()
    %barrier3A = arith.constant 0 : index
    tpu.barrier barrier_id(%barrier3A)
    "tpu.region"() ({
      %run_scoped3A = tpu.sem_alloc : memref<!tpu.dma_semaphore, #tpu.memory_space<semaphore_mem>>
      %dma_start3A = arith.constant 0 : i32
      %dma_start3A_12 = arith.constant 0 : i32
      %dma_start3A_13 = tpu.memref_slice %arg3[%add3A, %dma_start3A, %dma_start3A_12] : memref<32x79x128xi32, #tpu.memory_space<hbm>> -> memref<1x79x128xi32, #tpu.memory_space<hbm>>
      %dma_start3A_14 = tpu.memref_squeeze %dma_start3A_13 : memref<1x79x128xi32, #tpu.memory_space<hbm>> -> memref<79x128xi32, #tpu.memory_space<hbm>>
      %dma_start3A_15 = arith.constant 0 : i32
      %dma_start3A_16 = arith.constant 0 : i32
      %dma_start3A_17 = tpu.memref_slice %arg3[%add3A, %dma_start3A_15, %dma_start3A_16] : memref<32x79x128xi32, #tpu.memory_space<hbm>> -> memref<1x79x128xi32, #tpu.memory_space<hbm>>
      %dma_start3A_18 = tpu.memref_squeeze %dma_start3A_17 : memref<1x79x128xi32, #tpu.memory_space<hbm>> -> memref<79x128xi32, #tpu.memory_space<hbm>>
      tpu.enqueue_dma source(%dma_start3A_18 : memref<79x128xi32, #tpu.memory_space<hbm>>) target(%arg7 : memref<79x128xi32, #tpu.memory_space<vmem>>) target_semaphore(%run_scoped3A : memref<!tpu.dma_semaphore, #tpu.memory_space<semaphore_mem>>)
      %dma_wait3A = arith.constant 0 : i32
      %dma_wait3A_19 = arith.constant 0 : i32
      %dma_wait3A_20 = tpu.memref_slice %arg3[%add3A, %dma_wait3A, %dma_wait3A_19] : memref<32x79x128xi32, #tpu.memory_space<hbm>> -> memref<1x79x128xi32, #tpu.memory_space<hbm>>
      %dma_wait3A_21 = tpu.memref_squeeze %dma_wait3A_20 : memref<1x79x128xi32, #tpu.memory_space<hbm>> -> memref<79x128xi32, #tpu.memory_space<hbm>>
      %dma_wait3A_22 = arith.constant 0 : i32
      %dma_wait3A_23 = arith.constant 0 : i32
      %dma_wait3A_24 = tpu.memref_slice %arg3[%add3A, %dma_wait3A_22, %dma_wait3A_23] : memref<32x79x128xi32, #tpu.memory_space<hbm>> -> memref<1x79x128xi32, #tpu.memory_space<hbm>>
      %dma_wait3A_25 = tpu.memref_squeeze %dma_wait3A_24 : memref<1x79x128xi32, #tpu.memory_space<hbm>> -> memref<79x128xi32, #tpu.memory_space<hbm>>
      tpu.wait_dma2 semaphore(%run_scoped3A : memref<!tpu.dma_semaphore, #tpu.memory_space<semaphore_mem>>) src(%dma_wait3A_25 : memref<79x128xi32, #tpu.memory_space<hbm>>) dst(%arg7 : memref<79x128xi32, #tpu.memory_space<vmem>>)
      tpu.yield
    }) : () -> ()
    "tpu.region"() ({
      %run_scoped3A = tpu.sem_alloc : memref<!tpu.dma_semaphore, #tpu.memory_space<semaphore_mem>>
      %dma_start3A = arith.constant 0 : i32
      %dma_start3A_12 = arith.constant 0 : i32
      %dma_start3A_13 = tpu.memref_slice %arg4[%add3A, %dma_start3A, %dma_start3A_12] : memref<32x79x128xi32, #tpu.memory_space<hbm>> -> memref<1x79x128xi32, #tpu.memory_space<hbm>>
      %dma_start3A_14 = tpu.memref_squeeze %dma_start3A_13 : memref<1x79x128xi32, #tpu.memory_space<hbm>> -> memref<79x128xi32, #tpu.memory_space<hbm>>
      %dma_start3A_15 = arith.constant 0 : i32
      %dma_start3A_16 = arith.constant 0 : i32
      %dma_start3A_17 = tpu.memref_slice %arg4[%add3A, %dma_start3A_15, %dma_start3A_16] : memref<32x79x128xi32, #tpu.memory_space<hbm>> -> memref<1x79x128xi32, #tpu.memory_space<hbm>>
      %dma_start3A_18 = tpu.memref_squeeze %dma_start3A_17 : memref<1x79x128xi32, #tpu.memory_space<hbm>> -> memref<79x128xi32, #tpu.memory_space<hbm>>
      tpu.enqueue_dma source(%dma_start3A_18 : memref<79x128xi32, #tpu.memory_space<hbm>>) target(%arg8 : memref<79x128xi32, #tpu.memory_space<vmem>>) target_semaphore(%run_scoped3A : memref<!tpu.dma_semaphore, #tpu.memory_space<semaphore_mem>>)
      %dma_wait3A = arith.constant 0 : i32
      %dma_wait3A_19 = arith.constant 0 : i32
      %dma_wait3A_20 = tpu.memref_slice %arg4[%add3A, %dma_wait3A, %dma_wait3A_19] : memref<32x79x128xi32, #tpu.memory_space<hbm>> -> memref<1x79x128xi32, #tpu.memory_space<hbm>>
      %dma_wait3A_21 = tpu.memref_squeeze %dma_wait3A_20 : memref<1x79x128xi32, #tpu.memory_space<hbm>> -> memref<79x128xi32, #tpu.memory_space<hbm>>
      %dma_wait3A_22 = arith.constant 0 : i32
      %dma_wait3A_23 = arith.constant 0 : i32
      %dma_wait3A_24 = tpu.memref_slice %arg4[%add3A, %dma_wait3A_22, %dma_wait3A_23] : memref<32x79x128xi32, #tpu.memory_space<hbm>> -> memref<1x79x128xi32, #tpu.memory_space<hbm>>
      %dma_wait3A_25 = tpu.memref_squeeze %dma_wait3A_24 : memref<1x79x128xi32, #tpu.memory_space<hbm>> -> memref<79x128xi32, #tpu.memory_space<hbm>>
      tpu.wait_dma2 semaphore(%run_scoped3A : memref<!tpu.dma_semaphore, #tpu.memory_space<semaphore_mem>>) src(%dma_wait3A_25 : memref<79x128xi32, #tpu.memory_space<hbm>>) dst(%arg8 : memref<79x128xi32, #tpu.memory_space<vmem>>)
      tpu.yield
    }) : () -> ()
    %scan3A = arith.constant 0 : i32
    %scan3A_3 = arith.constant 0 : i32
    %scan3A_4 = arith.constant 79 : i32
    %scan3A_5 = arith.addi %scan3A_3, %scan3A_4 : i32
    %scan3A_6 = arith.constant 1 : i32
    scf.for %scan3A_12 = %scan3A_3 to %scan3A_5 step %scan3A_6  : i32 {
      %dma_start3A = arith.constant 0 : i32
      %dma_start3A_13 = tpu.memref_slice %arg7[%scan3A_12, %dma_start3A] : memref<79x128xi32, #tpu.memory_space<vmem>> -> memref<1x128xi32, #tpu.memory_space<vmem>>
      %dma_start3A_14 = tpu.memref_squeeze %dma_start3A_13 : memref<1x128xi32, #tpu.memory_space<vmem>> -> memref<128xi32, #tpu.memory_space<vmem>>
      %dma_start3A_15 = arith.constant 0 : i32
      %dma_start3A_16 = arith.constant 0 : i32
      %dma_start3A_17 = tpu.memref_slice %arg2[%dma_start3A_15, %dma_start3A_16] : memref<10240x128xf32, #tpu.memory_space<hbm>> -> memref<10240x128xf32, #tpu.memory_space<hbm>>
      tpu.enqueue_indirect_dma source(%dma_start3A_17 : memref<10240x128xf32, #tpu.memory_space<hbm>>) target(%arg9 : memref<128x128xf32, #tpu.memory_space<vmem>>) offsets(%dma_start3A_14 : memref<128xi32, #tpu.memory_space<vmem>>) semaphore(%arg10 : memref<!tpu.dma_semaphore, #tpu.memory_space<semaphore_mem>>)
      %dma_wait3A = arith.constant 0 : i32
      %dma_wait3A_18 = tpu.memref_slice %arg7[%scan3A_12, %dma_wait3A] : memref<79x128xi32, #tpu.memory_space<vmem>> -> memref<1x128xi32, #tpu.memory_space<vmem>>
      %dma_wait3A_19 = tpu.memref_squeeze %dma_wait3A_18 : memref<1x128xi32, #tpu.memory_space<vmem>> -> memref<128xi32, #tpu.memory_space<vmem>>
      %dma_wait3A_20 = arith.constant 0 : i32
      %dma_wait3A_21 = arith.constant 0 : i32
      %dma_wait3A_22 = tpu.memref_slice %arg2[%dma_wait3A_20, %dma_wait3A_21] : memref<10240x128xf32, #tpu.memory_space<hbm>> -> memref<10240x128xf32, #tpu.memory_space<hbm>>
      tpu.wait_indirect_dma semaphore(%arg10 : memref<!tpu.dma_semaphore, #tpu.memory_space<semaphore_mem>>) src(%dma_wait3A_22 : memref<10240x128xf32, #tpu.memory_space<hbm>>) dst(%arg9 : memref<128x128xf32, #tpu.memory_space<vmem>>)
      "tpu.region"() ({
        %run_scoped3A = tpu.sem_alloc : memref<!tpu.dma_semaphore, #tpu.memory_space<semaphore_mem>>
        %dma_start3A_23 = arith.constant 0 : i32
        %dma_start3A_24 = tpu.memref_slice %arg8[%scan3A_12, %dma_start3A_23] : memref<79x128xi32, #tpu.memory_space<vmem>> -> memref<1x128xi32, #tpu.memory_space<vmem>>
        %dma_start3A_25 = tpu.memref_squeeze %dma_start3A_24 : memref<1x128xi32, #tpu.memory_space<vmem>> -> memref<128xi32, #tpu.memory_space<vmem>>
        %dma_start3A_26 = arith.constant 0 : i32
        %dma_start3A_27 = arith.constant 0 : i32
        %dma_start3A_28 = tpu.memref_slice %arg11[%dma_start3A_26, %dma_start3A_27] : memref<10240x128xf32, #tpu.memory_space<vmem_shared>> -> memref<10240x128xf32, #tpu.memory_space<vmem_shared>>
        tpu.enqueue_indirect_dma source(%arg9 : memref<128x128xf32, #tpu.memory_space<vmem>>) target(%dma_start3A_28 : memref<10240x128xf32, #tpu.memory_space<vmem_shared>>) offsets(%dma_start3A_25 : memref<128xi32, #tpu.memory_space<vmem>>) semaphore(%run_scoped3A : memref<!tpu.dma_semaphore, #tpu.memory_space<semaphore_mem>>) {add = true}
        %dma_wait3A_29 = arith.constant 0 : i32
        %dma_wait3A_30 = tpu.memref_slice %arg8[%scan3A_12, %dma_wait3A_29] : memref<79x128xi32, #tpu.memory_space<vmem>> -> memref<1x128xi32, #tpu.memory_space<vmem>>
        %dma_wait3A_31 = tpu.memref_squeeze %dma_wait3A_30 : memref<1x128xi32, #tpu.memory_space<vmem>> -> memref<128xi32, #tpu.memory_space<vmem>>
        %dma_wait3A_32 = arith.constant 0 : i32
        %dma_wait3A_33 = arith.constant 0 : i32
        %dma_wait3A_34 = tpu.memref_slice %arg11[%dma_wait3A_32, %dma_wait3A_33] : memref<10240x128xf32, #tpu.memory_space<vmem_shared>> -> memref<10240x128xf32, #tpu.memory_space<vmem_shared>>
        tpu.wait_indirect_dma semaphore(%run_scoped3A : memref<!tpu.dma_semaphore, #tpu.memory_space<semaphore_mem>>) src(%arg9 : memref<128x128xf32, #tpu.memory_space<vmem>>) dst(%dma_wait3A_34 : memref<10240x128xf32, #tpu.memory_space<vmem_shared>>)
        tpu.yield
      }) : () -> ()
    }
    %scan3A_7 = arith.constant 79 : i32
    %barrier3A_8 = arith.constant 0 : index
    tpu.barrier barrier_id(%barrier3A_8)
    %mul3A_9 = arith.constant 10240 : i32
    %mul3A_10 = arith.muli %arg0, %mul3A_9 : i32
    %add3A_11 = arith.addi %mul3A_10, %mul3A_2 : i32
    "tpu.region"() ({
      %run_scoped3A = tpu.sem_alloc : memref<!tpu.dma_semaphore, #tpu.memory_space<semaphore_mem>>
      %dma_start3A = arith.constant 0 : i32
      %dma_start3A_12 = tpu.memref_slice %arg6[%add3A_11, %dma_start3A] : memref<20480x128xf32, #tpu.memory_space<hbm>> -> memref<640x128xf32, #tpu.memory_space<hbm>>
      %dma_start3A_13 = arith.constant 0 : i32
      %dma_start3A_14 = tpu.memref_slice %arg11[%mul3A_2, %dma_start3A_13] : memref<10240x128xf32, #tpu.memory_space<vmem_shared>> -> memref<640x128xf32, #tpu.memory_space<vmem_shared>>
      tpu.enqueue_dma source(%dma_start3A_14 : memref<640x128xf32, #tpu.memory_space<vmem_shared>>) target(%dma_start3A_12 : memref<640x128xf32, #tpu.memory_space<hbm>>) target_semaphore(%run_scoped3A : memref<!tpu.dma_semaphore, #tpu.memory_space<semaphore_mem>>)
      %dma_wait3A = arith.constant 0 : i32
      %dma_wait3A_15 = tpu.memref_slice %arg6[%add3A_11, %dma_wait3A] : memref<20480x128xf32, #tpu.memory_space<hbm>> -> memref<640x128xf32, #tpu.memory_space<hbm>>
      %dma_wait3A_16 = arith.constant 0 : i32
      %dma_wait3A_17 = tpu.memref_slice %arg11[%mul3A_2, %dma_wait3A_16] : memref<10240x128xf32, #tpu.memory_space<vmem_shared>> -> memref<640x128xf32, #tpu.memory_space<vmem_shared>>
      tpu.wait_dma2 semaphore(%run_scoped3A : memref<!tpu.dma_semaphore, #tpu.memory_space<semaphore_mem>>) src(%dma_wait3A_17 : memref<640x128xf32, #tpu.memory_space<vmem_shared>>) dst(%dma_wait3A_15 : memref<640x128xf32, #tpu.memory_space<hbm>>)
      tpu.yield
    }) : () -> ()
    return
  }
}

#map = affine_map<(d0, d1) -> (0, 0)>
#map1 = affine_map<(d0, d1) -> (0, 0, 0)>
module attributes {stable_mosaic.version = 14 : i64} {
  func.func @_edge_pass(%arg0: i32, %arg1: i32, %arg2: memref<10240x128xf32, #tpu.memory_space<hbm>>, %arg3: memref<32x79x128xi32, #tpu.memory_space<hbm>>, %arg4: memref<32x79x128xi32, #tpu.memory_space<hbm>>, %arg5: memref<10240x128xf32, #tpu.memory_space<hbm>>, %arg6: memref<20480x128xf32, #tpu.memory_space<hbm>>, %arg7: memref<79x128xi32, #tpu.memory_space<vmem>>, %arg8: memref<79x128xi32, #tpu.memory_space<vmem>>, %arg9: memref<128x128xf32, #tpu.memory_space<vmem>>, %arg10: memref<!tpu.dma_semaphore, #tpu.memory_space<semaphore_mem>>, %arg11: memref<10240x128xf32, #tpu.memory_space<vmem_shared>>) attributes {dimension_semantics = [#tpu.dimension_semantics<core_parallel>, #tpu.dimension_semantics<subcore_parallel>], iteration_bounds = array<i64: 2, 16>, scalar_prefetch = 0 : i64, scratch_operands = 5 : i64, tpu.core_type = #tpu.core_type<sc_vector_subcore>, window_params = [{transform_indices = #map}, {transform_indices = #map1}, {transform_indices = #map1}, {transform_indices = #map}, {transform_indices = #map}]} {
    %mul3A = arith.constant 16 : i32
    %mul3A_0 = arith.muli %arg0, %mul3A : i32
    %add3A = arith.addi %mul3A_0, %arg1 : i32
    %mul3A_1 = arith.constant 640 : i32
    %mul3A_2 = arith.muli %arg1, %mul3A_1 : i32
    "tpu.region"() ({
      %run_scoped3A = tpu.sem_alloc : memref<!tpu.dma_semaphore, #tpu.memory_space<semaphore_mem>>
      %dma_start3A = arith.constant 0 : i32
      %dma_start3A_12 = tpu.memref_slice %arg11[%mul3A_2, %dma_start3A] : memref<10240x128xf32, #tpu.memory_space<vmem_shared>> -> memref<640x128xf32, #tpu.memory_space<vmem_shared>>
      %dma_start3A_13 = arith.constant 0 : i32
      %dma_start3A_14 = tpu.memref_slice %arg5[%mul3A_2, %dma_start3A_13] : memref<10240x128xf32, #tpu.memory_space<hbm>> -> memref<640x128xf32, #tpu.memory_space<hbm>>
      tpu.enqueue_dma source(%dma_start3A_14 : memref<640x128xf32, #tpu.memory_space<hbm>>) target(%dma_start3A_12 : memref<640x128xf32, #tpu.memory_space<vmem_shared>>) target_semaphore(%run_scoped3A : memref<!tpu.dma_semaphore, #tpu.memory_space<semaphore_mem>>)
      %dma_wait3A = arith.constant 0 : i32
      %dma_wait3A_15 = tpu.memref_slice %arg11[%mul3A_2, %dma_wait3A] : memref<10240x128xf32, #tpu.memory_space<vmem_shared>> -> memref<640x128xf32, #tpu.memory_space<vmem_shared>>
      %dma_wait3A_16 = arith.constant 0 : i32
      %dma_wait3A_17 = tpu.memref_slice %arg5[%mul3A_2, %dma_wait3A_16] : memref<10240x128xf32, #tpu.memory_space<hbm>> -> memref<640x128xf32, #tpu.memory_space<hbm>>
      tpu.wait_dma2 semaphore(%run_scoped3A : memref<!tpu.dma_semaphore, #tpu.memory_space<semaphore_mem>>) src(%dma_wait3A_17 : memref<640x128xf32, #tpu.memory_space<hbm>>) dst(%dma_wait3A_15 : memref<640x128xf32, #tpu.memory_space<vmem_shared>>)
      tpu.yield
    }) : () -> ()
    %barrier3A = arith.constant 0 : index
    tpu.barrier barrier_id(%barrier3A)
    "tpu.region"() ({
      %run_scoped3A = tpu.sem_alloc : memref<!tpu.dma_semaphore, #tpu.memory_space<semaphore_mem>>
      %dma_start3A = arith.constant 0 : i32
      %dma_start3A_12 = arith.constant 0 : i32
      %dma_start3A_13 = tpu.memref_slice %arg3[%add3A, %dma_start3A, %dma_start3A_12] : memref<32x79x128xi32, #tpu.memory_space<hbm>> -> memref<1x79x128xi32, #tpu.memory_space<hbm>>
      %dma_start3A_14 = tpu.memref_squeeze %dma_start3A_13 : memref<1x79x128xi32, #tpu.memory_space<hbm>> -> memref<79x128xi32, #tpu.memory_space<hbm>>
      %dma_start3A_15 = arith.constant 0 : i32
      %dma_start3A_16 = arith.constant 0 : i32
      %dma_start3A_17 = tpu.memref_slice %arg3[%add3A, %dma_start3A_15, %dma_start3A_16] : memref<32x79x128xi32, #tpu.memory_space<hbm>> -> memref<1x79x128xi32, #tpu.memory_space<hbm>>
      %dma_start3A_18 = tpu.memref_squeeze %dma_start3A_17 : memref<1x79x128xi32, #tpu.memory_space<hbm>> -> memref<79x128xi32, #tpu.memory_space<hbm>>
      tpu.enqueue_dma source(%dma_start3A_18 : memref<79x128xi32, #tpu.memory_space<hbm>>) target(%arg7 : memref<79x128xi32, #tpu.memory_space<vmem>>) target_semaphore(%run_scoped3A : memref<!tpu.dma_semaphore, #tpu.memory_space<semaphore_mem>>)
      %dma_wait3A = arith.constant 0 : i32
      %dma_wait3A_19 = arith.constant 0 : i32
      %dma_wait3A_20 = tpu.memref_slice %arg3[%add3A, %dma_wait3A, %dma_wait3A_19] : memref<32x79x128xi32, #tpu.memory_space<hbm>> -> memref<1x79x128xi32, #tpu.memory_space<hbm>>
      %dma_wait3A_21 = tpu.memref_squeeze %dma_wait3A_20 : memref<1x79x128xi32, #tpu.memory_space<hbm>> -> memref<79x128xi32, #tpu.memory_space<hbm>>
      %dma_wait3A_22 = arith.constant 0 : i32
      %dma_wait3A_23 = arith.constant 0 : i32
      %dma_wait3A_24 = tpu.memref_slice %arg3[%add3A, %dma_wait3A_22, %dma_wait3A_23] : memref<32x79x128xi32, #tpu.memory_space<hbm>> -> memref<1x79x128xi32, #tpu.memory_space<hbm>>
      %dma_wait3A_25 = tpu.memref_squeeze %dma_wait3A_24 : memref<1x79x128xi32, #tpu.memory_space<hbm>> -> memref<79x128xi32, #tpu.memory_space<hbm>>
      tpu.wait_dma2 semaphore(%run_scoped3A : memref<!tpu.dma_semaphore, #tpu.memory_space<semaphore_mem>>) src(%dma_wait3A_25 : memref<79x128xi32, #tpu.memory_space<hbm>>) dst(%arg7 : memref<79x128xi32, #tpu.memory_space<vmem>>)
      tpu.yield
    }) : () -> ()
    "tpu.region"() ({
      %run_scoped3A = tpu.sem_alloc : memref<!tpu.dma_semaphore, #tpu.memory_space<semaphore_mem>>
      %dma_start3A = arith.constant 0 : i32
      %dma_start3A_12 = arith.constant 0 : i32
      %dma_start3A_13 = tpu.memref_slice %arg4[%add3A, %dma_start3A, %dma_start3A_12] : memref<32x79x128xi32, #tpu.memory_space<hbm>> -> memref<1x79x128xi32, #tpu.memory_space<hbm>>
      %dma_start3A_14 = tpu.memref_squeeze %dma_start3A_13 : memref<1x79x128xi32, #tpu.memory_space<hbm>> -> memref<79x128xi32, #tpu.memory_space<hbm>>
      %dma_start3A_15 = arith.constant 0 : i32
      %dma_start3A_16 = arith.constant 0 : i32
      %dma_start3A_17 = tpu.memref_slice %arg4[%add3A, %dma_start3A_15, %dma_start3A_16] : memref<32x79x128xi32, #tpu.memory_space<hbm>> -> memref<1x79x128xi32, #tpu.memory_space<hbm>>
      %dma_start3A_18 = tpu.memref_squeeze %dma_start3A_17 : memref<1x79x128xi32, #tpu.memory_space<hbm>> -> memref<79x128xi32, #tpu.memory_space<hbm>>
      tpu.enqueue_dma source(%dma_start3A_18 : memref<79x128xi32, #tpu.memory_space<hbm>>) target(%arg8 : memref<79x128xi32, #tpu.memory_space<vmem>>) target_semaphore(%run_scoped3A : memref<!tpu.dma_semaphore, #tpu.memory_space<semaphore_mem>>)
      %dma_wait3A = arith.constant 0 : i32
      %dma_wait3A_19 = arith.constant 0 : i32
      %dma_wait3A_20 = tpu.memref_slice %arg4[%add3A, %dma_wait3A, %dma_wait3A_19] : memref<32x79x128xi32, #tpu.memory_space<hbm>> -> memref<1x79x128xi32, #tpu.memory_space<hbm>>
      %dma_wait3A_21 = tpu.memref_squeeze %dma_wait3A_20 : memref<1x79x128xi32, #tpu.memory_space<hbm>> -> memref<79x128xi32, #tpu.memory_space<hbm>>
      %dma_wait3A_22 = arith.constant 0 : i32
      %dma_wait3A_23 = arith.constant 0 : i32
      %dma_wait3A_24 = tpu.memref_slice %arg4[%add3A, %dma_wait3A_22, %dma_wait3A_23] : memref<32x79x128xi32, #tpu.memory_space<hbm>> -> memref<1x79x128xi32, #tpu.memory_space<hbm>>
      %dma_wait3A_25 = tpu.memref_squeeze %dma_wait3A_24 : memref<1x79x128xi32, #tpu.memory_space<hbm>> -> memref<79x128xi32, #tpu.memory_space<hbm>>
      tpu.wait_dma2 semaphore(%run_scoped3A : memref<!tpu.dma_semaphore, #tpu.memory_space<semaphore_mem>>) src(%dma_wait3A_25 : memref<79x128xi32, #tpu.memory_space<hbm>>) dst(%arg8 : memref<79x128xi32, #tpu.memory_space<vmem>>)
      tpu.yield
    }) : () -> ()
    %scan3A = arith.constant 0 : i32
    %scan3A_3 = arith.constant 0 : i32
    %scan3A_4 = arith.constant 79 : i32
    %scan3A_5 = arith.addi %scan3A_3, %scan3A_4 : i32
    %scan3A_6 = arith.constant 1 : i32
    scf.for %scan3A_12 = %scan3A_3 to %scan3A_5 step %scan3A_6  : i32 {
      %dma_start3A = arith.constant 0 : i32
      %dma_start3A_13 = tpu.memref_slice %arg7[%scan3A_12, %dma_start3A] : memref<79x128xi32, #tpu.memory_space<vmem>> -> memref<1x128xi32, #tpu.memory_space<vmem>>
      %dma_start3A_14 = tpu.memref_squeeze %dma_start3A_13 : memref<1x128xi32, #tpu.memory_space<vmem>> -> memref<128xi32, #tpu.memory_space<vmem>>
      %dma_start3A_15 = arith.constant 0 : i32
      %dma_start3A_16 = arith.constant 0 : i32
      %dma_start3A_17 = tpu.memref_slice %arg2[%dma_start3A_15, %dma_start3A_16] : memref<10240x128xf32, #tpu.memory_space<hbm>> -> memref<10240x128xf32, #tpu.memory_space<hbm>>
      tpu.enqueue_indirect_dma source(%dma_start3A_17 : memref<10240x128xf32, #tpu.memory_space<hbm>>) target(%arg9 : memref<128x128xf32, #tpu.memory_space<vmem>>) offsets(%dma_start3A_14 : memref<128xi32, #tpu.memory_space<vmem>>) semaphore(%arg10 : memref<!tpu.dma_semaphore, #tpu.memory_space<semaphore_mem>>)
      %dma_wait3A = arith.constant 0 : i32
      %dma_wait3A_18 = tpu.memref_slice %arg7[%scan3A_12, %dma_wait3A] : memref<79x128xi32, #tpu.memory_space<vmem>> -> memref<1x128xi32, #tpu.memory_space<vmem>>
      %dma_wait3A_19 = tpu.memref_squeeze %dma_wait3A_18 : memref<1x128xi32, #tpu.memory_space<vmem>> -> memref<128xi32, #tpu.memory_space<vmem>>
      %dma_wait3A_20 = arith.constant 0 : i32
      %dma_wait3A_21 = arith.constant 0 : i32
      %dma_wait3A_22 = tpu.memref_slice %arg2[%dma_wait3A_20, %dma_wait3A_21] : memref<10240x128xf32, #tpu.memory_space<hbm>> -> memref<10240x128xf32, #tpu.memory_space<hbm>>
      tpu.wait_indirect_dma semaphore(%arg10 : memref<!tpu.dma_semaphore, #tpu.memory_space<semaphore_mem>>) src(%dma_wait3A_22 : memref<10240x128xf32, #tpu.memory_space<hbm>>) dst(%arg9 : memref<128x128xf32, #tpu.memory_space<vmem>>)
      "tpu.region"() ({
        %run_scoped3A = tpu.sem_alloc : memref<!tpu.dma_semaphore, #tpu.memory_space<semaphore_mem>>
        %dma_start3A_23 = arith.constant 0 : i32
        %dma_start3A_24 = tpu.memref_slice %arg8[%scan3A_12, %dma_start3A_23] : memref<79x128xi32, #tpu.memory_space<vmem>> -> memref<1x128xi32, #tpu.memory_space<vmem>>
        %dma_start3A_25 = tpu.memref_squeeze %dma_start3A_24 : memref<1x128xi32, #tpu.memory_space<vmem>> -> memref<128xi32, #tpu.memory_space<vmem>>
        %dma_start3A_26 = arith.constant 0 : i32
        %dma_start3A_27 = arith.constant 0 : i32
        %dma_start3A_28 = tpu.memref_slice %arg11[%dma_start3A_26, %dma_start3A_27] : memref<10240x128xf32, #tpu.memory_space<vmem_shared>> -> memref<10240x128xf32, #tpu.memory_space<vmem_shared>>
        tpu.enqueue_indirect_dma source(%arg9 : memref<128x128xf32, #tpu.memory_space<vmem>>) target(%dma_start3A_28 : memref<10240x128xf32, #tpu.memory_space<vmem_shared>>) offsets(%dma_start3A_25 : memref<128xi32, #tpu.memory_space<vmem>>) semaphore(%run_scoped3A : memref<!tpu.dma_semaphore, #tpu.memory_space<semaphore_mem>>) {add = true}
        %dma_wait3A_29 = arith.constant 0 : i32
        %dma_wait3A_30 = tpu.memref_slice %arg8[%scan3A_12, %dma_wait3A_29] : memref<79x128xi32, #tpu.memory_space<vmem>> -> memref<1x128xi32, #tpu.memory_space<vmem>>
        %dma_wait3A_31 = tpu.memref_squeeze %dma_wait3A_30 : memref<1x128xi32, #tpu.memory_space<vmem>> -> memref<128xi32, #tpu.memory_space<vmem>>
        %dma_wait3A_32 = arith.constant 0 : i32
        %dma_wait3A_33 = arith.constant 0 : i32
        %dma_wait3A_34 = tpu.memref_slice %arg11[%dma_wait3A_32, %dma_wait3A_33] : memref<10240x128xf32, #tpu.memory_space<vmem_shared>> -> memref<10240x128xf32, #tpu.memory_space<vmem_shared>>
        tpu.wait_indirect_dma semaphore(%run_scoped3A : memref<!tpu.dma_semaphore, #tpu.memory_space<semaphore_mem>>) src(%arg9 : memref<128x128xf32, #tpu.memory_space<vmem>>) dst(%dma_wait3A_34 : memref<10240x128xf32, #tpu.memory_space<vmem_shared>>)
        tpu.yield
      }) : () -> ()
    }
    %scan3A_7 = arith.constant 79 : i32
    %barrier3A_8 = arith.constant 0 : index
    tpu.barrier barrier_id(%barrier3A_8)
    %mul3A_9 = arith.constant 10240 : i32
    %mul3A_10 = arith.muli %arg0, %mul3A_9 : i32
    %add3A_11 = arith.addi %mul3A_10, %mul3A_2 : i32
    "tpu.region"() ({
      %run_scoped3A = tpu.sem_alloc : memref<!tpu.dma_semaphore, #tpu.memory_space<semaphore_mem>>
      %dma_start3A = arith.constant 0 : i32
      %dma_start3A_12 = tpu.memref_slice %arg6[%add3A_11, %dma_start3A] : memref<20480x128xf32, #tpu.memory_space<hbm>> -> memref<640x128xf32, #tpu.memory_space<hbm>>
      %dma_start3A_13 = arith.constant 0 : i32
      %dma_start3A_14 = tpu.memref_slice %arg11[%mul3A_2, %dma_start3A_13] : memref<10240x128xf32, #tpu.memory_space<vmem_shared>> -> memref<640x128xf32, #tpu.memory_space<vmem_shared>>
      tpu.enqueue_dma source(%dma_start3A_14 : memref<640x128xf32, #tpu.memory_space<vmem_shared>>) target(%dma_start3A_12 : memref<640x128xf32, #tpu.memory_space<hbm>>) target_semaphore(%run_scoped3A : memref<!tpu.dma_semaphore, #tpu.memory_space<semaphore_mem>>)
      %dma_wait3A = arith.constant 0 : i32
      %dma_wait3A_15 = tpu.memref_slice %arg6[%add3A_11, %dma_wait3A] : memref<20480x128xf32, #tpu.memory_space<hbm>> -> memref<640x128xf32, #tpu.memory_space<hbm>>
      %dma_wait3A_16 = arith.constant 0 : i32
      %dma_wait3A_17 = tpu.memref_slice %arg11[%mul3A_2, %dma_wait3A_16] : memref<10240x128xf32, #tpu.memory_space<vmem_shared>> -> memref<640x128xf32, #tpu.memory_space<vmem_shared>>
      tpu.wait_dma2 semaphore(%run_scoped3A : memref<!tpu.dma_semaphore, #tpu.memory_space<semaphore_mem>>) src(%dma_wait3A_17 : memref<640x128xf32, #tpu.memory_space<vmem_shared>>) dst(%dma_wait3A_15 : memref<640x128xf32, #tpu.memory_space<hbm>>)
      tpu.yield
    }) : () -> ()
    return
  }
}

#map = affine_map<(d0, d1) -> (0, 0)>
#map1 = affine_map<(d0, d1) -> (0, 0, 0)>
module attributes {stable_mosaic.version = 14 : i64} {
  func.func @_edge_pass(%arg0: i32, %arg1: i32, %arg2: memref<10240x128xf32, #tpu.memory_space<hbm>>, %arg3: memref<32x79x128xi32, #tpu.memory_space<hbm>>, %arg4: memref<32x79x128xi32, #tpu.memory_space<hbm>>, %arg5: memref<10240x128xf32, #tpu.memory_space<hbm>>, %arg6: memref<20480x128xf32, #tpu.memory_space<hbm>>, %arg7: memref<79x128xi32, #tpu.memory_space<vmem>>, %arg8: memref<79x128xi32, #tpu.memory_space<vmem>>, %arg9: memref<128x128xf32, #tpu.memory_space<vmem>>, %arg10: memref<!tpu.dma_semaphore, #tpu.memory_space<semaphore_mem>>, %arg11: memref<10240x128xf32, #tpu.memory_space<vmem_shared>>) attributes {dimension_semantics = [#tpu.dimension_semantics<core_parallel>, #tpu.dimension_semantics<subcore_parallel>], iteration_bounds = array<i64: 2, 16>, scalar_prefetch = 0 : i64, scratch_operands = 5 : i64, tpu.core_type = #tpu.core_type<sc_vector_subcore>, window_params = [{transform_indices = #map}, {transform_indices = #map1}, {transform_indices = #map1}, {transform_indices = #map}, {transform_indices = #map}]} {
    %mul3A = arith.constant 16 : i32
    %mul3A_0 = arith.muli %arg0, %mul3A : i32
    %add3A = arith.addi %mul3A_0, %arg1 : i32
    %mul3A_1 = arith.constant 640 : i32
    %mul3A_2 = arith.muli %arg1, %mul3A_1 : i32
    "tpu.region"() ({
      %run_scoped3A = tpu.sem_alloc : memref<!tpu.dma_semaphore, #tpu.memory_space<semaphore_mem>>
      %dma_start3A = arith.constant 0 : i32
      %dma_start3A_12 = tpu.memref_slice %arg11[%mul3A_2, %dma_start3A] : memref<10240x128xf32, #tpu.memory_space<vmem_shared>> -> memref<640x128xf32, #tpu.memory_space<vmem_shared>>
      %dma_start3A_13 = arith.constant 0 : i32
      %dma_start3A_14 = tpu.memref_slice %arg5[%mul3A_2, %dma_start3A_13] : memref<10240x128xf32, #tpu.memory_space<hbm>> -> memref<640x128xf32, #tpu.memory_space<hbm>>
      tpu.enqueue_dma source(%dma_start3A_14 : memref<640x128xf32, #tpu.memory_space<hbm>>) target(%dma_start3A_12 : memref<640x128xf32, #tpu.memory_space<vmem_shared>>) target_semaphore(%run_scoped3A : memref<!tpu.dma_semaphore, #tpu.memory_space<semaphore_mem>>)
      %dma_wait3A = arith.constant 0 : i32
      %dma_wait3A_15 = tpu.memref_slice %arg11[%mul3A_2, %dma_wait3A] : memref<10240x128xf32, #tpu.memory_space<vmem_shared>> -> memref<640x128xf32, #tpu.memory_space<vmem_shared>>
      %dma_wait3A_16 = arith.constant 0 : i32
      %dma_wait3A_17 = tpu.memref_slice %arg5[%mul3A_2, %dma_wait3A_16] : memref<10240x128xf32, #tpu.memory_space<hbm>> -> memref<640x128xf32, #tpu.memory_space<hbm>>
      tpu.wait_dma2 semaphore(%run_scoped3A : memref<!tpu.dma_semaphore, #tpu.memory_space<semaphore_mem>>) src(%dma_wait3A_17 : memref<640x128xf32, #tpu.memory_space<hbm>>) dst(%dma_wait3A_15 : memref<640x128xf32, #tpu.memory_space<vmem_shared>>)
      tpu.yield
    }) : () -> ()
    %barrier3A = arith.constant 0 : index
    tpu.barrier barrier_id(%barrier3A)
    "tpu.region"() ({
      %run_scoped3A = tpu.sem_alloc : memref<!tpu.dma_semaphore, #tpu.memory_space<semaphore_mem>>
      %dma_start3A = arith.constant 0 : i32
      %dma_start3A_12 = arith.constant 0 : i32
      %dma_start3A_13 = tpu.memref_slice %arg3[%add3A, %dma_start3A, %dma_start3A_12] : memref<32x79x128xi32, #tpu.memory_space<hbm>> -> memref<1x79x128xi32, #tpu.memory_space<hbm>>
      %dma_start3A_14 = tpu.memref_squeeze %dma_start3A_13 : memref<1x79x128xi32, #tpu.memory_space<hbm>> -> memref<79x128xi32, #tpu.memory_space<hbm>>
      %dma_start3A_15 = arith.constant 0 : i32
      %dma_start3A_16 = arith.constant 0 : i32
      %dma_start3A_17 = tpu.memref_slice %arg3[%add3A, %dma_start3A_15, %dma_start3A_16] : memref<32x79x128xi32, #tpu.memory_space<hbm>> -> memref<1x79x128xi32, #tpu.memory_space<hbm>>
      %dma_start3A_18 = tpu.memref_squeeze %dma_start3A_17 : memref<1x79x128xi32, #tpu.memory_space<hbm>> -> memref<79x128xi32, #tpu.memory_space<hbm>>
      tpu.enqueue_dma source(%dma_start3A_18 : memref<79x128xi32, #tpu.memory_space<hbm>>) target(%arg7 : memref<79x128xi32, #tpu.memory_space<vmem>>) target_semaphore(%run_scoped3A : memref<!tpu.dma_semaphore, #tpu.memory_space<semaphore_mem>>)
      %dma_wait3A = arith.constant 0 : i32
      %dma_wait3A_19 = arith.constant 0 : i32
      %dma_wait3A_20 = tpu.memref_slice %arg3[%add3A, %dma_wait3A, %dma_wait3A_19] : memref<32x79x128xi32, #tpu.memory_space<hbm>> -> memref<1x79x128xi32, #tpu.memory_space<hbm>>
      %dma_wait3A_21 = tpu.memref_squeeze %dma_wait3A_20 : memref<1x79x128xi32, #tpu.memory_space<hbm>> -> memref<79x128xi32, #tpu.memory_space<hbm>>
      %dma_wait3A_22 = arith.constant 0 : i32
      %dma_wait3A_23 = arith.constant 0 : i32
      %dma_wait3A_24 = tpu.memref_slice %arg3[%add3A, %dma_wait3A_22, %dma_wait3A_23] : memref<32x79x128xi32, #tpu.memory_space<hbm>> -> memref<1x79x128xi32, #tpu.memory_space<hbm>>
      %dma_wait3A_25 = tpu.memref_squeeze %dma_wait3A_24 : memref<1x79x128xi32, #tpu.memory_space<hbm>> -> memref<79x128xi32, #tpu.memory_space<hbm>>
      tpu.wait_dma2 semaphore(%run_scoped3A : memref<!tpu.dma_semaphore, #tpu.memory_space<semaphore_mem>>) src(%dma_wait3A_25 : memref<79x128xi32, #tpu.memory_space<hbm>>) dst(%arg7 : memref<79x128xi32, #tpu.memory_space<vmem>>)
      tpu.yield
    }) : () -> ()
    "tpu.region"() ({
      %run_scoped3A = tpu.sem_alloc : memref<!tpu.dma_semaphore, #tpu.memory_space<semaphore_mem>>
      %dma_start3A = arith.constant 0 : i32
      %dma_start3A_12 = arith.constant 0 : i32
      %dma_start3A_13 = tpu.memref_slice %arg4[%add3A, %dma_start3A, %dma_start3A_12] : memref<32x79x128xi32, #tpu.memory_space<hbm>> -> memref<1x79x128xi32, #tpu.memory_space<hbm>>
      %dma_start3A_14 = tpu.memref_squeeze %dma_start3A_13 : memref<1x79x128xi32, #tpu.memory_space<hbm>> -> memref<79x128xi32, #tpu.memory_space<hbm>>
      %dma_start3A_15 = arith.constant 0 : i32
      %dma_start3A_16 = arith.constant 0 : i32
      %dma_start3A_17 = tpu.memref_slice %arg4[%add3A, %dma_start3A_15, %dma_start3A_16] : memref<32x79x128xi32, #tpu.memory_space<hbm>> -> memref<1x79x128xi32, #tpu.memory_space<hbm>>
      %dma_start3A_18 = tpu.memref_squeeze %dma_start3A_17 : memref<1x79x128xi32, #tpu.memory_space<hbm>> -> memref<79x128xi32, #tpu.memory_space<hbm>>
      tpu.enqueue_dma source(%dma_start3A_18 : memref<79x128xi32, #tpu.memory_space<hbm>>) target(%arg8 : memref<79x128xi32, #tpu.memory_space<vmem>>) target_semaphore(%run_scoped3A : memref<!tpu.dma_semaphore, #tpu.memory_space<semaphore_mem>>)
      %dma_wait3A = arith.constant 0 : i32
      %dma_wait3A_19 = arith.constant 0 : i32
      %dma_wait3A_20 = tpu.memref_slice %arg4[%add3A, %dma_wait3A, %dma_wait3A_19] : memref<32x79x128xi32, #tpu.memory_space<hbm>> -> memref<1x79x128xi32, #tpu.memory_space<hbm>>
      %dma_wait3A_21 = tpu.memref_squeeze %dma_wait3A_20 : memref<1x79x128xi32, #tpu.memory_space<hbm>> -> memref<79x128xi32, #tpu.memory_space<hbm>>
      %dma_wait3A_22 = arith.constant 0 : i32
      %dma_wait3A_23 = arith.constant 0 : i32
      %dma_wait3A_24 = tpu.memref_slice %arg4[%add3A, %dma_wait3A_22, %dma_wait3A_23] : memref<32x79x128xi32, #tpu.memory_space<hbm>> -> memref<1x79x128xi32, #tpu.memory_space<hbm>>
      %dma_wait3A_25 = tpu.memref_squeeze %dma_wait3A_24 : memref<1x79x128xi32, #tpu.memory_space<hbm>> -> memref<79x128xi32, #tpu.memory_space<hbm>>
      tpu.wait_dma2 semaphore(%run_scoped3A : memref<!tpu.dma_semaphore, #tpu.memory_space<semaphore_mem>>) src(%dma_wait3A_25 : memref<79x128xi32, #tpu.memory_space<hbm>>) dst(%arg8 : memref<79x128xi32, #tpu.memory_space<vmem>>)
      tpu.yield
    }) : () -> ()
    %scan3A = arith.constant 0 : i32
    %scan3A_3 = arith.constant 0 : i32
    %scan3A_4 = arith.constant 79 : i32
    %scan3A_5 = arith.addi %scan3A_3, %scan3A_4 : i32
    %scan3A_6 = arith.constant 1 : i32
    scf.for %scan3A_12 = %scan3A_3 to %scan3A_5 step %scan3A_6  : i32 {
      %dma_start3A = arith.constant 0 : i32
      %dma_start3A_13 = tpu.memref_slice %arg7[%scan3A_12, %dma_start3A] : memref<79x128xi32, #tpu.memory_space<vmem>> -> memref<1x128xi32, #tpu.memory_space<vmem>>
      %dma_start3A_14 = tpu.memref_squeeze %dma_start3A_13 : memref<1x128xi32, #tpu.memory_space<vmem>> -> memref<128xi32, #tpu.memory_space<vmem>>
      %dma_start3A_15 = arith.constant 0 : i32
      %dma_start3A_16 = arith.constant 0 : i32
      %dma_start3A_17 = tpu.memref_slice %arg2[%dma_start3A_15, %dma_start3A_16] : memref<10240x128xf32, #tpu.memory_space<hbm>> -> memref<10240x128xf32, #tpu.memory_space<hbm>>
      tpu.enqueue_indirect_dma source(%dma_start3A_17 : memref<10240x128xf32, #tpu.memory_space<hbm>>) target(%arg9 : memref<128x128xf32, #tpu.memory_space<vmem>>) offsets(%dma_start3A_14 : memref<128xi32, #tpu.memory_space<vmem>>) semaphore(%arg10 : memref<!tpu.dma_semaphore, #tpu.memory_space<semaphore_mem>>)
      %dma_wait3A = arith.constant 0 : i32
      %dma_wait3A_18 = tpu.memref_slice %arg7[%scan3A_12, %dma_wait3A] : memref<79x128xi32, #tpu.memory_space<vmem>> -> memref<1x128xi32, #tpu.memory_space<vmem>>
      %dma_wait3A_19 = tpu.memref_squeeze %dma_wait3A_18 : memref<1x128xi32, #tpu.memory_space<vmem>> -> memref<128xi32, #tpu.memory_space<vmem>>
      %dma_wait3A_20 = arith.constant 0 : i32
      %dma_wait3A_21 = arith.constant 0 : i32
      %dma_wait3A_22 = tpu.memref_slice %arg2[%dma_wait3A_20, %dma_wait3A_21] : memref<10240x128xf32, #tpu.memory_space<hbm>> -> memref<10240x128xf32, #tpu.memory_space<hbm>>
      tpu.wait_indirect_dma semaphore(%arg10 : memref<!tpu.dma_semaphore, #tpu.memory_space<semaphore_mem>>) src(%dma_wait3A_22 : memref<10240x128xf32, #tpu.memory_space<hbm>>) dst(%arg9 : memref<128x128xf32, #tpu.memory_space<vmem>>)
      "tpu.region"() ({
        %run_scoped3A = tpu.sem_alloc : memref<!tpu.dma_semaphore, #tpu.memory_space<semaphore_mem>>
        %dma_start3A_23 = arith.constant 0 : i32
        %dma_start3A_24 = tpu.memref_slice %arg8[%scan3A_12, %dma_start3A_23] : memref<79x128xi32, #tpu.memory_space<vmem>> -> memref<1x128xi32, #tpu.memory_space<vmem>>
        %dma_start3A_25 = tpu.memref_squeeze %dma_start3A_24 : memref<1x128xi32, #tpu.memory_space<vmem>> -> memref<128xi32, #tpu.memory_space<vmem>>
        %dma_start3A_26 = arith.constant 0 : i32
        %dma_start3A_27 = arith.constant 0 : i32
        %dma_start3A_28 = tpu.memref_slice %arg11[%dma_start3A_26, %dma_start3A_27] : memref<10240x128xf32, #tpu.memory_space<vmem_shared>> -> memref<10240x128xf32, #tpu.memory_space<vmem_shared>>
        tpu.enqueue_indirect_dma source(%arg9 : memref<128x128xf32, #tpu.memory_space<vmem>>) target(%dma_start3A_28 : memref<10240x128xf32, #tpu.memory_space<vmem_shared>>) offsets(%dma_start3A_25 : memref<128xi32, #tpu.memory_space<vmem>>) semaphore(%run_scoped3A : memref<!tpu.dma_semaphore, #tpu.memory_space<semaphore_mem>>) {add = true}
        %dma_wait3A_29 = arith.constant 0 : i32
        %dma_wait3A_30 = tpu.memref_slice %arg8[%scan3A_12, %dma_wait3A_29] : memref<79x128xi32, #tpu.memory_space<vmem>> -> memref<1x128xi32, #tpu.memory_space<vmem>>
        %dma_wait3A_31 = tpu.memref_squeeze %dma_wait3A_30 : memref<1x128xi32, #tpu.memory_space<vmem>> -> memref<128xi32, #tpu.memory_space<vmem>>
        %dma_wait3A_32 = arith.constant 0 : i32
        %dma_wait3A_33 = arith.constant 0 : i32
        %dma_wait3A_34 = tpu.memref_slice %arg11[%dma_wait3A_32, %dma_wait3A_33] : memref<10240x128xf32, #tpu.memory_space<vmem_shared>> -> memref<10240x128xf32, #tpu.memory_space<vmem_shared>>
        tpu.wait_indirect_dma semaphore(%run_scoped3A : memref<!tpu.dma_semaphore, #tpu.memory_space<semaphore_mem>>) src(%arg9 : memref<128x128xf32, #tpu.memory_space<vmem>>) dst(%dma_wait3A_34 : memref<10240x128xf32, #tpu.memory_space<vmem_shared>>)
        tpu.yield
      }) : () -> ()
    }
    %scan3A_7 = arith.constant 79 : i32
    %barrier3A_8 = arith.constant 0 : index
    tpu.barrier barrier_id(%barrier3A_8)
    %mul3A_9 = arith.constant 10240 : i32
    %mul3A_10 = arith.muli %arg0, %mul3A_9 : i32
    %add3A_11 = arith.addi %mul3A_10, %mul3A_2 : i32
    "tpu.region"() ({
      %run_scoped3A = tpu.sem_alloc : memref<!tpu.dma_semaphore, #tpu.memory_space<semaphore_mem>>
      %dma_start3A = arith.constant 0 : i32
      %dma_start3A_12 = tpu.memref_slice %arg6[%add3A_11, %dma_start3A] : memref<20480x128xf32, #tpu.memory_space<hbm>> -> memref<640x128xf32, #tpu.memory_space<hbm>>
      %dma_start3A_13 = arith.constant 0 : i32
      %dma_start3A_14 = tpu.memref_slice %arg11[%mul3A_2, %dma_start3A_13] : memref<10240x128xf32, #tpu.memory_space<vmem_shared>> -> memref<640x128xf32, #tpu.memory_space<vmem_shared>>
      tpu.enqueue_dma source(%dma_start3A_14 : memref<640x128xf32, #tpu.memory_space<vmem_shared>>) target(%dma_start3A_12 : memref<640x128xf32, #tpu.memory_space<hbm>>) target_semaphore(%run_scoped3A : memref<!tpu.dma_semaphore, #tpu.memory_space<semaphore_mem>>)
      %dma_wait3A = arith.constant 0 : i32
      %dma_wait3A_15 = tpu.memref_slice %arg6[%add3A_11, %dma_wait3A] : memref<20480x128xf32, #tpu.memory_space<hbm>> -> memref<640x128xf32, #tpu.memory_space<hbm>>
      %dma_wait3A_16 = arith.constant 0 : i32
      %dma_wait3A_17 = tpu.memref_slice %arg11[%mul3A_2, %dma_wait3A_16] : memref<10240x128xf32, #tpu.memory_space<vmem_shared>> -> memref<640x128xf32, #tpu.memory_space<vmem_shared>>
      tpu.wait_dma2 semaphore(%run_scoped3A : memref<!tpu.dma_semaphore, #tpu.memory_space<semaphore_mem>>) src(%dma_wait3A_17 : memref<640x128xf32, #tpu.memory_space<vmem_shared>>) dst(%dma_wait3A_15 : memref<640x128xf32, #tpu.memory_space<hbm>>)
      tpu.yield
    }) : () -> ()
    return
  }
}

#map = affine_map<(d0, d1) -> (0, 0)>
#map1 = affine_map<(d0, d1) -> (0, 0, 0)>
module attributes {stable_mosaic.version = 14 : i64} {
  func.func @_edge_pass(%arg0: i32, %arg1: i32, %arg2: memref<10240x128xf32, #tpu.memory_space<hbm>>, %arg3: memref<32x79x128xi32, #tpu.memory_space<hbm>>, %arg4: memref<32x79x128xi32, #tpu.memory_space<hbm>>, %arg5: memref<10240x128xf32, #tpu.memory_space<hbm>>, %arg6: memref<20480x128xf32, #tpu.memory_space<hbm>>, %arg7: memref<79x128xi32, #tpu.memory_space<vmem>>, %arg8: memref<79x128xi32, #tpu.memory_space<vmem>>, %arg9: memref<128x128xf32, #tpu.memory_space<vmem>>, %arg10: memref<!tpu.dma_semaphore, #tpu.memory_space<semaphore_mem>>, %arg11: memref<10240x128xf32, #tpu.memory_space<vmem_shared>>) attributes {dimension_semantics = [#tpu.dimension_semantics<core_parallel>, #tpu.dimension_semantics<subcore_parallel>], iteration_bounds = array<i64: 2, 16>, scalar_prefetch = 0 : i64, scratch_operands = 5 : i64, tpu.core_type = #tpu.core_type<sc_vector_subcore>, window_params = [{transform_indices = #map}, {transform_indices = #map1}, {transform_indices = #map1}, {transform_indices = #map}, {transform_indices = #map}]} {
    %mul3A = arith.constant 16 : i32
    %mul3A_0 = arith.muli %arg0, %mul3A : i32
    %add3A = arith.addi %mul3A_0, %arg1 : i32
    %mul3A_1 = arith.constant 640 : i32
    %mul3A_2 = arith.muli %arg1, %mul3A_1 : i32
    "tpu.region"() ({
      %run_scoped3A = tpu.sem_alloc : memref<!tpu.dma_semaphore, #tpu.memory_space<semaphore_mem>>
      %dma_start3A = arith.constant 0 : i32
      %dma_start3A_12 = tpu.memref_slice %arg11[%mul3A_2, %dma_start3A] : memref<10240x128xf32, #tpu.memory_space<vmem_shared>> -> memref<640x128xf32, #tpu.memory_space<vmem_shared>>
      %dma_start3A_13 = arith.constant 0 : i32
      %dma_start3A_14 = tpu.memref_slice %arg5[%mul3A_2, %dma_start3A_13] : memref<10240x128xf32, #tpu.memory_space<hbm>> -> memref<640x128xf32, #tpu.memory_space<hbm>>
      tpu.enqueue_dma source(%dma_start3A_14 : memref<640x128xf32, #tpu.memory_space<hbm>>) target(%dma_start3A_12 : memref<640x128xf32, #tpu.memory_space<vmem_shared>>) target_semaphore(%run_scoped3A : memref<!tpu.dma_semaphore, #tpu.memory_space<semaphore_mem>>)
      %dma_wait3A = arith.constant 0 : i32
      %dma_wait3A_15 = tpu.memref_slice %arg11[%mul3A_2, %dma_wait3A] : memref<10240x128xf32, #tpu.memory_space<vmem_shared>> -> memref<640x128xf32, #tpu.memory_space<vmem_shared>>
      %dma_wait3A_16 = arith.constant 0 : i32
      %dma_wait3A_17 = tpu.memref_slice %arg5[%mul3A_2, %dma_wait3A_16] : memref<10240x128xf32, #tpu.memory_space<hbm>> -> memref<640x128xf32, #tpu.memory_space<hbm>>
      tpu.wait_dma2 semaphore(%run_scoped3A : memref<!tpu.dma_semaphore, #tpu.memory_space<semaphore_mem>>) src(%dma_wait3A_17 : memref<640x128xf32, #tpu.memory_space<hbm>>) dst(%dma_wait3A_15 : memref<640x128xf32, #tpu.memory_space<vmem_shared>>)
      tpu.yield
    }) : () -> ()
    %barrier3A = arith.constant 0 : index
    tpu.barrier barrier_id(%barrier3A)
    "tpu.region"() ({
      %run_scoped3A = tpu.sem_alloc : memref<!tpu.dma_semaphore, #tpu.memory_space<semaphore_mem>>
      %dma_start3A = arith.constant 0 : i32
      %dma_start3A_12 = arith.constant 0 : i32
      %dma_start3A_13 = tpu.memref_slice %arg3[%add3A, %dma_start3A, %dma_start3A_12] : memref<32x79x128xi32, #tpu.memory_space<hbm>> -> memref<1x79x128xi32, #tpu.memory_space<hbm>>
      %dma_start3A_14 = tpu.memref_squeeze %dma_start3A_13 : memref<1x79x128xi32, #tpu.memory_space<hbm>> -> memref<79x128xi32, #tpu.memory_space<hbm>>
      %dma_start3A_15 = arith.constant 0 : i32
      %dma_start3A_16 = arith.constant 0 : i32
      %dma_start3A_17 = tpu.memref_slice %arg3[%add3A, %dma_start3A_15, %dma_start3A_16] : memref<32x79x128xi32, #tpu.memory_space<hbm>> -> memref<1x79x128xi32, #tpu.memory_space<hbm>>
      %dma_start3A_18 = tpu.memref_squeeze %dma_start3A_17 : memref<1x79x128xi32, #tpu.memory_space<hbm>> -> memref<79x128xi32, #tpu.memory_space<hbm>>
      tpu.enqueue_dma source(%dma_start3A_18 : memref<79x128xi32, #tpu.memory_space<hbm>>) target(%arg7 : memref<79x128xi32, #tpu.memory_space<vmem>>) target_semaphore(%run_scoped3A : memref<!tpu.dma_semaphore, #tpu.memory_space<semaphore_mem>>)
      %dma_wait3A = arith.constant 0 : i32
      %dma_wait3A_19 = arith.constant 0 : i32
      %dma_wait3A_20 = tpu.memref_slice %arg3[%add3A, %dma_wait3A, %dma_wait3A_19] : memref<32x79x128xi32, #tpu.memory_space<hbm>> -> memref<1x79x128xi32, #tpu.memory_space<hbm>>
      %dma_wait3A_21 = tpu.memref_squeeze %dma_wait3A_20 : memref<1x79x128xi32, #tpu.memory_space<hbm>> -> memref<79x128xi32, #tpu.memory_space<hbm>>
      %dma_wait3A_22 = arith.constant 0 : i32
      %dma_wait3A_23 = arith.constant 0 : i32
      %dma_wait3A_24 = tpu.memref_slice %arg3[%add3A, %dma_wait3A_22, %dma_wait3A_23] : memref<32x79x128xi32, #tpu.memory_space<hbm>> -> memref<1x79x128xi32, #tpu.memory_space<hbm>>
      %dma_wait3A_25 = tpu.memref_squeeze %dma_wait3A_24 : memref<1x79x128xi32, #tpu.memory_space<hbm>> -> memref<79x128xi32, #tpu.memory_space<hbm>>
      tpu.wait_dma2 semaphore(%run_scoped3A : memref<!tpu.dma_semaphore, #tpu.memory_space<semaphore_mem>>) src(%dma_wait3A_25 : memref<79x128xi32, #tpu.memory_space<hbm>>) dst(%arg7 : memref<79x128xi32, #tpu.memory_space<vmem>>)
      tpu.yield
    }) : () -> ()
    "tpu.region"() ({
      %run_scoped3A = tpu.sem_alloc : memref<!tpu.dma_semaphore, #tpu.memory_space<semaphore_mem>>
      %dma_start3A = arith.constant 0 : i32
      %dma_start3A_12 = arith.constant 0 : i32
      %dma_start3A_13 = tpu.memref_slice %arg4[%add3A, %dma_start3A, %dma_start3A_12] : memref<32x79x128xi32, #tpu.memory_space<hbm>> -> memref<1x79x128xi32, #tpu.memory_space<hbm>>
      %dma_start3A_14 = tpu.memref_squeeze %dma_start3A_13 : memref<1x79x128xi32, #tpu.memory_space<hbm>> -> memref<79x128xi32, #tpu.memory_space<hbm>>
      %dma_start3A_15 = arith.constant 0 : i32
      %dma_start3A_16 = arith.constant 0 : i32
      %dma_start3A_17 = tpu.memref_slice %arg4[%add3A, %dma_start3A_15, %dma_start3A_16] : memref<32x79x128xi32, #tpu.memory_space<hbm>> -> memref<1x79x128xi32, #tpu.memory_space<hbm>>
      %dma_start3A_18 = tpu.memref_squeeze %dma_start3A_17 : memref<1x79x128xi32, #tpu.memory_space<hbm>> -> memref<79x128xi32, #tpu.memory_space<hbm>>
      tpu.enqueue_dma source(%dma_start3A_18 : memref<79x128xi32, #tpu.memory_space<hbm>>) target(%arg8 : memref<79x128xi32, #tpu.memory_space<vmem>>) target_semaphore(%run_scoped3A : memref<!tpu.dma_semaphore, #tpu.memory_space<semaphore_mem>>)
      %dma_wait3A = arith.constant 0 : i32
      %dma_wait3A_19 = arith.constant 0 : i32
      %dma_wait3A_20 = tpu.memref_slice %arg4[%add3A, %dma_wait3A, %dma_wait3A_19] : memref<32x79x128xi32, #tpu.memory_space<hbm>> -> memref<1x79x128xi32, #tpu.memory_space<hbm>>
      %dma_wait3A_21 = tpu.memref_squeeze %dma_wait3A_20 : memref<1x79x128xi32, #tpu.memory_space<hbm>> -> memref<79x128xi32, #tpu.memory_space<hbm>>
      %dma_wait3A_22 = arith.constant 0 : i32
      %dma_wait3A_23 = arith.constant 0 : i32
      %dma_wait3A_24 = tpu.memref_slice %arg4[%add3A, %dma_wait3A_22, %dma_wait3A_23] : memref<32x79x128xi32, #tpu.memory_space<hbm>> -> memref<1x79x128xi32, #tpu.memory_space<hbm>>
      %dma_wait3A_25 = tpu.memref_squeeze %dma_wait3A_24 : memref<1x79x128xi32, #tpu.memory_space<hbm>> -> memref<79x128xi32, #tpu.memory_space<hbm>>
      tpu.wait_dma2 semaphore(%run_scoped3A : memref<!tpu.dma_semaphore, #tpu.memory_space<semaphore_mem>>) src(%dma_wait3A_25 : memref<79x128xi32, #tpu.memory_space<hbm>>) dst(%arg8 : memref<79x128xi32, #tpu.memory_space<vmem>>)
      tpu.yield
    }) : () -> ()
    %scan3A = arith.constant 0 : i32
    %scan3A_3 = arith.constant 0 : i32
    %scan3A_4 = arith.constant 79 : i32
    %scan3A_5 = arith.addi %scan3A_3, %scan3A_4 : i32
    %scan3A_6 = arith.constant 1 : i32
    scf.for %scan3A_12 = %scan3A_3 to %scan3A_5 step %scan3A_6  : i32 {
      %dma_start3A = arith.constant 0 : i32
      %dma_start3A_13 = tpu.memref_slice %arg7[%scan3A_12, %dma_start3A] : memref<79x128xi32, #tpu.memory_space<vmem>> -> memref<1x128xi32, #tpu.memory_space<vmem>>
      %dma_start3A_14 = tpu.memref_squeeze %dma_start3A_13 : memref<1x128xi32, #tpu.memory_space<vmem>> -> memref<128xi32, #tpu.memory_space<vmem>>
      %dma_start3A_15 = arith.constant 0 : i32
      %dma_start3A_16 = arith.constant 0 : i32
      %dma_start3A_17 = tpu.memref_slice %arg2[%dma_start3A_15, %dma_start3A_16] : memref<10240x128xf32, #tpu.memory_space<hbm>> -> memref<10240x128xf32, #tpu.memory_space<hbm>>
      tpu.enqueue_indirect_dma source(%dma_start3A_17 : memref<10240x128xf32, #tpu.memory_space<hbm>>) target(%arg9 : memref<128x128xf32, #tpu.memory_space<vmem>>) offsets(%dma_start3A_14 : memref<128xi32, #tpu.memory_space<vmem>>) semaphore(%arg10 : memref<!tpu.dma_semaphore, #tpu.memory_space<semaphore_mem>>)
      %dma_wait3A = arith.constant 0 : i32
      %dma_wait3A_18 = tpu.memref_slice %arg7[%scan3A_12, %dma_wait3A] : memref<79x128xi32, #tpu.memory_space<vmem>> -> memref<1x128xi32, #tpu.memory_space<vmem>>
      %dma_wait3A_19 = tpu.memref_squeeze %dma_wait3A_18 : memref<1x128xi32, #tpu.memory_space<vmem>> -> memref<128xi32, #tpu.memory_space<vmem>>
      %dma_wait3A_20 = arith.constant 0 : i32
      %dma_wait3A_21 = arith.constant 0 : i32
      %dma_wait3A_22 = tpu.memref_slice %arg2[%dma_wait3A_20, %dma_wait3A_21] : memref<10240x128xf32, #tpu.memory_space<hbm>> -> memref<10240x128xf32, #tpu.memory_space<hbm>>
      tpu.wait_indirect_dma semaphore(%arg10 : memref<!tpu.dma_semaphore, #tpu.memory_space<semaphore_mem>>) src(%dma_wait3A_22 : memref<10240x128xf32, #tpu.memory_space<hbm>>) dst(%arg9 : memref<128x128xf32, #tpu.memory_space<vmem>>)
      "tpu.region"() ({
        %run_scoped3A = tpu.sem_alloc : memref<!tpu.dma_semaphore, #tpu.memory_space<semaphore_mem>>
        %dma_start3A_23 = arith.constant 0 : i32
        %dma_start3A_24 = tpu.memref_slice %arg8[%scan3A_12, %dma_start3A_23] : memref<79x128xi32, #tpu.memory_space<vmem>> -> memref<1x128xi32, #tpu.memory_space<vmem>>
        %dma_start3A_25 = tpu.memref_squeeze %dma_start3A_24 : memref<1x128xi32, #tpu.memory_space<vmem>> -> memref<128xi32, #tpu.memory_space<vmem>>
        %dma_start3A_26 = arith.constant 0 : i32
        %dma_start3A_27 = arith.constant 0 : i32
        %dma_start3A_28 = tpu.memref_slice %arg11[%dma_start3A_26, %dma_start3A_27] : memref<10240x128xf32, #tpu.memory_space<vmem_shared>> -> memref<10240x128xf32, #tpu.memory_space<vmem_shared>>
        tpu.enqueue_indirect_dma source(%arg9 : memref<128x128xf32, #tpu.memory_space<vmem>>) target(%dma_start3A_28 : memref<10240x128xf32, #tpu.memory_space<vmem_shared>>) offsets(%dma_start3A_25 : memref<128xi32, #tpu.memory_space<vmem>>) semaphore(%run_scoped3A : memref<!tpu.dma_semaphore, #tpu.memory_space<semaphore_mem>>) {add = true}
        %dma_wait3A_29 = arith.constant 0 : i32
        %dma_wait3A_30 = tpu.memref_slice %arg8[%scan3A_12, %dma_wait3A_29] : memref<79x128xi32, #tpu.memory_space<vmem>> -> memref<1x128xi32, #tpu.memory_space<vmem>>
        %dma_wait3A_31 = tpu.memref_squeeze %dma_wait3A_30 : memref<1x128xi32, #tpu.memory_space<vmem>> -> memref<128xi32, #tpu.memory_space<vmem>>
        %dma_wait3A_32 = arith.constant 0 : i32
        %dma_wait3A_33 = arith.constant 0 : i32
        %dma_wait3A_34 = tpu.memref_slice %arg11[%dma_wait3A_32, %dma_wait3A_33] : memref<10240x128xf32, #tpu.memory_space<vmem_shared>> -> memref<10240x128xf32, #tpu.memory_space<vmem_shared>>
        tpu.wait_indirect_dma semaphore(%run_scoped3A : memref<!tpu.dma_semaphore, #tpu.memory_space<semaphore_mem>>) src(%arg9 : memref<128x128xf32, #tpu.memory_space<vmem>>) dst(%dma_wait3A_34 : memref<10240x128xf32, #tpu.memory_space<vmem_shared>>)
        tpu.yield
      }) : () -> ()
    }
    %scan3A_7 = arith.constant 79 : i32
    %barrier3A_8 = arith.constant 0 : index
    tpu.barrier barrier_id(%barrier3A_8)
    %mul3A_9 = arith.constant 10240 : i32
    %mul3A_10 = arith.muli %arg0, %mul3A_9 : i32
    %add3A_11 = arith.addi %mul3A_10, %mul3A_2 : i32
    "tpu.region"() ({
      %run_scoped3A = tpu.sem_alloc : memref<!tpu.dma_semaphore, #tpu.memory_space<semaphore_mem>>
      %dma_start3A = arith.constant 0 : i32
      %dma_start3A_12 = tpu.memref_slice %arg6[%add3A_11, %dma_start3A] : memref<20480x128xf32, #tpu.memory_space<hbm>> -> memref<640x128xf32, #tpu.memory_space<hbm>>
      %dma_start3A_13 = arith.constant 0 : i32
      %dma_start3A_14 = tpu.memref_slice %arg11[%mul3A_2, %dma_start3A_13] : memref<10240x128xf32, #tpu.memory_space<vmem_shared>> -> memref<640x128xf32, #tpu.memory_space<vmem_shared>>
      tpu.enqueue_dma source(%dma_start3A_14 : memref<640x128xf32, #tpu.memory_space<vmem_shared>>) target(%dma_start3A_12 : memref<640x128xf32, #tpu.memory_space<hbm>>) target_semaphore(%run_scoped3A : memref<!tpu.dma_semaphore, #tpu.memory_space<semaphore_mem>>)
      %dma_wait3A = arith.constant 0 : i32
      %dma_wait3A_15 = tpu.memref_slice %arg6[%add3A_11, %dma_wait3A] : memref<20480x128xf32, #tpu.memory_space<hbm>> -> memref<640x128xf32, #tpu.memory_space<hbm>>
      %dma_wait3A_16 = arith.constant 0 : i32
      %dma_wait3A_17 = tpu.memref_slice %arg11[%mul3A_2, %dma_wait3A_16] : memref<10240x128xf32, #tpu.memory_space<vmem_shared>> -> memref<640x128xf32, #tpu.memory_space<vmem_shared>>
      tpu.wait_dma2 semaphore(%run_scoped3A : memref<!tpu.dma_semaphore, #tpu.memory_space<semaphore_mem>>) src(%dma_wait3A_17 : memref<640x128xf32, #tpu.memory_space<vmem_shared>>) dst(%dma_wait3A_15 : memref<640x128xf32, #tpu.memory_space<hbm>>)
      tpu.yield
    }) : () -> ()
    return
  }
}

module attributes {stable_mosaic.version = 14 : i64} {
  func.func @_prep_body(%arg0: i32, %arg1: memref<2560x128xf32, #tpu.memory_space<vmem>>, %arg2: memref<2560x128xf32, #tpu.memory_space<vmem>>, %arg3: memref<2560x128xf32, #tpu.memory_space<vmem>>, %arg4: memref<2560x128xf32, #tpu.memory_space<vmem>>, %arg5: memref<2560x128xf32, #tpu.memory_space<vmem>>, %arg6: memref<2560x128xf32, #tpu.memory_space<vmem>>, %arg7: memref<2560x128xf32, #tpu.memory_space<vmem>>) attributes {dimension_semantics = [#tpu.dimension_semantics<arbitrary>], iteration_bounds = array<i64: 4>, scalar_prefetch = 0 : i64, scratch_operands = 0 : i64, tpu.core_type = #tpu.core_type<tc>, window_params = [{transform_indices = @transform_0, window_bounds = array<i64: 2560, 128>}, {transform_indices = @transform_1, window_bounds = array<i64: 2560, 128>}, {transform_indices = @transform_2, window_bounds = array<i64: 2560, 128>}, {transform_indices = @transform_3, window_bounds = array<i64: 2560, 128>}, {transform_indices = @transform_4, window_bounds = array<i64: 2560, 128>}, {transform_indices = @transform_5, window_bounds = array<i64: 2560, 128>}, {transform_indices = @transform_6, window_bounds = array<i64: 2560, 128>}]} {
    %get3A = arith.constant 0 : index
    %get3A_0 = arith.constant 0 : index
    %get3A_1 = vector.load %arg2[%get3A, %get3A_0] : memref<2560x128xf32, #tpu.memory_space<vmem>>, vector<2560x128xf32>
    %get3A_2 = arith.constant 0 : index
    %get3A_3 = arith.constant 0 : index
    %get3A_4 = vector.load %arg3[%get3A_2, %get3A_3] : memref<2560x128xf32, #tpu.memory_space<vmem>>, vector<2560x128xf32>
    %add3A = arith.addf %get3A_1, %get3A_4 : vector<2560x128xf32>
    %add3A_5 = arith.constant 1.000000e+00 : f32
    %add3A_6 = vector.broadcast %add3A_5 : f32 to vector<2560x128xf32>
    %add3A_7 = arith.addf %add3A, %add3A_6 : vector<2560x128xf32>
    %rsqrt3A = math.rsqrt %add3A_7 : vector<2560x128xf32>
    %get3A_8 = arith.constant 0 : index
    %get3A_9 = arith.constant 0 : index
    %get3A_10 = vector.load %arg1[%get3A_8, %get3A_9] : memref<2560x128xf32, #tpu.memory_space<vmem>>, vector<2560x128xf32>
    %mul3A = arith.mulf %get3A_10, %rsqrt3A : vector<2560x128xf32>
    %swap3A = arith.constant 0 : index
    %swap3A_11 = arith.constant 0 : index
    %swap3A_12 = vector.load %arg4[%swap3A, %swap3A_11] : memref<2560x128xf32, #tpu.memory_space<vmem>>, vector<2560x128xf32>
    tpu.vector_store %arg4[%swap3A, %swap3A_11], %mul3A {strides = array<i32>} : memref<2560x128xf32, #tpu.memory_space<vmem>>, vector<2560x128xf32>,
    %div3A = arith.constant 1.000000e+00 : f32
    %div3A_13 = vector.broadcast %div3A : f32 to vector<2560x128xf32>
    %div3A_14 = arith.divf %div3A_13, %add3A_7 : vector<2560x128xf32>
    %mul3A_15 = arith.constant 5.000000e-01 : f32
    %mul3A_16 = vector.broadcast %mul3A_15 : f32 to vector<2560x128xf32>
    %mul3A_17 = arith.mulf %mul3A_16, %div3A_14 : vector<2560x128xf32>
    %add3A_18 = arith.constant 5.000000e-01 : f32
    %add3A_19 = vector.broadcast %add3A_18 : f32 to vector<2560x128xf32>
    %add3A_20 = arith.addf %add3A_19, %mul3A_17 : vector<2560x128xf32>
    %swap3A_21 = arith.constant 0 : index
    %swap3A_22 = arith.constant 0 : index
    %swap3A_23 = vector.load %arg5[%swap3A_21, %swap3A_22] : memref<2560x128xf32, #tpu.memory_space<vmem>>, vector<2560x128xf32>
    tpu.vector_store %arg5[%swap3A_21, %swap3A_22], %add3A_20 {strides = array<i32>} : memref<2560x128xf32, #tpu.memory_space<vmem>>, vector<2560x128xf32>,
    %mul3A_24 = arith.constant 5.000000e-01 : f32
    %mul3A_25 = vector.broadcast %mul3A_24 : f32 to vector<2560x128xf32>
    %mul3A_26 = arith.mulf %mul3A_25, %div3A_14 : vector<2560x128xf32>
    %swap3A_27 = arith.constant 0 : index
    %swap3A_28 = arith.constant 0 : index
    %swap3A_29 = vector.load %arg6[%swap3A_27, %swap3A_28] : memref<2560x128xf32, #tpu.memory_space<vmem>>, vector<2560x128xf32>
    tpu.vector_store %arg6[%swap3A_27, %swap3A_28], %mul3A_26 {strides = array<i32>} : memref<2560x128xf32, #tpu.memory_space<vmem>>, vector<2560x128xf32>,
    %mul3A_30 = arith.mulf %add3A_7, %rsqrt3A : vector<2560x128xf32>
    %swap3A_31 = arith.constant 0 : index
    %swap3A_32 = arith.constant 0 : index
    %swap3A_33 = vector.load %arg7[%swap3A_31, %swap3A_32] : memref<2560x128xf32, #tpu.memory_space<vmem>>, vector<2560x128xf32>
    tpu.vector_store %arg7[%swap3A_31, %swap3A_32], %mul3A_30 {strides = array<i32>} : memref<2560x128xf32, #tpu.memory_space<vmem>>, vector<2560x128xf32>,
    return
  }
  func.func @transform_0(%arg0: i32) -> (i32, i32) {
    %c0_i32 = arith.constant 0 : i32
    %c0_i32_0 = arith.constant 0 : i32
    return %arg0, %c0_i32 : i32, i32
  }
  func.func @transform_1(%arg0: i32) -> (i32, i32) {
    %c0_i32 = arith.constant 0 : i32
    %c0_i32_0 = arith.constant 0 : i32
    return %arg0, %c0_i32 : i32, i32
  }
  func.func @transform_2(%arg0: i32) -> (i32, i32) {
    %add3A = arith.constant 4 : i32
    %add3A_0 = arith.addi %arg0, %add3A : i32
    %c0_i32 = arith.constant 0 : i32
    %c0_i32_1 = arith.constant 0 : i32
    return %add3A_0, %c0_i32 : i32, i32
  }
  func.func @transform_3(%arg0: i32) -> (i32, i32) {
    %c0_i32 = arith.constant 0 : i32
    %c0_i32_0 = arith.constant 0 : i32
    return %arg0, %c0_i32 : i32, i32
  }
  func.func @transform_4(%arg0: i32) -> (i32, i32) {
    %c0_i32 = arith.constant 0 : i32
    %c0_i32_0 = arith.constant 0 : i32
    return %arg0, %c0_i32 : i32, i32
  }
  func.func @transform_5(%arg0: i32) -> (i32, i32) {
    %c0_i32 = arith.constant 0 : i32
    %c0_i32_0 = arith.constant 0 : i32
    return %arg0, %c0_i32 : i32, i32
  }
  func.func @transform_6(%arg0: i32) -> (i32, i32) {
    %c0_i32 = arith.constant 0 : i32
    %c0_i32_0 = arith.constant 0 : i32
    return %arg0, %c0_i32 : i32, i32
  }
}

module attributes {stable_mosaic.version = 14 : i64} {
  func.func @_combine_body(%arg0: i32, %arg1: memref<2560x128xf32, #tpu.memory_space<vmem>>, %arg2: memref<2560x128xf32, #tpu.memory_space<vmem>>, %arg3: memref<2560x128xf32, #tpu.memory_space<vmem>>, %arg4: memref<2560x128xf32, #tpu.memory_space<vmem>>, %arg5: memref<2560x128xf32, #tpu.memory_space<vmem>>, %arg6: memref<2560x128xf32, #tpu.memory_space<vmem>>) attributes {dimension_semantics = [#tpu.dimension_semantics<arbitrary>], iteration_bounds = array<i64: 4>, scalar_prefetch = 0 : i64, scratch_operands = 0 : i64, tpu.core_type = #tpu.core_type<tc>, window_params = [{transform_indices = @transform_0, window_bounds = array<i64: 2560, 128>}, {transform_indices = @transform_1, window_bounds = array<i64: 2560, 128>}, {transform_indices = @transform_2, window_bounds = array<i64: 2560, 128>}, {transform_indices = @transform_3, window_bounds = array<i64: 2560, 128>}, {transform_indices = @transform_4, window_bounds = array<i64: 2560, 128>}, {transform_indices = @transform_5, window_bounds = array<i64: 2560, 128>}]} {
    %get3A = arith.constant 0 : index
    %get3A_0 = arith.constant 0 : index
    %get3A_1 = vector.load %arg4[%get3A, %get3A_0] : memref<2560x128xf32, #tpu.memory_space<vmem>>, vector<2560x128xf32>
    %get3A_2 = arith.constant 0 : index
    %get3A_3 = arith.constant 0 : index
    %get3A_4 = vector.load %arg1[%get3A_2, %get3A_3] : memref<2560x128xf32, #tpu.memory_space<vmem>>, vector<2560x128xf32>
    %mul3A = arith.mulf %get3A_1, %get3A_4 : vector<2560x128xf32>
    %get3A_5 = arith.constant 0 : index
    %get3A_6 = arith.constant 0 : index
    %get3A_7 = vector.load %arg5[%get3A_5, %get3A_6] : memref<2560x128xf32, #tpu.memory_space<vmem>>, vector<2560x128xf32>
    %get3A_8 = arith.constant 0 : index
    %get3A_9 = arith.constant 0 : index
    %get3A_10 = vector.load %arg2[%get3A_8, %get3A_9] : memref<2560x128xf32, #tpu.memory_space<vmem>>, vector<2560x128xf32>
    %get3A_11 = arith.constant 0 : index
    %get3A_12 = arith.constant 0 : index
    %get3A_13 = vector.load %arg3[%get3A_11, %get3A_12] : memref<2560x128xf32, #tpu.memory_space<vmem>>, vector<2560x128xf32>
    %add3A = arith.addf %get3A_10, %get3A_13 : vector<2560x128xf32>
    %mul3A_14 = arith.mulf %get3A_7, %add3A : vector<2560x128xf32>
    %add3A_15 = arith.addf %mul3A, %mul3A_14 : vector<2560x128xf32>
    %swap3A = arith.constant 0 : index
    %swap3A_16 = arith.constant 0 : index
    %swap3A_17 = vector.load %arg6[%swap3A, %swap3A_16] : memref<2560x128xf32, #tpu.memory_space<vmem>>, vector<2560x128xf32>
    tpu.vector_store %arg6[%swap3A, %swap3A_16], %add3A_15 {strides = array<i32>} : memref<2560x128xf32, #tpu.memory_space<vmem>>, vector<2560x128xf32>,
    return
  }
  func.func @transform_0(%arg0: i32) -> (i32, i32) {
    %c0_i32 = arith.constant 0 : i32
    %c0_i32_0 = arith.constant 0 : i32
    return %arg0, %c0_i32 : i32, i32
  }
  func.func @transform_1(%arg0: i32) -> (i32, i32) {
    %c0_i32 = arith.constant 0 : i32
    %c0_i32_0 = arith.constant 0 : i32
    return %arg0, %c0_i32 : i32, i32
  }
  func.func @transform_2(%arg0: i32) -> (i32, i32) {
    %add3A = arith.constant 4 : i32
    %add3A_0 = arith.addi %arg0, %add3A : i32
    %c0_i32 = arith.constant 0 : i32
    %c0_i32_1 = arith.constant 0 : i32
    return %add3A_0, %c0_i32 : i32, i32
  }
  func.func @transform_3(%arg0: i32) -> (i32, i32) {
    %c0_i32 = arith.constant 0 : i32
    %c0_i32_0 = arith.constant 0 : i32
    return %arg0, %c0_i32 : i32, i32
  }
  func.func @transform_4(%arg0: i32) -> (i32, i32) {
    %c0_i32 = arith.constant 0 : i32
    %c0_i32_0 = arith.constant 0 : i32
    return %arg0, %c0_i32 : i32, i32
  }
  func.func @transform_5(%arg0: i32) -> (i32, i32) {
    %c0_i32 = arith.constant 0 : i32
    %c0_i32_0 = arith.constant 0 : i32
    return %arg0, %c0_i32 : i32, i32
  }
}

module attributes {stable_mosaic.version = 14 : i64} {
  func.func @_final_body(%arg0: i32, %arg1: memref<2560x128xf32, #tpu.memory_space<vmem>>, %arg2: memref<2560x128xf32, #tpu.memory_space<vmem>>, %arg3: memref<128x128xf32, #tpu.memory_space<vmem>>, %arg4: memref<1x128xf32, #tpu.memory_space<vmem>>, %arg5: memref<2560x128xf32, #tpu.memory_space<vmem>>) attributes {dimension_semantics = [#tpu.dimension_semantics<arbitrary>], iteration_bounds = array<i64: 4>, scalar_prefetch = 0 : i64, scratch_operands = 0 : i64, tpu.core_type = #tpu.core_type<tc>, window_params = [{transform_indices = @transform_0, window_bounds = array<i64: 2560, 128>}, {transform_indices = @transform_1, window_bounds = array<i64: 2560, 128>}, {pipeline_mode = #tpu.pipeline_mode<synchronous>, transform_indices = @transform_2, window_bounds = array<i64: 128, 128>}, {pipeline_mode = #tpu.pipeline_mode<synchronous>, transform_indices = @transform_3, window_bounds = array<i64: 1, 128>}, {transform_indices = @transform_4, window_bounds = array<i64: 2560, 128>}]} {
    %get3A = arith.constant 0 : index
    %get3A_0 = arith.constant 0 : index
    %get3A_1 = vector.load %arg1[%get3A, %get3A_0] : memref<2560x128xf32, #tpu.memory_space<vmem>>, vector<2560x128xf32>
    %get3A_2 = arith.constant 0 : index
    %get3A_3 = arith.constant 0 : index
    %get3A_4 = vector.load %arg2[%get3A_2, %get3A_3] : memref<2560x128xf32, #tpu.memory_space<vmem>>, vector<2560x128xf32>
    %mul3A = arith.mulf %get3A_1, %get3A_4 : vector<2560x128xf32>
    %get3A_5 = arith.constant 0 : index
    %get3A_6 = arith.constant 0 : index
    %get3A_7 = vector.load %arg3[%get3A_5, %get3A_6] : memref<128x128xf32, #tpu.memory_space<vmem>>, vector<128x128xf32>
    %dot_general3A = arith.constant dense<0.000000e+00> : vector<2560x128xf32>
    %dot_general3A_8 = tpu.matmul %mul3A, %get3A_7, %dot_general3A {dimension_numbers = #tpu.dot_dimension_numbers<[1], [0], [0], [1], [0, 0, 1, 1], [], []>, transpose_lhs_hint = false} : vector<2560x128xf32>, vector<128x128xf32>, vector<2560x128xf32> -> vector<2560x128xf32>
    %get3A_9 = arith.constant 0 : index
    %get3A_10 = arith.constant 0 : index
    %get3A_11 = vector.load %arg4[%get3A_9, %get3A_10] : memref<1x128xf32, #tpu.memory_space<vmem>>, vector<1x128xf32>
    %add3A = vector.broadcast %get3A_11 : vector<1x128xf32> to vector<2560x128xf32>
    %add3A_12 = arith.addf %dot_general3A_8, %add3A : vector<2560x128xf32>
    %swap3A = arith.constant 0 : index
    %swap3A_13 = arith.constant 0 : index
    %swap3A_14 = vector.load %arg5[%swap3A, %swap3A_13] : memref<2560x128xf32, #tpu.memory_space<vmem>>, vector<2560x128xf32>
    tpu.vector_store %arg5[%swap3A, %swap3A_13], %add3A_12 {strides = array<i32>} : memref<2560x128xf32, #tpu.memory_space<vmem>>, vector<2560x128xf32>,
    return
  }
  func.func @transform_0(%arg0: i32) -> (i32, i32) {
    %c0_i32 = arith.constant 0 : i32
    %c0_i32_0 = arith.constant 0 : i32
    return %arg0, %c0_i32 : i32, i32
  }
  func.func @transform_1(%arg0: i32) -> (i32, i32) {
    %c0_i32 = arith.constant 0 : i32
    %c0_i32_0 = arith.constant 0 : i32
    return %arg0, %c0_i32 : i32, i32
  }
  func.func @transform_2(%arg0: i32) -> (i32, i32) {
    %c0_i32 = arith.constant 0 : i32
    %c0_i32_0 = arith.constant 0 : i32
    %c0_i32_1 = arith.constant 0 : i32
    return %c0_i32, %c0_i32_0 : i32, i32
  }
  func.func @transform_3(%arg0: i32) -> (i32, i32) {
    %c0_i32 = arith.constant 0 : i32
    %c0_i32_0 = arith.constant 0 : i32
    %c0_i32_1 = arith.constant 0 : i32
    return %c0_i32, %c0_i32_0 : i32, i32
  }
  func.func @transform_4(%arg0: i32) -> (i32, i32) {
    %c0_i32 = arith.constant 0 : i32
    %c0_i32_0 = arith.constant 0 : i32
    return %arg0, %c0_i32 : i32, i32
  }
}

</mosaic_0001>

<sc_bundles>
// kernel: kernel.21.cloned.1.call-start
scs
__scs_entry_jumppad:
0x0: {  	(pc) =	sbr.rel $0x88, $3  }
0x1: {  	(tag) =	ssettag $0x0;
	lr =	simm.s32 $0x1  }
0x2: {  	[smem:$0x3F9D] =	sst lr;
	_ =	strace $0xD0000000  }
0x3: {  	_ = 	snop  }
0x4: {  	_ = 	snop  }
0x5: {  	_ = 	snop  }
0x6: {  	_ = 	snop  }
0x7: {  	_ = 	snop  }
__scs_overlays_trampoline_lowered:
0x8: {  	[smem:$0x3FAC] =	sst s0  }
0x9: {  	[smem:$0x3FAD] =	sst s1  }
0xa: {  	[smem:$0x3FAE] =	sst s2  }
0xb: {  	[smem:$0x3FAF] =	sst s3  }
0xc: {  	[smem:$0x3FB0] =	sst s4  }
0xd: {  	[smem:$0x3FB1] =	sst s5  }
0xe: {  	[smem:$0x3FB2] =	sst s6  }
0xf: {  	[smem:$0x3FB3] =	sst s7  }
0x10: {  	[smem:$0x3FB4] =	sst s8  }
0x11: {  	[smem:$0x3FB5] =	sst s9;
	s0 =	simm.s32 @!p0 $0x0  }
0x12: {  	s1 =	sld [smem:$0x3F9B];
	s0 =	simm.s32 @p0 $0x1  }
0x13: {  	[smem:$0x3FB6] =	sst s0;
	s0 =	simm.s32 @!p1 $0x0  }
0x14: {  	s2 =	sld [smem:$0x3F9A];
	s0 =	simm.s32 @p1 $0x1  }
0x15: {  	[smem:$0x3FB7] =	sst s0;
	s0 =	simm.s32 @!p2 $0x0  }
0x16: {  	s3 =	sld [smem:$0x3FDB];
	s0 =	simm.s32 @p2 $0x1  }
0x17: {  	s4 =	simm.s32 $0x1BF5;
	[smem:$0x3FB9] =	sst s0  }
0x18: {  	s0 =	sld [smem:$0x3F9C];
	_ =	swait.ge [sflag:s4], $0x0  }
0x19: {  	s7 =	sld [smem:$0x3F9D]  }
0x1a: {  	s8 =	sadd.s32 $0xFFFFE003, lr  }
0x1b: {  	s9 =	sadd.s32 $0xFFFFFEF7, lr;
	s5 =	simm.s32 $0xFFFFFFFF;
	p2 =	slt.u32 s8, $0xFFFFF086  }
0x1c: {  	p1 =	slt.u32 s9, $0xF7A;
	s5 =	simm.s32 @!p2 $0x0  }
0x1d: {  	s5 =	simm.s32 @p1 $0x1;
	p0 =	seq.s32 s7, s2  }
0x1e: {  	s7 =	smul.u32 @!p0 $0xF7A, s2;
	p2 =	seq.s32 @!p0 s5, $0x0  }
0x1f: {  	s9 =	smul.u32 $0xF7A, s1;
	s8 =	simm.s32 @!p0 $0x1BF5;
	p2 =	por !p2, p0  }
0x20: {  	[sflag:s8] =	ssyncset.s32 @!p0 $0xFFFFF086;
	s6 =	sadd.s32 @!p0 s3, s7;
	s7 =	simm.s32 @!p0 $0x108  }
0x21: {  	s3 =	sadd.s32 s3, s9;
	s6 =	sadd.s32 @!p0 $0x88, s6;
	s7 =	simm.s32 @p2 $0x1082  }
0x22: {  	[simem:s7], [sflag:s8] =	dma.local @!p0 [hbm:s6], $0xF7A  }
0x23: {  	s9 =	sor.u32 $0xD0000000, s2;
	s6 =	simm.s32 $0x108;
	_ =	swait.ge @!p0 [sflag:s8], $0x0  }
0x24: {  	s3 =	sadd.s32 $0x88, s3;
	s6 =	simm.s32 @!p1 $0x1082;
	[sflag:s4] =	ssyncset.s32 $0xFFFFF086  }
0x25: {  	[simem:s6], [sflag:s4] =	dma.local [hbm:s3], $0xF7A  }
0x26: {  	[smem:$0x3F9D] =	sst s1;
	(tag) =	ssettag s2;
	_ =	strace s9  }
0x27: {  	s1 =	sld [smem:$0x3FAD]  }
0x28: {  	s2 =	sld [smem:$0x3FAE]  }
0x29: {  	s4 =	sld [smem:$0x3FB0]  }
0x2a: {  	p0 =	seq.s32 s5, $0x0;
	s5 =	sld [smem:$0x3FB1]  }
0x2b: {  	s6 =	sld [smem:$0x3FB2]  }
0x2c: {  	s7 =	sld [smem:$0x3FB3]  }
0x2d: {  	s3 =	simm.s32 $0x108;
	s8 =	sld [smem:$0x3FB4]  }
0x2e: {  	s3 =	simm.s32 @!p0 $0x1082;
	s9 =	sld [smem:$0x3FB5]  }
0x2f: {  	lr =	sadd.s32 s0, s3;
	s0 =	sld [smem:$0x3FAC]  }
0x30: {  	s3 =	sld [smem:$0x3FAF]  }
0x31: {  	[smem:$0x3FB8] =	sst s10  }
0x32: {  	s10 =	sld [smem:$0x3FB6];
	_ =	sdelay $0x3  }
0x33: {  	p0 =	seq.s32 s10, $0x1;
	s10 =	sld [smem:$0x3FB8];
	_ =	sdelay $0x3  }
0x34: {  	[smem:$0x3FB8] =	sst s10  }
0x35: {  	s10 =	sld [smem:$0x3FB7];
	_ =	sdelay $0x3  }
0x36: {  	p1 =	seq.s32 s10, $0x1;
	s10 =	sld [smem:$0x3FB8];
	_ =	sdelay $0x3  }
0x37: {  	[smem:$0x3FB8] =	sst s10  }
0x38: {  	s10 =	sld [smem:$0x3FB9]  }
0x39: {  	_ = 	snop;
	(pc) =	sbr.ind lr, $3  }
0x3a: {  	_ = 	snop  }
0x3b: {  	_ = 	snop  }
0x3c: {  	p2 =	seq.s32 s10, $0x1;
	s10 =	sld [smem:$0x3FB8]  }
0x3d: {  	_ =	shalt  }
0x3e: {  	_ =	shalt  }
0x3f: {  	_ =	shalt  }
0x40: {  	_ =	shalt  }
0x41: {  	_ =	shalt  }
0x42: {  	_ =	shalt  }
0x43: {  	_ =	shalt  }
0x44: {  	_ =	shalt  }
0x45: {  	_ =	shalt  }
0x46: {  	_ =	shalt  }
0x47: {  	_ =	shalt  }
0x48: {  	_ =	shalt  }
0x49: {  	_ =	shalt  }
0x4a: {  	_ =	shalt  }
0x4b: {  	_ =	shalt  }
0x4c: {  	_ =	shalt  }
0x4d: {  	_ =	shalt  }
0x4e: {  	_ =	shalt  }
0x4f: {  	_ =	shalt  }
0x50: {  	_ =	shalt  }
0x51: {  	_ =	shalt  }
0x52: {  	_ =	shalt  }
0x53: {  	_ =	shalt  }
0x54: {  	_ =	shalt  }
0x55: {  	_ =	shalt  }
0x56: {  	_ =	shalt  }
0x57: {  	_ =	shalt  }
0x58: {  	_ =	shalt  }
0x59: {  	_ =	shalt  }
0x5a: {  	_ =	shalt  }
0x5b: {  	_ =	shalt  }
0x5c: {  	_ =	shalt  }
0x5d: {  	_ =	shalt  }
0x5e: {  	_ =	shalt  }
0x5f: {  	_ =	shalt  }
0x60: {  	_ =	shalt  }
0x61: {  	_ =	shalt  }
0x62: {  	_ =	shalt  }
0x63: {  	_ =	shalt  }
0x64: {  	_ =	shalt  }
0x65: {  	_ =	shalt  }
0x66: {  	_ =	shalt  }
0x67: {  	_ =	shalt  }
0x68: {  	_ =	shalt  }
0x69: {  	_ =	shalt  }
0x6a: {  	_ =	shalt  }
0x6b: {  	_ =	shalt  }
0x6c: {  	_ =	shalt  }
0x6d: {  	_ =	shalt  }
0x6e: {  	_ =	shalt  }
0x6f: {  	_ =	shalt  }
0x70: {  	_ =	shalt  }
0x71: {  	_ =	shalt  }
0x72: {  	_ =	shalt  }
0x73: {  	_ =	shalt  }
0x74: {  	_ =	shalt  }
0x75: {  	_ =	shalt  }
0x76: {  	_ =	shalt  }
0x77: {  	_ =	shalt  }
0x78: {  	_ =	shalt  }
0x79: {  	_ =	shalt  }
0x7a: {  	_ =	shalt  }
0x7b: {  	_ =	shalt  }
0x7c: {  	_ =	shalt  }
0x7d: {  	_ =	shalt  }
0x7e: {  	_ =	shalt  }
0x7f: {  	_ =	shalt  }
0x80: {  	_ =	shalt  }
0x81: {  	_ =	shalt  }
0x82: {  	_ =	shalt  }
0x83: {  	_ =	shalt  }
0x84: {  	_ =	shalt  }
0x85: {  	_ =	shalt  }
0x86: {  	_ =	shalt  }
0x87: {  	_ =	shalt  }
.Lfunc_end0:
.L_simem_size_0:
called_computation_lowered:
.L_overlay_start_0:
0x88: {  	s2 =	sld [smem:$0x3FD9]  }
0x89: {  	s3 =	sld [smem:$0x3FFE];
	_ =	sdelay $0x1  }
0x8a: {  	s1 =	srdreg.scid  }
0x8b: {  	s0 =	sand.u32 $0x1, s1  }
0x8c: {  	s17 =	sshll.u32 s0, $0xA;
	s2 =	sadd.s32 s3, s2  }
0x8d: {  	s2 =	sadd.s32 s2, s17  }
0x8e: {  	[smem:$0x3FC4] =	sst s2  }
0x8f: {  	_ = 	snop  }
0x90: {  	s2 =	sld [smem:$0x3FD0];
	(tm) =	ssettm $0x1  }
0x91: {  	s18 =	sld [smem:$0x3FFB];
	_ =	sdelay $0x3  }
0x92: {  	_ =	strace s18  }
0x93: {  	s3 =	sld [smem:$0x3FFC];
	_ =	sdelay $0x3  }
0x94: {  	_ =	strace s3  }
0x95: {  	s3 =	sld [smem:$0x3FFD];
	_ =	sdelay $0x3  }
0x96: {  	_ =	strace s3  }
0x97: {  	_ =	strace $0x8FFFFFFF  }
0x98: {  	s19 =	sld [smem:$0x3FDB];
	_ =	sdelay $0x1  }
0x99: {  	s4 =	simm.s32 $_scs_section_size  }
0x9a: {  	s5 =	simm.s32 $_size__tile_overlayer_lowered;
	s6 =	simm.s32 $_tile_overlayer_lowered  }
0x9b: {  	s22 =	simm.s32 $0x1BFF;
	s21 =	sshll.u32 s6, $0x1;
	s3 =	sadd.s32 s4, s19  }
0x9c: {  	s7 =	simm.s32 $0x0;
	s20 =	sshll.u32 s5, $0x1;
	s5 =	sadd.s32 s21, s3  }
0x9d: {  	[timem:s7], [sflag:s22] =	dma.local [hbm:s5], s20  }
0x9e: {  	_ =	swait.ge [sflag:s22], s20  }
0x9f: {  	s4 =	ssub.s32 $0x0, s20;
	[sflag:s22] =	ssyncset.done $0x0  }
0xa0: {  	[sflag:s22] =	ssyncadd.s32 s4;
	_ =	sdelay $0x1  }
0xa1: {  	s23 =	simm.s32 $0x1B8B  }
0xa2: {  	_ =	swait.ge [sflag:s23], $0x1  }
0xa3: {  	[sflag:s23] =	ssyncset.done $0x0  }
0xa4: {  	s25 =	simm.s32 $0x1B8E;
	s24 =	sld [smem:$0x3FFE];
	[sflag:s23] =	ssyncadd.s32 $0xFFFFFFFF  }
0xa5: {  	s26 =	simm.s32 $execute0_lowered;
	[smem:$0x3FD2] =	sst s25  }
0xa6: {  	s5 =	sshll.u32 s26, $0x1;
	_ =	strace $0x80000046;
	[dreg:$0x1] =	wrdreg $0xFFFFFFFF  }
0xa7: {  	s28 =	simm.s32 $_size_execute0_lowered;
	s3 =	sadd.s32 s3, s5;
	[dreg:$0x0] =	wrdreg $0x0  }
0xa8: {  	s5 =	sshll.u32 s28, $0x1;
	[dreg:$0x2] =	wrdreg s3  }
0xa9: {  	[dreg:$0x3] =	wrdreg s5  }
0xaa: {  	[dreg:$0x4] =	wrdreg $0xC0  }
0xab: {  	_ =	task [dreg:s7], $0x5FFFF  }
0xac: {  	[dreg:$0x1] =	wrdreg $0xFFFFFFFF  }
0xad: {  	[dreg:$0x0] =	wrdreg $0x60  }
0xae: {  	[dreg:$0x2] =	wrdreg s24  }
0xaf: {  	[dreg:$0x3] =	wrdreg s2  }
0xb0: {  	[dreg:$0x4] =	wrdreg $0x90000  }
0xb1: {  	[dreg:$0x5] =	wrdreg $0x9  }
0xb2: {  	_ =	task.clear_ibuf [dreg:s7], $0x6FFFF;
	_ =	strace $0x90000046  }
0xb3: {  	s29 =	simm.s32 $0x9;
	_ =	strace $0x80000048  }
0xb4: {  	_ =	swait.ge [sflag:s29], $0x1  }
0xb5: {  	[sflag:s29] =	ssyncadd.s32 $0xFFFFFFFF  }
0xb6: {  	_ =	strace $0x90000048  }
0xb7: {  	_ =	sfence  }
0xb8: {  	s30 =	sld [smem:$0x0];
	_ =	sdelay $0x2  }
0xb9: {  	s31 =	sshll.u32 s1, $0xD;
	s1 =	sshrl.u32 s1, $0x2  }
0xba: {  	s3 =	sand.u32 $0x4000, s31;
	s1 =	sadd.s32 s1, s30  }
0xbb: {  	s0 =	sor.u32 s3, s0;
	s1 =	sshll.u32 s1, $0x11  }
0xbc: {  	s0 =	sor.u32 s1, s0  }
0xbd: {  	s0 =	sadd.s32 $0x8F2B, s0  }
0xbe: {  	[sflag:s0] =	ssyncadd.remote.s32 $0x1  }
0xbf: {  	_ =	sfence.sel $0xFFFF  }
0xc0: {  	[dreg:$0x0] =	wrdreg $0xFFFFFFFF;
	(pc) =	sbr.abs _section_cstart, $3  }
0xc1: {  	[dreg:$0x1] =	wrdreg $0xFFFFFFFF  }
0xc2: {  	_ =	task.clear_ibuf [dreg:s7], $0x2FFFF;
	_ =	strace $0x9FFFFFFF  }
0xc3: {  	(tm) =	ssettm $0x7FFFFFFF  }
tec
execute0_lowered:
.L_overlay_start_1:
0x0: {  	(tag) =	ssettag $0x1  }
0x1: {  	s5 =	rddreg [dreg:$0x0]  }
0x2: {  	s7 =	rddreg [dreg:$0x1]  }
0x3: {  	s0 =	srdreg.scid;
	s2 =	rddreg [dreg:$0x2]  }
0x4: {  	s3 =	simm.s32 $0x0;
	s14 =	simm.s32 $0x80;
	s15 =	simm.s32 $0x5000  }
0x5: {  	s16 =	simm.s32 $0x1;
	s6 =	sand.u32 $0x1, s0;
	s0 =	stileid.u32  }
0x6: {  	s17 =	simm.s32 $0x0;
	[smem:$0x7FF] =	sst s3;
	s9 =	smul.u32 $0x2800, s0  }
0x7: {  	s1 =	sshll.u32 s6, $0x4;
	s10 =	smul.u32 $0x28000, s6;
	s6 =	ssub.s32 $0x2, s6  }
0x8: {  	s12 =	smul.u32 $0x50000, s0;
	s31 =	sshll.u32 s0, $0x6;
	s4 =	sor.u32 s0, s1  }
0x9: {  	s1 =	rddreg [dreg:$0x3];
	_ =	strace $0x80000047;
	s29 =	sshrl.u32 s6, $0x1  }
0xa: {  	s8 =	smul.u32 $0x500, s4;
	s4 =	sadd.s32 $0xEE00, s5;
	s13 =	sadd.s32 s9, s5  }
0xb: {  	s9 =	sadd.s32 s9, s10;
	s10 =	ssub.s32 s6, s29;
	s30 =	sshrl.u32 s12, $0x2  }
0xc: {  	s6 =	sor.u32 $0x1C02, s31;
	s9 =	sadd.s32 s9, s5;
	s12 =	sadd.s32 s30, s2  }
0xd: {  	s10 =	smax.u32 s10, $0x1;
	s11 =	sadd.s32 s8, s5;
	s5 =	sadd.s32 $0x36E00, s13  }
0xe: {  	s7 =	sadd.s32 s7, s8;
	s9 =	sadd.s32 $0x5EE00, s9;
	s13 =	simm.s32 $0x2800  }
0xf: {  	s8 =	sadd.s32 $0x4E00, s11;
	s11 =	sshrl.u32 s12, $0x3;
	s12 =	simm.s32 $0x2  }
.LBB2_1:
0x10: {  	[spmem:s11], [sflag:s6] =	dma.local [hbm:s5], $0x2800  }
0x11: {  	_ =	swait.ge [sflag:s12], $0x2800  }
0x12: {  	[sflag:s12] =	ssyncset.done $0x0  }
0x13: {  	[sflag:s12] =	ssyncadd.s32 $0xFFFFD800  }
0x14: {  	[bflag:$0x0] =	sbarrier.arrive $0xFFFF  }
0x15: {  	[tilespmem:s3], [sflag:$0x2] =	stream.linear.gather [hbm4b:s7+s3], $0x2780, $0x38;
	[tilespmem:$0x1D000] =	vst v63  }
0x16: {  	_ =	swait.ge [sflag:s12], $0x2780  }
0x17: {  	[sflag:s12] =	ssyncset.done $0x0  }
0x18: {  	[sflag:s12] =	ssyncadd.s32 $0xFFFFD880  }
0x19: {  	[tilespmem:s13], [sflag:$0x2] =	stream.linear.gather [hbm4b:s8+s3], $0x2780, $0x38;
	[tilespmem:$0x1D000] =	vst v63  }
0x1a: {  	_ =	swait.ge [sflag:s12], $0x2780  }
0x1b: {  	[sflag:s12] =	ssyncset.done $0x0  }
0x1c: {  	s18 =	simm.s32 $0x0;
	[sflag:s12] =	ssyncadd.s32 $0xFFFFD880  }
0x1d: {  	[tilespmem:s15], [sflag:$0x1] =	stream.indirect.gather [hbm4b:s4+s14], $0x80, s18, s14, $0xb8;
	[tilespmem:$0x1D000] =	vst v63  }
0x1e: {  	_ =	swait.ge [sflag:s16], $0x4000  }
0x1f: {  	[sflag:s16] =	ssyncset.done $0x0  }
0x20: {  	s31 =	simm.s32 $0x2800;
	[sflag:s16] =	ssyncadd.s32 $0xFFFFC000  }
0x21: {  	[spmem:s2] =	stream.indirect.scatter.add.f32 [tilespmem:s15], [sflag:$0x2], $0x80, s31, s14, $0xb8;
	[tilespmem:$0x1D000] =	vst v63  }
0x22: {  	_ =	swait.ge [sflag:s12], $0x4000  }
0x23: {  	s19 =	simm.s32 $0x400;
	s18 =	simm.s32 $0x200;
	[sflag:s12] =	ssyncset.done $0x0  }
.LBB2_2:
0x24: {  	s20 =	sshra.s32 s18, $0x2  }
0x25: {  	[sflag:s12] =	ssyncadd.s32 $0xFFFFC000;
	s18 =	smov.u32 s19;
	s21 =	sadd.s32 $0x200, s19  }
0x26: {  	[tilespmem:s15], [sflag:$0x1] =	stream.indirect.gather [hbm4b:s4+s14], $0x80, s20, s14, $0xb8;
	[tilespmem:$0x1D000] =	vst v63  }
0x27: {  	p0 =	sne.s32 s19, $0x9C00;
	_ =	swait.ge [sflag:s16], $0x4000  }
.Ltmp0:
0x28: {  	[sflag:s16] =	ssyncset.done $0x0;
	(pc) =	sbr.rel @p0 .LBB2_2-.Ltmp0, $4  }
0x29: {  	s19 =	sadd.s32 $0x2800, s20;
	[sflag:s16] =	ssyncadd.s32 $0xFFFFC000  }
0x2a: {  	[spmem:s2] =	stream.indirect.scatter.add.f32 [tilespmem:s15], [sflag:$0x2], $0x80, s19, s14, $0xb8;
	[tilespmem:$0x1D000] =	vst v63  }
0x2b: {  	_ =	swait.ge [sflag:s12], $0x4000  }
0x2c: {  	s19 =	smov.u32 s21;
	[sflag:s12] =	ssyncset.done $0x0  }
0x2d: {  	s18 =	sshra.s32 s18, $0x2;
	[sflag:s12] =	ssyncadd.s32 $0xFFFFC000  }
0x2e: {  	[tilespmem:s15], [sflag:$0x1] =	stream.indirect.gather [hbm4b:s4+s14], $0x80, s18, s14, $0xb8;
	[tilespmem:$0x1D000] =	vst v63  }
0x2f: {  	_ =	swait.ge [sflag:s16], $0x4000  }
0x30: {  	[sflag:s16] =	ssyncset.done $0x0  }
0x31: {  	s18 =	sadd.s32 $0x2800, s18;
	[sflag:s16] =	ssyncadd.s32 $0xFFFFC000  }
0x32: {  	[spmem:s2] =	stream.indirect.scatter.add.f32 [tilespmem:s15], [sflag:$0x2], $0x80, s18, s14, $0xb8;
	[tilespmem:$0x1D000] =	vst v63  }
0x33: {  	_ =	swait.ge [sflag:s12], $0x4000  }
0x34: {  	s17 =	sadd.s32 $0x1, s17;
	[sflag:s12] =	ssyncset.done $0x0  }
0x35: {  	p0 =	sne.s32 s17, s10;
	[sflag:s12] =	ssyncadd.s32 $0xFFFFC000  }
.Ltmp1:
0x36: {  	[bflag:$0x0] =	sbarrier.arrive $0xFFFF;
	(pc) =	sbr.rel @p0 .LBB2_1-.Ltmp1, $4  }
0x37: {  	[hbm:s9], [sflag:s6] =	dma.local [spmem:s11], $0x2800  }
0x38: {  	_ =	swait.ge [sflag:s12], $0x2800  }
0x39: {  	[sflag:s12] =	ssyncset.done $0x0  }
0x3a: {  	[sflag:s12] =	ssyncadd.s32 $0xFFFFD800  }
0x3b: {  	_ =	sfence.sel $0x180000  }
0x3c: {  	[bflag:$0x0] =	sbarrier.arrive $0xFFFF  }
0x3d: {  	p0 =	sne.s32 s0, $0x0;
	_ =	strace $0x90000047  }
0x3e: {  	s0 =	sadd.s32 @!p0 $0x100000, s1;
	[bflag:$0x2] =	sbarrier.arrive $0xFFFF  }
0x3f: {  	[sflag:s0] =	ssyncadd.tile.s32 @!p0 $0x1;
	_ =	shalt  }
.Lfunc_end2:
_tile_overlayer_lowered:
.L_overlay_start_2:
0x40: {  	(tag) =	ssettag $0x2  }
0x41: {  	s0 =	rddreg [dreg:$0x0];
	s2 =	stileid.u32  }
0x42: {  	s1 =	rddreg [dreg:$0x1];
	p0 =	sne.s32 s2, $0x0  }
0x43: {  	s3 =	rddreg [dreg:$0x2];
	[bflag:$0x3] =	sbarrier.arrive $0xFFFF;
	s2 =	simm.s32 @!p0 $0x1C02  }
0x44: {  	[timem:s3], [sflag:s2] =	dma.local @!p0 [hbm:s0], s1  }
0x45: {  	s0 =	simm.s32 @!p0 $0x2  }
0x46: {  	_ =	swait.ge @!p0 [sflag:s0], s1  }
0x47: {  	s1 =	ssub.s32 @!p0 $0x0, s1;
	[sflag:s0] =	ssyncset.done @!p0 $0x0  }
0x48: {  	[sflag:s0] =	ssyncadd.s32 @!p0 s1  }
0x49: {  	[bflag:$0x3] =	sbarrier.arrive $0xFFFF  }
0x4a: {  	_ =	shalt  }

// kernel: kernel.24.cloned.1.call-start
scs
__scs_entry_jumppad:
0x0: {  	(pc) =	sbr.rel $0x88, $3  }
0x1: {  	(tag) =	ssettag $0x0;
	lr =	simm.s32 $0x1  }
0x2: {  	[smem:$0x3F9D] =	sst lr;
	_ =	strace $0xD0000000  }
0x3: {  	_ = 	snop  }
0x4: {  	_ = 	snop  }
0x5: {  	_ = 	snop  }
0x6: {  	_ = 	snop  }
0x7: {  	_ = 	snop  }
__scs_overlays_trampoline_lowered:
0x8: {  	[smem:$0x3FAC] =	sst s0  }
0x9: {  	[smem:$0x3FAD] =	sst s1  }
0xa: {  	[smem:$0x3FAE] =	sst s2  }
0xb: {  	[smem:$0x3FAF] =	sst s3  }
0xc: {  	[smem:$0x3FB0] =	sst s4  }
0xd: {  	[smem:$0x3FB1] =	sst s5  }
0xe: {  	[smem:$0x3FB2] =	sst s6  }
0xf: {  	[smem:$0x3FB3] =	sst s7  }
0x10: {  	[smem:$0x3FB4] =	sst s8  }
0x11: {  	[smem:$0x3FB5] =	sst s9;
	s0 =	simm.s32 @!p0 $0x0  }
0x12: {  	s1 =	sld [smem:$0x3F9B];
	s0 =	simm.s32 @p0 $0x1  }
0x13: {  	[smem:$0x3FB6] =	sst s0;
	s0 =	simm.s32 @!p1 $0x0  }
0x14: {  	s2 =	sld [smem:$0x3F9A];
	s0 =	simm.s32 @p1 $0x1  }
0x15: {  	[smem:$0x3FB7] =	sst s0;
	s0 =	simm.s32 @!p2 $0x0  }
0x16: {  	s3 =	sld [smem:$0x3FDB];
	s0 =	simm.s32 @p2 $0x1  }
0x17: {  	s4 =	simm.s32 $0x1BF5;
	[smem:$0x3FB9] =	sst s0  }
0x18: {  	s0 =	sld [smem:$0x3F9C];
	_ =	swait.ge [sflag:s4], $0x0  }
0x19: {  	s7 =	sld [smem:$0x3F9D]  }
0x1a: {  	s8 =	sadd.s32 $0xFFFFE003, lr  }
0x1b: {  	s9 =	sadd.s32 $0xFFFFFEF7, lr;
	s5 =	simm.s32 $0xFFFFFFFF;
	p2 =	slt.u32 s8, $0xFFFFF086  }
0x1c: {  	p1 =	slt.u32 s9, $0xF7A;
	s5 =	simm.s32 @!p2 $0x0  }
0x1d: {  	s5 =	simm.s32 @p1 $0x1;
	p0 =	seq.s32 s7, s2  }
0x1e: {  	s7 =	smul.u32 @!p0 $0xF7A, s2;
	p2 =	seq.s32 @!p0 s5, $0x0  }
0x1f: {  	s9 =	smul.u32 $0xF7A, s1;
	s8 =	simm.s32 @!p0 $0x1BF5;
	p2 =	por !p2, p0  }
0x20: {  	[sflag:s8] =	ssyncset.s32 @!p0 $0xFFFFF086;
	s6 =	sadd.s32 @!p0 s3, s7;
	s7 =	simm.s32 @!p0 $0x108  }
0x21: {  	s3 =	sadd.s32 s3, s9;
	s6 =	sadd.s32 @!p0 $0x88, s6;
	s7 =	simm.s32 @p2 $0x1082  }
0x22: {  	[simem:s7], [sflag:s8] =	dma.local @!p0 [hbm:s6], $0xF7A  }
0x23: {  	s9 =	sor.u32 $0xD0000000, s2;
	s6 =	simm.s32 $0x108;
	_ =	swait.ge @!p0 [sflag:s8], $0x0  }
0x24: {  	s3 =	sadd.s32 $0x88, s3;
	s6 =	simm.s32 @!p1 $0x1082;
	[sflag:s4] =	ssyncset.s32 $0xFFFFF086  }
0x25: {  	[simem:s6], [sflag:s4] =	dma.local [hbm:s3], $0xF7A  }
0x26: {  	[smem:$0x3F9D] =	sst s1;
	(tag) =	ssettag s2;
	_ =	strace s9  }
0x27: {  	s1 =	sld [smem:$0x3FAD]  }
0x28: {  	s2 =	sld [smem:$0x3FAE]  }
0x29: {  	s4 =	sld [smem:$0x3FB0]  }
0x2a: {  	p0 =	seq.s32 s5, $0x0;
	s5 =	sld [smem:$0x3FB1]  }
0x2b: {  	s6 =	sld [smem:$0x3FB2]  }
0x2c: {  	s7 =	sld [smem:$0x3FB3]  }
0x2d: {  	s3 =	simm.s32 $0x108;
	s8 =	sld [smem:$0x3FB4]  }
0x2e: {  	s3 =	simm.s32 @!p0 $0x1082;
	s9 =	sld [smem:$0x3FB5]  }
0x2f: {  	lr =	sadd.s32 s0, s3;
	s0 =	sld [smem:$0x3FAC]  }
0x30: {  	s3 =	sld [smem:$0x3FAF]  }
0x31: {  	[smem:$0x3FB8] =	sst s10  }
0x32: {  	s10 =	sld [smem:$0x3FB6];
	_ =	sdelay $0x3  }
0x33: {  	p0 =	seq.s32 s10, $0x1;
	s10 =	sld [smem:$0x3FB8];
	_ =	sdelay $0x3  }
0x34: {  	[smem:$0x3FB8] =	sst s10  }
0x35: {  	s10 =	sld [smem:$0x3FB7];
	_ =	sdelay $0x3  }
0x36: {  	p1 =	seq.s32 s10, $0x1;
	s10 =	sld [smem:$0x3FB8];
	_ =	sdelay $0x3  }
0x37: {  	[smem:$0x3FB8] =	sst s10  }
0x38: {  	s10 =	sld [smem:$0x3FB9]  }
0x39: {  	_ = 	snop;
	(pc) =	sbr.ind lr, $3  }
0x3a: {  	_ = 	snop  }
0x3b: {  	_ = 	snop  }
0x3c: {  	p2 =	seq.s32 s10, $0x1;
	s10 =	sld [smem:$0x3FB8]  }
0x3d: {  	_ =	shalt  }
0x3e: {  	_ =	shalt  }
0x3f: {  	_ =	shalt  }
0x40: {  	_ =	shalt  }
0x41: {  	_ =	shalt  }
0x42: {  	_ =	shalt  }
0x43: {  	_ =	shalt  }
0x44: {  	_ =	shalt  }
0x45: {  	_ =	shalt  }
0x46: {  	_ =	shalt  }
0x47: {  	_ =	shalt  }
0x48: {  	_ =	shalt  }
0x49: {  	_ =	shalt  }
0x4a: {  	_ =	shalt  }
0x4b: {  	_ =	shalt  }
0x4c: {  	_ =	shalt  }
0x4d: {  	_ =	shalt  }
0x4e: {  	_ =	shalt  }
0x4f: {  	_ =	shalt  }
0x50: {  	_ =	shalt  }
0x51: {  	_ =	shalt  }
0x52: {  	_ =	shalt  }
0x53: {  	_ =	shalt  }
0x54: {  	_ =	shalt  }
0x55: {  	_ =	shalt  }
0x56: {  	_ =	shalt  }
0x57: {  	_ =	shalt  }
0x58: {  	_ =	shalt  }
0x59: {  	_ =	shalt  }
0x5a: {  	_ =	shalt  }
0x5b: {  	_ =	shalt  }
0x5c: {  	_ =	shalt  }
0x5d: {  	_ =	shalt  }
0x5e: {  	_ =	shalt  }
0x5f: {  	_ =	shalt  }
0x60: {  	_ =	shalt  }
0x61: {  	_ =	shalt  }
0x62: {  	_ =	shalt  }
0x63: {  	_ =	shalt  }
0x64: {  	_ =	shalt  }
0x65: {  	_ =	shalt  }
0x66: {  	_ =	shalt  }
0x67: {  	_ =	shalt  }
0x68: {  	_ =	shalt  }
0x69: {  	_ =	shalt  }
0x6a: {  	_ =	shalt  }
0x6b: {  	_ =	shalt  }
0x6c: {  	_ =	shalt  }
0x6d: {  	_ =	shalt  }
0x6e: {  	_ =	shalt  }
0x6f: {  	_ =	shalt  }
0x70: {  	_ =	shalt  }
0x71: {  	_ =	shalt  }
0x72: {  	_ =	shalt  }
0x73: {  	_ =	shalt  }
0x74: {  	_ =	shalt  }
0x75: {  	_ =	shalt  }
0x76: {  	_ =	shalt  }
0x77: {  	_ =	shalt  }
0x78: {  	_ =	shalt  }
0x79: {  	_ =	shalt  }
0x7a: {  	_ =	shalt  }
0x7b: {  	_ =	shalt  }
0x7c: {  	_ =	shalt  }
0x7d: {  	_ =	shalt  }
0x7e: {  	_ =	shalt  }
0x7f: {  	_ =	shalt  }
0x80: {  	_ =	shalt  }
0x81: {  	_ =	shalt  }
0x82: {  	_ =	shalt  }
0x83: {  	_ =	shalt  }
0x84: {  	_ =	shalt  }
0x85: {  	_ =	shalt  }
0x86: {  	_ =	shalt  }
0x87: {  	_ =	shalt  }
.Lfunc_end0:
.L_simem_size_0:
called_computation.1_lowered:
.L_overlay_start_0:
0x88: {  	s2 =	sld [smem:$0x3FD9]  }
0x89: {  	s3 =	sld [smem:$0x3FFE];
	_ =	sdelay $0x1  }
0x8a: {  	s1 =	srdreg.scid  }
0x8b: {  	s0 =	sand.u32 $0x1, s1  }
0x8c: {  	s17 =	sshll.u32 s0, $0xA;
	s2 =	sadd.s32 s3, s2  }
0x8d: {  	s2 =	sadd.s32 s2, s17  }
0x8e: {  	[smem:$0x3FC4] =	sst s2  }
0x8f: {  	_ = 	snop  }
0x90: {  	s2 =	sld [smem:$0x3FD0];
	(tm) =	ssettm $0x1  }
0x91: {  	s18 =	sld [smem:$0x3FFB];
	_ =	sdelay $0x3  }
0x92: {  	_ =	strace s18  }
0x93: {  	s3 =	sld [smem:$0x3FFC];
	_ =	sdelay $0x3  }
0x94: {  	_ =	strace s3  }
0x95: {  	s3 =	sld [smem:$0x3FFD];
	_ =	sdelay $0x3  }
0x96: {  	_ =	strace s3  }
0x97: {  	_ =	strace $0x8FFFFFFF  }
0x98: {  	s19 =	sld [smem:$0x3FDB];
	_ =	sdelay $0x1  }
0x99: {  	s4 =	simm.s32 $_scs_section_size  }
0x9a: {  	s5 =	simm.s32 $_size__tile_overlayer_lowered;
	s6 =	simm.s32 $_tile_overlayer_lowered  }
0x9b: {  	s22 =	simm.s32 $0x1BFF;
	s21 =	sshll.u32 s6, $0x1;
	s3 =	sadd.s32 s4, s19  }
0x9c: {  	s7 =	simm.s32 $0x0;
	s20 =	sshll.u32 s5, $0x1;
	s5 =	sadd.s32 s21, s3  }
0x9d: {  	[timem:s7], [sflag:s22] =	dma.local [hbm:s5], s20  }
0x9e: {  	_ =	swait.ge [sflag:s22], s20  }
0x9f: {  	s4 =	ssub.s32 $0x0, s20;
	[sflag:s22] =	ssyncset.done $0x0  }
0xa0: {  	[sflag:s22] =	ssyncadd.s32 s4;
	_ =	sdelay $0x1  }
0xa1: {  	s23 =	simm.s32 $0x1B8B  }
0xa2: {  	_ =	swait.ge [sflag:s23], $0x1  }
0xa3: {  	[sflag:s23] =	ssyncset.done $0x0  }
0xa4: {  	s25 =	simm.s32 $0x1B8E;
	s24 =	sld [smem:$0x3FFE];
	[sflag:s23] =	ssyncadd.s32 $0xFFFFFFFF  }
0xa5: {  	s26 =	simm.s32 $execute0_lowered;
	[smem:$0x3FD2] =	sst s25  }
0xa6: {  	s5 =	sshll.u32 s26, $0x1;
	_ =	strace $0x80000049;
	[dreg:$0x1] =	wrdreg $0xFFFFFFFF  }
0xa7: {  	s28 =	simm.s32 $_size_execute0_lowered;
	s3 =	sadd.s32 s3, s5;
	[dreg:$0x0] =	wrdreg $0x0  }
0xa8: {  	s5 =	sshll.u32 s28, $0x1;
	[dreg:$0x2] =	wrdreg s3  }
0xa9: {  	[dreg:$0x3] =	wrdreg s5  }
0xaa: {  	[dreg:$0x4] =	wrdreg $0xC0  }
0xab: {  	_ =	task [dreg:s7], $0x5FFFF  }
0xac: {  	[dreg:$0x1] =	wrdreg $0xFFFFFFFF  }
0xad: {  	[dreg:$0x0] =	wrdreg $0x60  }
0xae: {  	[dreg:$0x2] =	wrdreg s24  }
0xaf: {  	[dreg:$0x3] =	wrdreg s2  }
0xb0: {  	[dreg:$0x4] =	wrdreg $0x90000  }
0xb1: {  	[dreg:$0x5] =	wrdreg $0x9  }
0xb2: {  	_ =	task.clear_ibuf [dreg:s7], $0x6FFFF;
	_ =	strace $0x90000049  }
0xb3: {  	s29 =	simm.s32 $0x9;
	_ =	strace $0x8000004B  }
0xb4: {  	_ =	swait.ge [sflag:s29], $0x1  }
0xb5: {  	[sflag:s29] =	ssyncadd.s32 $0xFFFFFFFF  }
0xb6: {  	_ =	strace $0x9000004B  }
0xb7: {  	_ =	sfence  }
0xb8: {  	s30 =	sld [smem:$0x0];
	_ =	sdelay $0x2  }
0xb9: {  	s31 =	sshll.u32 s1, $0xD;
	s1 =	sshrl.u32 s1, $0x2  }
0xba: {  	s3 =	sand.u32 $0x4000, s31;
	s1 =	sadd.s32 s1, s30  }
0xbb: {  	s0 =	sor.u32 s3, s0;
	s1 =	sshll.u32 s1, $0x11  }
0xbc: {  	s0 =	sor.u32 s1, s0  }
0xbd: {  	s0 =	sadd.s32 $0x8F2B, s0  }
0xbe: {  	[sflag:s0] =	ssyncadd.remote.s32 $0x1  }
0xbf: {  	_ =	sfence.sel $0xFFFF  }
0xc0: {  	[dreg:$0x0] =	wrdreg $0xFFFFFFFF;
	(pc) =	sbr.abs _section_cstart, $3  }
0xc1: {  	[dreg:$0x1] =	wrdreg $0xFFFFFFFF  }
0xc2: {  	_ =	task.clear_ibuf [dreg:s7], $0x2FFFF;
	_ =	strace $0x9FFFFFFF  }
0xc3: {  	(tm) =	ssettm $0x7FFFFFFF  }
tec
execute0_lowered:
.L_overlay_start_1:
0x0: {  	(tag) =	ssettag $0x1  }
0x1: {  	s5 =	rddreg [dreg:$0x0]  }
0x2: {  	s7 =	rddreg [dreg:$0x1]  }
0x3: {  	s0 =	srdreg.scid;
	s2 =	rddreg [dreg:$0x2]  }
0x4: {  	s3 =	simm.s32 $0x0;
	s14 =	simm.s32 $0x80;
	s15 =	simm.s32 $0x5000  }
0x5: {  	s16 =	simm.s32 $0x1;
	s6 =	sand.u32 $0x1, s0;
	s0 =	stileid.u32  }
0x6: {  	s17 =	simm.s32 $0x0;
	[smem:$0x7FF] =	sst s3;
	s9 =	smul.u32 $0x2800, s0  }
0x7: {  	s1 =	sshll.u32 s6, $0x4;
	s10 =	smul.u32 $0x28000, s6;
	s6 =	ssub.s32 $0x2, s6  }
0x8: {  	s12 =	smul.u32 $0x50000, s0;
	s31 =	sshll.u32 s0, $0x6;
	s4 =	sor.u32 s0, s1  }
0x9: {  	s1 =	rddreg [dreg:$0x3];
	_ =	strace $0x8000004A;
	s29 =	sshrl.u32 s6, $0x1  }
0xa: {  	s8 =	smul.u32 $0x500, s4;
	s4 =	sadd.s32 $0xEE00, s5;
	s13 =	sadd.s32 s9, s5  }
0xb: {  	s9 =	sadd.s32 s9, s10;
	s10 =	ssub.s32 s6, s29;
	s30 =	sshrl.u32 s12, $0x2  }
0xc: {  	s6 =	sor.u32 $0x1C02, s31;
	s9 =	sadd.s32 s9, s5;
	s12 =	sadd.s32 s30, s2  }
0xd: {  	s10 =	smax.u32 s10, $0x1;
	s11 =	sadd.s32 s8, s5;
	s5 =	sadd.s32 $0x36E00, s13  }
0xe: {  	s7 =	sadd.s32 s7, s8;
	s9 =	sadd.s32 $0x86E00, s9;
	s13 =	simm.s32 $0x2800  }
0xf: {  	s8 =	sadd.s32 $0x4E00, s11;
	s11 =	sshrl.u32 s12, $0x3;
	s12 =	simm.s32 $0x2  }
.LBB2_1:
0x10: {  	[spmem:s11], [sflag:s6] =	dma.local [hbm:s5], $0x2800  }
0x11: {  	_ =	swait.ge [sflag:s12], $0x2800  }
0x12: {  	[sflag:s12] =	ssyncset.done $0x0  }
0x13: {  	[sflag:s12] =	ssyncadd.s32 $0xFFFFD800  }
0x14: {  	[bflag:$0x0] =	sbarrier.arrive $0xFFFF  }
0x15: {  	[tilespmem:s3], [sflag:$0x2] =	stream.linear.gather [hbm4b:s7+s3], $0x2780, $0x38;
	[tilespmem:$0x1D000] =	vst v63  }
0x16: {  	_ =	swait.ge [sflag:s12], $0x2780  }
0x17: {  	[sflag:s12] =	ssyncset.done $0x0  }
0x18: {  	[sflag:s12] =	ssyncadd.s32 $0xFFFFD880  }
0x19: {  	[tilespmem:s13], [sflag:$0x2] =	stream.linear.gather [hbm4b:s8+s3], $0x2780, $0x38;
	[tilespmem:$0x1D000] =	vst v63  }
0x1a: {  	_ =	swait.ge [sflag:s12], $0x2780  }
0x1b: {  	[sflag:s12] =	ssyncset.done $0x0  }
0x1c: {  	s18 =	simm.s32 $0x0;
	[sflag:s12] =	ssyncadd.s32 $0xFFFFD880  }
0x1d: {  	[tilespmem:s15], [sflag:$0x1] =	stream.indirect.gather [hbm4b:s4+s14], $0x80, s18, s14, $0xb8;
	[tilespmem:$0x1D000] =	vst v63  }
0x1e: {  	_ =	swait.ge [sflag:s16], $0x4000  }
0x1f: {  	[sflag:s16] =	ssyncset.done $0x0  }
0x20: {  	s31 =	simm.s32 $0x2800;
	[sflag:s16] =	ssyncadd.s32 $0xFFFFC000  }
0x21: {  	[spmem:s2] =	stream.indirect.scatter.add.f32 [tilespmem:s15], [sflag:$0x2], $0x80, s31, s14, $0xb8;
	[tilespmem:$0x1D000] =	vst v63  }
0x22: {  	_ =	swait.ge [sflag:s12], $0x4000  }
0x23: {  	s19 =	simm.s32 $0x400;
	s18 =	simm.s32 $0x200;
	[sflag:s12] =	ssyncset.done $0x0  }
.LBB2_2:
0x24: {  	s20 =	sshra.s32 s18, $0x2  }
0x25: {  	[sflag:s12] =	ssyncadd.s32 $0xFFFFC000;
	s18 =	smov.u32 s19;
	s21 =	sadd.s32 $0x200, s19  }
0x26: {  	[tilespmem:s15], [sflag:$0x1] =	stream.indirect.gather [hbm4b:s4+s14], $0x80, s20, s14, $0xb8;
	[tilespmem:$0x1D000] =	vst v63  }
0x27: {  	p0 =	sne.s32 s19, $0x9C00;
	_ =	swait.ge [sflag:s16], $0x4000  }
.Ltmp0:
0x28: {  	[sflag:s16] =	ssyncset.done $0x0;
	(pc) =	sbr.rel @p0 .LBB2_2-.Ltmp0, $4  }
0x29: {  	s19 =	sadd.s32 $0x2800, s20;
	[sflag:s16] =	ssyncadd.s32 $0xFFFFC000  }
0x2a: {  	[spmem:s2] =	stream.indirect.scatter.add.f32 [tilespmem:s15], [sflag:$0x2], $0x80, s19, s14, $0xb8;
	[tilespmem:$0x1D000] =	vst v63  }
0x2b: {  	_ =	swait.ge [sflag:s12], $0x4000  }
0x2c: {  	s19 =	smov.u32 s21;
	[sflag:s12] =	ssyncset.done $0x0  }
0x2d: {  	s18 =	sshra.s32 s18, $0x2;
	[sflag:s12] =	ssyncadd.s32 $0xFFFFC000  }
0x2e: {  	[tilespmem:s15], [sflag:$0x1] =	stream.indirect.gather [hbm4b:s4+s14], $0x80, s18, s14, $0xb8;
	[tilespmem:$0x1D000] =	vst v63  }
0x2f: {  	_ =	swait.ge [sflag:s16], $0x4000  }
0x30: {  	[sflag:s16] =	ssyncset.done $0x0  }
0x31: {  	s18 =	sadd.s32 $0x2800, s18;
	[sflag:s16] =	ssyncadd.s32 $0xFFFFC000  }
0x32: {  	[spmem:s2] =	stream.indirect.scatter.add.f32 [tilespmem:s15], [sflag:$0x2], $0x80, s18, s14, $0xb8;
	[tilespmem:$0x1D000] =	vst v63  }
0x33: {  	_ =	swait.ge [sflag:s12], $0x4000  }
0x34: {  	s17 =	sadd.s32 $0x1, s17;
	[sflag:s12] =	ssyncset.done $0x0  }
0x35: {  	p0 =	sne.s32 s17, s10;
	[sflag:s12] =	ssyncadd.s32 $0xFFFFC000  }
.Ltmp1:
0x36: {  	[bflag:$0x0] =	sbarrier.arrive $0xFFFF;
	(pc) =	sbr.rel @p0 .LBB2_1-.Ltmp1, $4  }
0x37: {  	[hbm:s9], [sflag:s6] =	dma.local [spmem:s11], $0x2800  }
0x38: {  	_ =	swait.ge [sflag:s12], $0x2800  }
0x39: {  	[sflag:s12] =	ssyncset.done $0x0  }
0x3a: {  	[sflag:s12] =	ssyncadd.s32 $0xFFFFD800  }
0x3b: {  	_ =	sfence.sel $0x180000  }
0x3c: {  	[bflag:$0x0] =	sbarrier.arrive $0xFFFF  }
0x3d: {  	p0 =	sne.s32 s0, $0x0;
	_ =	strace $0x9000004A  }
0x3e: {  	s0 =	sadd.s32 @!p0 $0x100000, s1;
	[bflag:$0x2] =	sbarrier.arrive $0xFFFF  }
0x3f: {  	[sflag:s0] =	ssyncadd.tile.s32 @!p0 $0x1;
	_ =	shalt  }
.Lfunc_end2:
_tile_overlayer_lowered:
.L_overlay_start_2:
0x40: {  	(tag) =	ssettag $0x2  }
0x41: {  	s0 =	rddreg [dreg:$0x0];
	s2 =	stileid.u32  }
0x42: {  	s1 =	rddreg [dreg:$0x1];
	p0 =	sne.s32 s2, $0x0  }
0x43: {  	s3 =	rddreg [dreg:$0x2];
	[bflag:$0x3] =	sbarrier.arrive $0xFFFF;
	s2 =	simm.s32 @!p0 $0x1C02  }
0x44: {  	[timem:s3], [sflag:s2] =	dma.local @!p0 [hbm:s0], s1  }
0x45: {  	s0 =	simm.s32 @!p0 $0x2  }
0x46: {  	_ =	swait.ge @!p0 [sflag:s0], s1  }
0x47: {  	s1 =	ssub.s32 @!p0 $0x0, s1;
	[sflag:s0] =	ssyncset.done @!p0 $0x0  }
0x48: {  	[sflag:s0] =	ssyncadd.s32 @!p0 s1  }
0x49: {  	[bflag:$0x3] =	sbarrier.arrive $0xFFFF  }
0x4a: {  	_ =	shalt  }

// kernel: kernel.27.cloned.1.call-start
scs
__scs_entry_jumppad:
0x0: {  	(pc) =	sbr.rel $0x88, $3  }
0x1: {  	(tag) =	ssettag $0x0;
	lr =	simm.s32 $0x1  }
0x2: {  	[smem:$0x3F9D] =	sst lr;
	_ =	strace $0xD0000000  }
0x3: {  	_ = 	snop  }
0x4: {  	_ = 	snop  }
0x5: {  	_ = 	snop  }
0x6: {  	_ = 	snop  }
0x7: {  	_ = 	snop  }
__scs_overlays_trampoline_lowered:
0x8: {  	[smem:$0x3FAC] =	sst s0  }
0x9: {  	[smem:$0x3FAD] =	sst s1  }
0xa: {  	[smem:$0x3FAE] =	sst s2  }
0xb: {  	[smem:$0x3FAF] =	sst s3  }
0xc: {  	[smem:$0x3FB0] =	sst s4  }
0xd: {  	[smem:$0x3FB1] =	sst s5  }
0xe: {  	[smem:$0x3FB2] =	sst s6  }
0xf: {  	[smem:$0x3FB3] =	sst s7  }
0x10: {  	[smem:$0x3FB4] =	sst s8  }
0x11: {  	[smem:$0x3FB5] =	sst s9;
	s0 =	simm.s32 @!p0 $0x0  }
0x12: {  	s1 =	sld [smem:$0x3F9B];
	s0 =	simm.s32 @p0 $0x1  }
0x13: {  	[smem:$0x3FB6] =	sst s0;
	s0 =	simm.s32 @!p1 $0x0  }
0x14: {  	s2 =	sld [smem:$0x3F9A];
	s0 =	simm.s32 @p1 $0x1  }
0x15: {  	[smem:$0x3FB7] =	sst s0;
	s0 =	simm.s32 @!p2 $0x0  }
0x16: {  	s3 =	sld [smem:$0x3FDB];
	s0 =	simm.s32 @p2 $0x1  }
0x17: {  	s4 =	simm.s32 $0x1BF5;
	[smem:$0x3FB9] =	sst s0  }
0x18: {  	s0 =	sld [smem:$0x3F9C];
	_ =	swait.ge [sflag:s4], $0x0  }
0x19: {  	s7 =	sld [smem:$0x3F9D]  }
0x1a: {  	s8 =	sadd.s32 $0xFFFFE003, lr  }
0x1b: {  	s9 =	sadd.s32 $0xFFFFFEF7, lr;
	s5 =	simm.s32 $0xFFFFFFFF;
	p2 =	slt.u32 s8, $0xFFFFF086  }
0x1c: {  	p1 =	slt.u32 s9, $0xF7A;
	s5 =	simm.s32 @!p2 $0x0  }
0x1d: {  	s5 =	simm.s32 @p1 $0x1;
	p0 =	seq.s32 s7, s2  }
0x1e: {  	s7 =	smul.u32 @!p0 $0xF7A, s2;
	p2 =	seq.s32 @!p0 s5, $0x0  }
0x1f: {  	s9 =	smul.u32 $0xF7A, s1;
	s8 =	simm.s32 @!p0 $0x1BF5;
	p2 =	por !p2, p0  }
0x20: {  	[sflag:s8] =	ssyncset.s32 @!p0 $0xFFFFF086;
	s6 =	sadd.s32 @!p0 s3, s7;
	s7 =	simm.s32 @!p0 $0x108  }
0x21: {  	s3 =	sadd.s32 s3, s9;
	s6 =	sadd.s32 @!p0 $0x88, s6;
	s7 =	simm.s32 @p2 $0x1082  }
0x22: {  	[simem:s7], [sflag:s8] =	dma.local @!p0 [hbm:s6], $0xF7A  }
0x23: {  	s9 =	sor.u32 $0xD0000000, s2;
	s6 =	simm.s32 $0x108;
	_ =	swait.ge @!p0 [sflag:s8], $0x0  }
0x24: {  	s3 =	sadd.s32 $0x88, s3;
	s6 =	simm.s32 @!p1 $0x1082;
	[sflag:s4] =	ssyncset.s32 $0xFFFFF086  }
0x25: {  	[simem:s6], [sflag:s4] =	dma.local [hbm:s3], $0xF7A  }
0x26: {  	[smem:$0x3F9D] =	sst s1;
	(tag) =	ssettag s2;
	_ =	strace s9  }
0x27: {  	s1 =	sld [smem:$0x3FAD]  }
0x28: {  	s2 =	sld [smem:$0x3FAE]  }
0x29: {  	s4 =	sld [smem:$0x3FB0]  }
0x2a: {  	p0 =	seq.s32 s5, $0x0;
	s5 =	sld [smem:$0x3FB1]  }
0x2b: {  	s6 =	sld [smem:$0x3FB2]  }
0x2c: {  	s7 =	sld [smem:$0x3FB3]  }
0x2d: {  	s3 =	simm.s32 $0x108;
	s8 =	sld [smem:$0x3FB4]  }
0x2e: {  	s3 =	simm.s32 @!p0 $0x1082;
	s9 =	sld [smem:$0x3FB5]  }
0x2f: {  	lr =	sadd.s32 s0, s3;
	s0 =	sld [smem:$0x3FAC]  }
0x30: {  	s3 =	sld [smem:$0x3FAF]  }
0x31: {  	[smem:$0x3FB8] =	sst s10  }
0x32: {  	s10 =	sld [smem:$0x3FB6];
	_ =	sdelay $0x3  }
0x33: {  	p0 =	seq.s32 s10, $0x1;
	s10 =	sld [smem:$0x3FB8];
	_ =	sdelay $0x3  }
0x34: {  	[smem:$0x3FB8] =	sst s10  }
0x35: {  	s10 =	sld [smem:$0x3FB7];
	_ =	sdelay $0x3  }
0x36: {  	p1 =	seq.s32 s10, $0x1;
	s10 =	sld [smem:$0x3FB8];
	_ =	sdelay $0x3  }
0x37: {  	[smem:$0x3FB8] =	sst s10  }
0x38: {  	s10 =	sld [smem:$0x3FB9]  }
0x39: {  	_ = 	snop;
	(pc) =	sbr.ind lr, $3  }
0x3a: {  	_ = 	snop  }
0x3b: {  	_ = 	snop  }
0x3c: {  	p2 =	seq.s32 s10, $0x1;
	s10 =	sld [smem:$0x3FB8]  }
0x3d: {  	_ =	shalt  }
0x3e: {  	_ =	shalt  }
0x3f: {  	_ =	shalt  }
0x40: {  	_ =	shalt  }
0x41: {  	_ =	shalt  }
0x42: {  	_ =	shalt  }
0x43: {  	_ =	shalt  }
0x44: {  	_ =	shalt  }
0x45: {  	_ =	shalt  }
0x46: {  	_ =	shalt  }
0x47: {  	_ =	shalt  }
0x48: {  	_ =	shalt  }
0x49: {  	_ =	shalt  }
0x4a: {  	_ =	shalt  }
0x4b: {  	_ =	shalt  }
0x4c: {  	_ =	shalt  }
0x4d: {  	_ =	shalt  }
0x4e: {  	_ =	shalt  }
0x4f: {  	_ =	shalt  }
0x50: {  	_ =	shalt  }
0x51: {  	_ =	shalt  }
0x52: {  	_ =	shalt  }
0x53: {  	_ =	shalt  }
0x54: {  	_ =	shalt  }
0x55: {  	_ =	shalt  }
0x56: {  	_ =	shalt  }
0x57: {  	_ =	shalt  }
0x58: {  	_ =	shalt  }
0x59: {  	_ =	shalt  }
0x5a: {  	_ =	shalt  }
0x5b: {  	_ =	shalt  }
0x5c: {  	_ =	shalt  }
0x5d: {  	_ =	shalt  }
0x5e: {  	_ =	shalt  }
0x5f: {  	_ =	shalt  }
0x60: {  	_ =	shalt  }
0x61: {  	_ =	shalt  }
0x62: {  	_ =	shalt  }
0x63: {  	_ =	shalt  }
0x64: {  	_ =	shalt  }
0x65: {  	_ =	shalt  }
0x66: {  	_ =	shalt  }
0x67: {  	_ =	shalt  }
0x68: {  	_ =	shalt  }
0x69: {  	_ =	shalt  }
0x6a: {  	_ =	shalt  }
0x6b: {  	_ =	shalt  }
0x6c: {  	_ =	shalt  }
0x6d: {  	_ =	shalt  }
0x6e: {  	_ =	shalt  }
0x6f: {  	_ =	shalt  }
0x70: {  	_ =	shalt  }
0x71: {  	_ =	shalt  }
0x72: {  	_ =	shalt  }
0x73: {  	_ =	shalt  }
0x74: {  	_ =	shalt  }
0x75: {  	_ =	shalt  }
0x76: {  	_ =	shalt  }
0x77: {  	_ =	shalt  }
0x78: {  	_ =	shalt  }
0x79: {  	_ =	shalt  }
0x7a: {  	_ =	shalt  }
0x7b: {  	_ =	shalt  }
0x7c: {  	_ =	shalt  }
0x7d: {  	_ =	shalt  }
0x7e: {  	_ =	shalt  }
0x7f: {  	_ =	shalt  }
0x80: {  	_ =	shalt  }
0x81: {  	_ =	shalt  }
0x82: {  	_ =	shalt  }
0x83: {  	_ =	shalt  }
0x84: {  	_ =	shalt  }
0x85: {  	_ =	shalt  }
0x86: {  	_ =	shalt  }
0x87: {  	_ =	shalt  }
.Lfunc_end0:
.L_simem_size_0:
called_computation.2_lowered:
.L_overlay_start_0:
0x88: {  	s2 =	sld [smem:$0x3FD9]  }
0x89: {  	s3 =	sld [smem:$0x3FFE];
	_ =	sdelay $0x1  }
0x8a: {  	s1 =	srdreg.scid  }
0x8b: {  	s0 =	sand.u32 $0x1, s1  }
0x8c: {  	s17 =	sshll.u32 s0, $0xA;
	s2 =	sadd.s32 s3, s2  }
0x8d: {  	s2 =	sadd.s32 s2, s17  }
0x8e: {  	[smem:$0x3FC4] =	sst s2  }
0x8f: {  	_ = 	snop  }
0x90: {  	s2 =	sld [smem:$0x3FD0];
	(tm) =	ssettm $0x1  }
0x91: {  	s18 =	sld [smem:$0x3FFB];
	_ =	sdelay $0x3  }
0x92: {  	_ =	strace s18  }
0x93: {  	s3 =	sld [smem:$0x3FFC];
	_ =	sdelay $0x3  }
0x94: {  	_ =	strace s3  }
0x95: {  	s3 =	sld [smem:$0x3FFD];
	_ =	sdelay $0x3  }
0x96: {  	_ =	strace s3  }
0x97: {  	_ =	strace $0x8FFFFFFF  }
0x98: {  	s19 =	sld [smem:$0x3FDB];
	_ =	sdelay $0x1  }
0x99: {  	s4 =	simm.s32 $_scs_section_size  }
0x9a: {  	s5 =	simm.s32 $_size__tile_overlayer_lowered;
	s6 =	simm.s32 $_tile_overlayer_lowered  }
0x9b: {  	s22 =	simm.s32 $0x1BFF;
	s21 =	sshll.u32 s6, $0x1;
	s3 =	sadd.s32 s4, s19  }
0x9c: {  	s7 =	simm.s32 $0x0;
	s20 =	sshll.u32 s5, $0x1;
	s5 =	sadd.s32 s21, s3  }
0x9d: {  	[timem:s7], [sflag:s22] =	dma.local [hbm:s5], s20  }
0x9e: {  	_ =	swait.ge [sflag:s22], s20  }
0x9f: {  	s4 =	ssub.s32 $0x0, s20;
	[sflag:s22] =	ssyncset.done $0x0  }
0xa0: {  	[sflag:s22] =	ssyncadd.s32 s4;
	_ =	sdelay $0x1  }
0xa1: {  	s23 =	simm.s32 $0x1B8B  }
0xa2: {  	_ =	swait.ge [sflag:s23], $0x1  }
0xa3: {  	[sflag:s23] =	ssyncset.done $0x0  }
0xa4: {  	s25 =	simm.s32 $0x1B8E;
	s24 =	sld [smem:$0x3FFE];
	[sflag:s23] =	ssyncadd.s32 $0xFFFFFFFF  }
0xa5: {  	s26 =	simm.s32 $execute0_lowered;
	[smem:$0x3FD2] =	sst s25  }
0xa6: {  	s5 =	sshll.u32 s26, $0x1;
	_ =	strace $0x8000004C;
	[dreg:$0x1] =	wrdreg $0xFFFFFFFF  }
0xa7: {  	s28 =	simm.s32 $_size_execute0_lowered;
	s3 =	sadd.s32 s3, s5;
	[dreg:$0x0] =	wrdreg $0x0  }
0xa8: {  	s5 =	sshll.u32 s28, $0x1;
	[dreg:$0x2] =	wrdreg s3  }
0xa9: {  	[dreg:$0x3] =	wrdreg s5  }
0xaa: {  	[dreg:$0x4] =	wrdreg $0xC0  }
0xab: {  	_ =	task [dreg:s7], $0x5FFFF  }
0xac: {  	[dreg:$0x1] =	wrdreg $0xFFFFFFFF  }
0xad: {  	[dreg:$0x0] =	wrdreg $0x60  }
0xae: {  	[dreg:$0x2] =	wrdreg s24  }
0xaf: {  	[dreg:$0x3] =	wrdreg s2  }
0xb0: {  	[dreg:$0x4] =	wrdreg $0x90000  }
0xb1: {  	[dreg:$0x5] =	wrdreg $0x9  }
0xb2: {  	_ =	task.clear_ibuf [dreg:s7], $0x6FFFF;
	_ =	strace $0x9000004C  }
0xb3: {  	s29 =	simm.s32 $0x9;
	_ =	strace $0x8000004E  }
0xb4: {  	_ =	swait.ge [sflag:s29], $0x1  }
0xb5: {  	[sflag:s29] =	ssyncadd.s32 $0xFFFFFFFF  }
0xb6: {  	_ =	strace $0x9000004E  }
0xb7: {  	_ =	sfence  }
0xb8: {  	s30 =	sld [smem:$0x0];
	_ =	sdelay $0x2  }
0xb9: {  	s31 =	sshll.u32 s1, $0xD;
	s1 =	sshrl.u32 s1, $0x2  }
0xba: {  	s3 =	sand.u32 $0x4000, s31;
	s1 =	sadd.s32 s1, s30  }
0xbb: {  	s0 =	sor.u32 s3, s0;
	s1 =	sshll.u32 s1, $0x11  }
0xbc: {  	s0 =	sor.u32 s1, s0  }
0xbd: {  	s0 =	sadd.s32 $0x8F2B, s0  }
0xbe: {  	[sflag:s0] =	ssyncadd.remote.s32 $0x1  }
0xbf: {  	_ =	sfence.sel $0xFFFF  }
0xc0: {  	[dreg:$0x0] =	wrdreg $0xFFFFFFFF;
	(pc) =	sbr.abs _section_cstart, $3  }
0xc1: {  	[dreg:$0x1] =	wrdreg $0xFFFFFFFF  }
0xc2: {  	_ =	task.clear_ibuf [dreg:s7], $0x2FFFF;
	_ =	strace $0x9FFFFFFF  }
0xc3: {  	(tm) =	ssettm $0x7FFFFFFF  }
tec
execute0_lowered:
.L_overlay_start_1:
0x0: {  	(tag) =	ssettag $0x1  }
0x1: {  	s5 =	rddreg [dreg:$0x0]  }
0x2: {  	s7 =	rddreg [dreg:$0x1]  }
0x3: {  	s0 =	srdreg.scid;
	s2 =	rddreg [dreg:$0x2]  }
0x4: {  	s3 =	simm.s32 $0x0;
	s14 =	simm.s32 $0x80;
	s15 =	simm.s32 $0x5000  }
0x5: {  	s16 =	simm.s32 $0x1;
	s6 =	sand.u32 $0x1, s0;
	s0 =	stileid.u32  }
0x6: {  	s17 =	simm.s32 $0x0;
	[smem:$0x7FF] =	sst s3;
	s9 =	smul.u32 $0x2800, s0  }
0x7: {  	s1 =	sshll.u32 s6, $0x4;
	s10 =	smul.u32 $0x28000, s6;
	s6 =	ssub.s32 $0x2, s6  }
0x8: {  	s12 =	smul.u32 $0x50000, s0;
	s31 =	sshll.u32 s0, $0x6;
	s4 =	sor.u32 s0, s1  }
0x9: {  	s1 =	rddreg [dreg:$0x3];
	_ =	strace $0x8000004D;
	s29 =	sshrl.u32 s6, $0x1  }
0xa: {  	s8 =	smul.u32 $0x500, s4;
	s4 =	sadd.s32 $0xEE00, s5;
	s13 =	sadd.s32 s9, s5  }
0xb: {  	s9 =	sadd.s32 s9, s10;
	s10 =	ssub.s32 s6, s29;
	s30 =	sshrl.u32 s12, $0x2  }
0xc: {  	s6 =	sor.u32 $0x1C02, s31;
	s9 =	sadd.s32 s9, s5;
	s12 =	sadd.s32 s30, s2  }
0xd: {  	s10 =	smax.u32 s10, $0x1;
	s11 =	sadd.s32 s8, s5;
	s5 =	sadd.s32 $0x36E00, s13  }
0xe: {  	s7 =	sadd.s32 s7, s8;
	s9 =	sadd.s32 $0x86E00, s9;
	s13 =	simm.s32 $0x2800  }
0xf: {  	s8 =	sadd.s32 $0x4E00, s11;
	s11 =	sshrl.u32 s12, $0x3;
	s12 =	simm.s32 $0x2  }
.LBB2_1:
0x10: {  	[spmem:s11], [sflag:s6] =	dma.local [hbm:s5], $0x2800  }
0x11: {  	_ =	swait.ge [sflag:s12], $0x2800  }
0x12: {  	[sflag:s12] =	ssyncset.done $0x0  }
0x13: {  	[sflag:s12] =	ssyncadd.s32 $0xFFFFD800  }
0x14: {  	[bflag:$0x0] =	sbarrier.arrive $0xFFFF  }
0x15: {  	[tilespmem:s3], [sflag:$0x2] =	stream.linear.gather [hbm4b:s7+s3], $0x2780, $0x38;
	[tilespmem:$0x1D000] =	vst v63  }
0x16: {  	_ =	swait.ge [sflag:s12], $0x2780  }
0x17: {  	[sflag:s12] =	ssyncset.done $0x0  }
0x18: {  	[sflag:s12] =	ssyncadd.s32 $0xFFFFD880  }
0x19: {  	[tilespmem:s13], [sflag:$0x2] =	stream.linear.gather [hbm4b:s8+s3], $0x2780, $0x38;
	[tilespmem:$0x1D000] =	vst v63  }
0x1a: {  	_ =	swait.ge [sflag:s12], $0x2780  }
0x1b: {  	[sflag:s12] =	ssyncset.done $0x0  }
0x1c: {  	s18 =	simm.s32 $0x0;
	[sflag:s12] =	ssyncadd.s32 $0xFFFFD880  }
0x1d: {  	[tilespmem:s15], [sflag:$0x1] =	stream.indirect.gather [hbm4b:s4+s14], $0x80, s18, s14, $0xb8;
	[tilespmem:$0x1D000] =	vst v63  }
0x1e: {  	_ =	swait.ge [sflag:s16], $0x4000  }
0x1f: {  	[sflag:s16] =	ssyncset.done $0x0  }
0x20: {  	s31 =	simm.s32 $0x2800;
	[sflag:s16] =	ssyncadd.s32 $0xFFFFC000  }
0x21: {  	[spmem:s2] =	stream.indirect.scatter.add.f32 [tilespmem:s15], [sflag:$0x2], $0x80, s31, s14, $0xb8;
	[tilespmem:$0x1D000] =	vst v63  }
0x22: {  	_ =	swait.ge [sflag:s12], $0x4000  }
0x23: {  	s19 =	simm.s32 $0x400;
	s18 =	simm.s32 $0x200;
	[sflag:s12] =	ssyncset.done $0x0  }
.LBB2_2:
0x24: {  	s20 =	sshra.s32 s18, $0x2  }
0x25: {  	[sflag:s12] =	ssyncadd.s32 $0xFFFFC000;
	s18 =	smov.u32 s19;
	s21 =	sadd.s32 $0x200, s19  }
0x26: {  	[tilespmem:s15], [sflag:$0x1] =	stream.indirect.gather [hbm4b:s4+s14], $0x80, s20, s14, $0xb8;
	[tilespmem:$0x1D000] =	vst v63  }
0x27: {  	p0 =	sne.s32 s19, $0x9C00;
	_ =	swait.ge [sflag:s16], $0x4000  }
.Ltmp0:
0x28: {  	[sflag:s16] =	ssyncset.done $0x0;
	(pc) =	sbr.rel @p0 .LBB2_2-.Ltmp0, $4  }
0x29: {  	s19 =	sadd.s32 $0x2800, s20;
	[sflag:s16] =	ssyncadd.s32 $0xFFFFC000  }
0x2a: {  	[spmem:s2] =	stream.indirect.scatter.add.f32 [tilespmem:s15], [sflag:$0x2], $0x80, s19, s14, $0xb8;
	[tilespmem:$0x1D000] =	vst v63  }
0x2b: {  	_ =	swait.ge [sflag:s12], $0x4000  }
0x2c: {  	s19 =	smov.u32 s21;
	[sflag:s12] =	ssyncset.done $0x0  }
0x2d: {  	s18 =	sshra.s32 s18, $0x2;
	[sflag:s12] =	ssyncadd.s32 $0xFFFFC000  }
0x2e: {  	[tilespmem:s15], [sflag:$0x1] =	stream.indirect.gather [hbm4b:s4+s14], $0x80, s18, s14, $0xb8;
	[tilespmem:$0x1D000] =	vst v63  }
0x2f: {  	_ =	swait.ge [sflag:s16], $0x4000  }
0x30: {  	[sflag:s16] =	ssyncset.done $0x0  }
0x31: {  	s18 =	sadd.s32 $0x2800, s18;
	[sflag:s16] =	ssyncadd.s32 $0xFFFFC000  }
0x32: {  	[spmem:s2] =	stream.indirect.scatter.add.f32 [tilespmem:s15], [sflag:$0x2], $0x80, s18, s14, $0xb8;
	[tilespmem:$0x1D000] =	vst v63  }
0x33: {  	_ =	swait.ge [sflag:s12], $0x4000  }
0x34: {  	s17 =	sadd.s32 $0x1, s17;
	[sflag:s12] =	ssyncset.done $0x0  }
0x35: {  	p0 =	sne.s32 s17, s10;
	[sflag:s12] =	ssyncadd.s32 $0xFFFFC000  }
.Ltmp1:
0x36: {  	[bflag:$0x0] =	sbarrier.arrive $0xFFFF;
	(pc) =	sbr.rel @p0 .LBB2_1-.Ltmp1, $4  }
0x37: {  	[hbm:s9], [sflag:s6] =	dma.local [spmem:s11], $0x2800  }
0x38: {  	_ =	swait.ge [sflag:s12], $0x2800  }
0x39: {  	[sflag:s12] =	ssyncset.done $0x0  }
0x3a: {  	[sflag:s12] =	ssyncadd.s32 $0xFFFFD800  }
0x3b: {  	_ =	sfence.sel $0x180000  }
0x3c: {  	[bflag:$0x0] =	sbarrier.arrive $0xFFFF  }
0x3d: {  	p0 =	sne.s32 s0, $0x0;
	_ =	strace $0x9000004D  }
0x3e: {  	s0 =	sadd.s32 @!p0 $0x100000, s1;
	[bflag:$0x2] =	sbarrier.arrive $0xFFFF  }
0x3f: {  	[sflag:s0] =	ssyncadd.tile.s32 @!p0 $0x1;
	_ =	shalt  }
.Lfunc_end2:
_tile_overlayer_lowered:
.L_overlay_start_2:
0x40: {  	(tag) =	ssettag $0x2  }
0x41: {  	s0 =	rddreg [dreg:$0x0];
	s2 =	stileid.u32  }
0x42: {  	s1 =	rddreg [dreg:$0x1];
	p0 =	sne.s32 s2, $0x0  }
0x43: {  	s3 =	rddreg [dreg:$0x2];
	[bflag:$0x3] =	sbarrier.arrive $0xFFFF;
	s2 =	simm.s32 @!p0 $0x1C02  }
0x44: {  	[timem:s3], [sflag:s2] =	dma.local @!p0 [hbm:s0], s1  }
0x45: {  	s0 =	simm.s32 @!p0 $0x2  }
0x46: {  	_ =	swait.ge @!p0 [sflag:s0], s1  }
0x47: {  	s1 =	ssub.s32 @!p0 $0x0, s1;
	[sflag:s0] =	ssyncset.done @!p0 $0x0  }
0x48: {  	[sflag:s0] =	ssyncadd.s32 @!p0 s1  }
0x49: {  	[bflag:$0x3] =	sbarrier.arrive $0xFFFF  }
0x4a: {  	_ =	shalt  }

// kernel: kernel.30.cloned.1.call-start
scs
__scs_entry_jumppad:
0x0: {  	(pc) =	sbr.rel $0x88, $3  }
0x1: {  	(tag) =	ssettag $0x0;
	lr =	simm.s32 $0x1  }
0x2: {  	[smem:$0x3F9D] =	sst lr;
	_ =	strace $0xD0000000  }
0x3: {  	_ = 	snop  }
0x4: {  	_ = 	snop  }
0x5: {  	_ = 	snop  }
0x6: {  	_ = 	snop  }
0x7: {  	_ = 	snop  }
__scs_overlays_trampoline_lowered:
0x8: {  	[smem:$0x3FAC] =	sst s0  }
0x9: {  	[smem:$0x3FAD] =	sst s1  }
0xa: {  	[smem:$0x3FAE] =	sst s2  }
0xb: {  	[smem:$0x3FAF] =	sst s3  }
0xc: {  	[smem:$0x3FB0] =	sst s4  }
0xd: {  	[smem:$0x3FB1] =	sst s5  }
0xe: {  	[smem:$0x3FB2] =	sst s6  }
0xf: {  	[smem:$0x3FB3] =	sst s7  }
0x10: {  	[smem:$0x3FB4] =	sst s8  }
0x11: {  	[smem:$0x3FB5] =	sst s9;
	s0 =	simm.s32 @!p0 $0x0  }
0x12: {  	s1 =	sld [smem:$0x3F9B];
	s0 =	simm.s32 @p0 $0x1  }
0x13: {  	[smem:$0x3FB6] =	sst s0;
	s0 =	simm.s32 @!p1 $0x0  }
0x14: {  	s2 =	sld [smem:$0x3F9A];
	s0 =	simm.s32 @p1 $0x1  }
0x15: {  	[smem:$0x3FB7] =	sst s0;
	s0 =	simm.s32 @!p2 $0x0  }
0x16: {  	s3 =	sld [smem:$0x3FDB];
	s0 =	simm.s32 @p2 $0x1  }
0x17: {  	s4 =	simm.s32 $0x1BF5;
	[smem:$0x3FB9] =	sst s0  }
0x18: {  	s0 =	sld [smem:$0x3F9C];
	_ =	swait.ge [sflag:s4], $0x0  }
0x19: {  	s7 =	sld [smem:$0x3F9D]  }
0x1a: {  	s8 =	sadd.s32 $0xFFFFE003, lr  }
0x1b: {  	s9 =	sadd.s32 $0xFFFFFEF7, lr;
	s5 =	simm.s32 $0xFFFFFFFF;
	p2 =	slt.u32 s8, $0xFFFFF086  }
0x1c: {  	p1 =	slt.u32 s9, $0xF7A;
	s5 =	simm.s32 @!p2 $0x0  }
0x1d: {  	s5 =	simm.s32 @p1 $0x1;
	p0 =	seq.s32 s7, s2  }
0x1e: {  	s7 =	smul.u32 @!p0 $0xF7A, s2;
	p2 =	seq.s32 @!p0 s5, $0x0  }
0x1f: {  	s9 =	smul.u32 $0xF7A, s1;
	s8 =	simm.s32 @!p0 $0x1BF5;
	p2 =	por !p2, p0  }
0x20: {  	[sflag:s8] =	ssyncset.s32 @!p0 $0xFFFFF086;
	s6 =	sadd.s32 @!p0 s3, s7;
	s7 =	simm.s32 @!p0 $0x108  }
0x21: {  	s3 =	sadd.s32 s3, s9;
	s6 =	sadd.s32 @!p0 $0x88, s6;
	s7 =	simm.s32 @p2 $0x1082  }
0x22: {  	[simem:s7], [sflag:s8] =	dma.local @!p0 [hbm:s6], $0xF7A  }
0x23: {  	s9 =	sor.u32 $0xD0000000, s2;
	s6 =	simm.s32 $0x108;
	_ =	swait.ge @!p0 [sflag:s8], $0x0  }
0x24: {  	s3 =	sadd.s32 $0x88, s3;
	s6 =	simm.s32 @!p1 $0x1082;
	[sflag:s4] =	ssyncset.s32 $0xFFFFF086  }
0x25: {  	[simem:s6], [sflag:s4] =	dma.local [hbm:s3], $0xF7A  }
0x26: {  	[smem:$0x3F9D] =	sst s1;
	(tag) =	ssettag s2;
	_ =	strace s9  }
0x27: {  	s1 =	sld [smem:$0x3FAD]  }
0x28: {  	s2 =	sld [smem:$0x3FAE]  }
0x29: {  	s4 =	sld [smem:$0x3FB0]  }
0x2a: {  	p0 =	seq.s32 s5, $0x0;
	s5 =	sld [smem:$0x3FB1]  }
0x2b: {  	s6 =	sld [smem:$0x3FB2]  }
0x2c: {  	s7 =	sld [smem:$0x3FB3]  }
0x2d: {  	s3 =	simm.s32 $0x108;
	s8 =	sld [smem:$0x3FB4]  }
0x2e: {  	s3 =	simm.s32 @!p0 $0x1082;
	s9 =	sld [smem:$0x3FB5]  }
0x2f: {  	lr =	sadd.s32 s0, s3;
	s0 =	sld [smem:$0x3FAC]  }
0x30: {  	s3 =	sld [smem:$0x3FAF]  }
0x31: {  	[smem:$0x3FB8] =	sst s10  }
0x32: {  	s10 =	sld [smem:$0x3FB6];
	_ =	sdelay $0x3  }
0x33: {  	p0 =	seq.s32 s10, $0x1;
	s10 =	sld [smem:$0x3FB8];
	_ =	sdelay $0x3  }
0x34: {  	[smem:$0x3FB8] =	sst s10  }
0x35: {  	s10 =	sld [smem:$0x3FB7];
	_ =	sdelay $0x3  }
0x36: {  	p1 =	seq.s32 s10, $0x1;
	s10 =	sld [smem:$0x3FB8];
	_ =	sdelay $0x3  }
0x37: {  	[smem:$0x3FB8] =	sst s10  }
0x38: {  	s10 =	sld [smem:$0x3FB9]  }
0x39: {  	_ = 	snop;
	(pc) =	sbr.ind lr, $3  }
0x3a: {  	_ = 	snop  }
0x3b: {  	_ = 	snop  }
0x3c: {  	p2 =	seq.s32 s10, $0x1;
	s10 =	sld [smem:$0x3FB8]  }
0x3d: {  	_ =	shalt  }
0x3e: {  	_ =	shalt  }
0x3f: {  	_ =	shalt  }
0x40: {  	_ =	shalt  }
0x41: {  	_ =	shalt  }
0x42: {  	_ =	shalt  }
0x43: {  	_ =	shalt  }
0x44: {  	_ =	shalt  }
0x45: {  	_ =	shalt  }
0x46: {  	_ =	shalt  }
0x47: {  	_ =	shalt  }
0x48: {  	_ =	shalt  }
0x49: {  	_ =	shalt  }
0x4a: {  	_ =	shalt  }
0x4b: {  	_ =	shalt  }
0x4c: {  	_ =	shalt  }
0x4d: {  	_ =	shalt  }
0x4e: {  	_ =	shalt  }
0x4f: {  	_ =	shalt  }
0x50: {  	_ =	shalt  }
0x51: {  	_ =	shalt  }
0x52: {  	_ =	shalt  }
0x53: {  	_ =	shalt  }
0x54: {  	_ =	shalt  }
0x55: {  	_ =	shalt  }
0x56: {  	_ =	shalt  }
0x57: {  	_ =	shalt  }
0x58: {  	_ =	shalt  }
0x59: {  	_ =	shalt  }
0x5a: {  	_ =	shalt  }
0x5b: {  	_ =	shalt  }
0x5c: {  	_ =	shalt  }
0x5d: {  	_ =	shalt  }
0x5e: {  	_ =	shalt  }
0x5f: {  	_ =	shalt  }
0x60: {  	_ =	shalt  }
0x61: {  	_ =	shalt  }
0x62: {  	_ =	shalt  }
0x63: {  	_ =	shalt  }
0x64: {  	_ =	shalt  }
0x65: {  	_ =	shalt  }
0x66: {  	_ =	shalt  }
0x67: {  	_ =	shalt  }
0x68: {  	_ =	shalt  }
0x69: {  	_ =	shalt  }
0x6a: {  	_ =	shalt  }
0x6b: {  	_ =	shalt  }
0x6c: {  	_ =	shalt  }
0x6d: {  	_ =	shalt  }
0x6e: {  	_ =	shalt  }
0x6f: {  	_ =	shalt  }
0x70: {  	_ =	shalt  }
0x71: {  	_ =	shalt  }
0x72: {  	_ =	shalt  }
0x73: {  	_ =	shalt  }
0x74: {  	_ =	shalt  }
0x75: {  	_ =	shalt  }
0x76: {  	_ =	shalt  }
0x77: {  	_ =	shalt  }
0x78: {  	_ =	shalt  }
0x79: {  	_ =	shalt  }
0x7a: {  	_ =	shalt  }
0x7b: {  	_ =	shalt  }
0x7c: {  	_ =	shalt  }
0x7d: {  	_ =	shalt  }
0x7e: {  	_ =	shalt  }
0x7f: {  	_ =	shalt  }
0x80: {  	_ =	shalt  }
0x81: {  	_ =	shalt  }
0x82: {  	_ =	shalt  }
0x83: {  	_ =	shalt  }
0x84: {  	_ =	shalt  }
0x85: {  	_ =	shalt  }
0x86: {  	_ =	shalt  }
0x87: {  	_ =	shalt  }
.Lfunc_end0:
.L_simem_size_0:
called_computation.3_lowered:
.L_overlay_start_0:
0x88: {  	s2 =	sld [smem:$0x3FD9]  }
0x89: {  	s3 =	sld [smem:$0x3FFE];
	_ =	sdelay $0x1  }
0x8a: {  	s1 =	srdreg.scid  }
0x8b: {  	s0 =	sand.u32 $0x1, s1  }
0x8c: {  	s17 =	sshll.u32 s0, $0xA;
	s2 =	sadd.s32 s3, s2  }
0x8d: {  	s2 =	sadd.s32 s2, s17  }
0x8e: {  	[smem:$0x3FC4] =	sst s2  }
0x8f: {  	_ = 	snop  }
0x90: {  	s2 =	sld [smem:$0x3FD0];
	(tm) =	ssettm $0x1  }
0x91: {  	s18 =	sld [smem:$0x3FFB];
	_ =	sdelay $0x3  }
0x92: {  	_ =	strace s18  }
0x93: {  	s3 =	sld [smem:$0x3FFC];
	_ =	sdelay $0x3  }
0x94: {  	_ =	strace s3  }
0x95: {  	s3 =	sld [smem:$0x3FFD];
	_ =	sdelay $0x3  }
0x96: {  	_ =	strace s3  }
0x97: {  	_ =	strace $0x8FFFFFFF  }
0x98: {  	s19 =	sld [smem:$0x3FDB];
	_ =	sdelay $0x1  }
0x99: {  	s4 =	simm.s32 $_scs_section_size  }
0x9a: {  	s5 =	simm.s32 $_size__tile_overlayer_lowered;
	s6 =	simm.s32 $_tile_overlayer_lowered  }
0x9b: {  	s22 =	simm.s32 $0x1BFF;
	s21 =	sshll.u32 s6, $0x1;
	s3 =	sadd.s32 s4, s19  }
0x9c: {  	s7 =	simm.s32 $0x0;
	s20 =	sshll.u32 s5, $0x1;
	s5 =	sadd.s32 s21, s3  }
0x9d: {  	[timem:s7], [sflag:s22] =	dma.local [hbm:s5], s20  }
0x9e: {  	_ =	swait.ge [sflag:s22], s20  }
0x9f: {  	s4 =	ssub.s32 $0x0, s20;
	[sflag:s22] =	ssyncset.done $0x0  }
0xa0: {  	[sflag:s22] =	ssyncadd.s32 s4;
	_ =	sdelay $0x1  }
0xa1: {  	s23 =	simm.s32 $0x1B8B  }
0xa2: {  	_ =	swait.ge [sflag:s23], $0x1  }
0xa3: {  	[sflag:s23] =	ssyncset.done $0x0  }
0xa4: {  	s25 =	simm.s32 $0x1B8E;
	s24 =	sld [smem:$0x3FFE];
	[sflag:s23] =	ssyncadd.s32 $0xFFFFFFFF  }
0xa5: {  	s26 =	simm.s32 $execute0_lowered;
	[smem:$0x3FD2] =	sst s25  }
0xa6: {  	s5 =	sshll.u32 s26, $0x1;
	_ =	strace $0x8000004F;
	[dreg:$0x1] =	wrdreg $0xFFFFFFFF  }
0xa7: {  	s28 =	simm.s32 $_size_execute0_lowered;
	s3 =	sadd.s32 s3, s5;
	[dreg:$0x0] =	wrdreg $0x0  }
0xa8: {  	s5 =	sshll.u32 s28, $0x1;
	[dreg:$0x2] =	wrdreg s3  }
0xa9: {  	[dreg:$0x3] =	wrdreg s5  }
0xaa: {  	[dreg:$0x4] =	wrdreg $0xC0  }
0xab: {  	_ =	task [dreg:s7], $0x5FFFF  }
0xac: {  	[dreg:$0x1] =	wrdreg $0xFFFFFFFF  }
0xad: {  	[dreg:$0x0] =	wrdreg $0x60  }
0xae: {  	[dreg:$0x2] =	wrdreg s24  }
0xaf: {  	[dreg:$0x3] =	wrdreg s2  }
0xb0: {  	[dreg:$0x4] =	wrdreg $0x90000  }
0xb1: {  	[dreg:$0x5] =	wrdreg $0x9  }
0xb2: {  	_ =	task.clear_ibuf [dreg:s7], $0x6FFFF;
	_ =	strace $0x9000004F  }
0xb3: {  	s29 =	simm.s32 $0x9;
	_ =	strace $0x80000051  }
0xb4: {  	_ =	swait.ge [sflag:s29], $0x1  }
0xb5: {  	[sflag:s29] =	ssyncadd.s32 $0xFFFFFFFF  }
0xb6: {  	_ =	strace $0x90000051  }
0xb7: {  	_ =	sfence  }
0xb8: {  	s30 =	sld [smem:$0x0];
	_ =	sdelay $0x2  }
0xb9: {  	s31 =	sshll.u32 s1, $0xD;
	s1 =	sshrl.u32 s1, $0x2  }
0xba: {  	s3 =	sand.u32 $0x4000, s31;
	s1 =	sadd.s32 s1, s30  }
0xbb: {  	s0 =	sor.u32 s3, s0;
	s1 =	sshll.u32 s1, $0x11  }
0xbc: {  	s0 =	sor.u32 s1, s0  }
0xbd: {  	s0 =	sadd.s32 $0x8F2B, s0  }
0xbe: {  	[sflag:s0] =	ssyncadd.remote.s32 $0x1  }
0xbf: {  	_ =	sfence.sel $0xFFFF  }
0xc0: {  	[dreg:$0x0] =	wrdreg $0xFFFFFFFF;
	(pc) =	sbr.abs _section_cstart, $3  }
0xc1: {  	[dreg:$0x1] =	wrdreg $0xFFFFFFFF  }
0xc2: {  	_ =	task.clear_ibuf [dreg:s7], $0x2FFFF;
	_ =	strace $0x9FFFFFFF  }
0xc3: {  	(tm) =	ssettm $0x7FFFFFFF  }
tec
execute0_lowered:
.L_overlay_start_1:
0x0: {  	(tag) =	ssettag $0x1  }
0x1: {  	s5 =	rddreg [dreg:$0x0]  }
0x2: {  	s7 =	rddreg [dreg:$0x1]  }
0x3: {  	s0 =	srdreg.scid;
	s2 =	rddreg [dreg:$0x2]  }
0x4: {  	s3 =	simm.s32 $0x0;
	s14 =	simm.s32 $0x80;
	s15 =	simm.s32 $0x5000  }
0x5: {  	s16 =	simm.s32 $0x1;
	s6 =	sand.u32 $0x1, s0;
	s0 =	stileid.u32  }
0x6: {  	s17 =	simm.s32 $0x0;
	[smem:$0x7FF] =	sst s3;
	s9 =	smul.u32 $0x2800, s0  }
0x7: {  	s1 =	sshll.u32 s6, $0x4;
	s10 =	smul.u32 $0x28000, s6;
	s6 =	ssub.s32 $0x2, s6  }
0x8: {  	s12 =	smul.u32 $0x50000, s0;
	s31 =	sshll.u32 s0, $0x6;
	s4 =	sor.u32 s0, s1  }
0x9: {  	s1 =	rddreg [dreg:$0x3];
	_ =	strace $0x80000050;
	s29 =	sshrl.u32 s6, $0x1  }
0xa: {  	s8 =	smul.u32 $0x500, s4;
	s4 =	sadd.s32 $0xEE00, s5;
	s13 =	sadd.s32 s9, s5  }
0xb: {  	s9 =	sadd.s32 s9, s10;
	s10 =	ssub.s32 s6, s29;
	s30 =	sshrl.u32 s12, $0x2  }
0xc: {  	s6 =	sor.u32 $0x1C02, s31;
	s9 =	sadd.s32 s9, s5;
	s12 =	sadd.s32 s30, s2  }
0xd: {  	s10 =	smax.u32 s10, $0x1;
	s11 =	sadd.s32 s8, s5;
	s5 =	sadd.s32 $0x36E00, s13  }
0xe: {  	s7 =	sadd.s32 s7, s8;
	s9 =	sadd.s32 $0x86E00, s9;
	s13 =	simm.s32 $0x2800  }
0xf: {  	s8 =	sadd.s32 $0x4E00, s11;
	s11 =	sshrl.u32 s12, $0x3;
	s12 =	simm.s32 $0x2  }
.LBB2_1:
0x10: {  	[spmem:s11], [sflag:s6] =	dma.local [hbm:s5], $0x2800  }
0x11: {  	_ =	swait.ge [sflag:s12], $0x2800  }
0x12: {  	[sflag:s12] =	ssyncset.done $0x0  }
0x13: {  	[sflag:s12] =	ssyncadd.s32 $0xFFFFD800  }
0x14: {  	[bflag:$0x0] =	sbarrier.arrive $0xFFFF  }
0x15: {  	[tilespmem:s3], [sflag:$0x2] =	stream.linear.gather [hbm4b:s7+s3], $0x2780, $0x38;
	[tilespmem:$0x1D000] =	vst v63  }
0x16: {  	_ =	swait.ge [sflag:s12], $0x2780  }
0x17: {  	[sflag:s12] =	ssyncset.done $0x0  }
0x18: {  	[sflag:s12] =	ssyncadd.s32 $0xFFFFD880  }
0x19: {  	[tilespmem:s13], [sflag:$0x2] =	stream.linear.gather [hbm4b:s8+s3], $0x2780, $0x38;
	[tilespmem:$0x1D000] =	vst v63  }
0x1a: {  	_ =	swait.ge [sflag:s12], $0x2780  }
0x1b: {  	[sflag:s12] =	ssyncset.done $0x0  }
0x1c: {  	s18 =	simm.s32 $0x0;
	[sflag:s12] =	ssyncadd.s32 $0xFFFFD880  }
0x1d: {  	[tilespmem:s15], [sflag:$0x1] =	stream.indirect.gather [hbm4b:s4+s14], $0x80, s18, s14, $0xb8;
	[tilespmem:$0x1D000] =	vst v63  }
0x1e: {  	_ =	swait.ge [sflag:s16], $0x4000  }
0x1f: {  	[sflag:s16] =	ssyncset.done $0x0  }
0x20: {  	s31 =	simm.s32 $0x2800;
	[sflag:s16] =	ssyncadd.s32 $0xFFFFC000  }
0x21: {  	[spmem:s2] =	stream.indirect.scatter.add.f32 [tilespmem:s15], [sflag:$0x2], $0x80, s31, s14, $0xb8;
	[tilespmem:$0x1D000] =	vst v63  }
0x22: {  	_ =	swait.ge [sflag:s12], $0x4000  }
0x23: {  	s19 =	simm.s32 $0x400;
	s18 =	simm.s32 $0x200;
	[sflag:s12] =	ssyncset.done $0x0  }
.LBB2_2:
0x24: {  	s20 =	sshra.s32 s18, $0x2  }
0x25: {  	[sflag:s12] =	ssyncadd.s32 $0xFFFFC000;
	s18 =	smov.u32 s19;
	s21 =	sadd.s32 $0x200, s19  }
0x26: {  	[tilespmem:s15], [sflag:$0x1] =	stream.indirect.gather [hbm4b:s4+s14], $0x80, s20, s14, $0xb8;
	[tilespmem:$0x1D000] =	vst v63  }
0x27: {  	p0 =	sne.s32 s19, $0x9C00;
	_ =	swait.ge [sflag:s16], $0x4000  }
.Ltmp0:
0x28: {  	[sflag:s16] =	ssyncset.done $0x0;
	(pc) =	sbr.rel @p0 .LBB2_2-.Ltmp0, $4  }
0x29: {  	s19 =	sadd.s32 $0x2800, s20;
	[sflag:s16] =	ssyncadd.s32 $0xFFFFC000  }
0x2a: {  	[spmem:s2] =	stream.indirect.scatter.add.f32 [tilespmem:s15], [sflag:$0x2], $0x80, s19, s14, $0xb8;
	[tilespmem:$0x1D000] =	vst v63  }
0x2b: {  	_ =	swait.ge [sflag:s12], $0x4000  }
0x2c: {  	s19 =	smov.u32 s21;
	[sflag:s12] =	ssyncset.done $0x0  }
0x2d: {  	s18 =	sshra.s32 s18, $0x2;
	[sflag:s12] =	ssyncadd.s32 $0xFFFFC000  }
0x2e: {  	[tilespmem:s15], [sflag:$0x1] =	stream.indirect.gather [hbm4b:s4+s14], $0x80, s18, s14, $0xb8;
	[tilespmem:$0x1D000] =	vst v63  }
0x2f: {  	_ =	swait.ge [sflag:s16], $0x4000  }
0x30: {  	[sflag:s16] =	ssyncset.done $0x0  }
0x31: {  	s18 =	sadd.s32 $0x2800, s18;
	[sflag:s16] =	ssyncadd.s32 $0xFFFFC000  }
0x32: {  	[spmem:s2] =	stream.indirect.scatter.add.f32 [tilespmem:s15], [sflag:$0x2], $0x80, s18, s14, $0xb8;
	[tilespmem:$0x1D000] =	vst v63  }
0x33: {  	_ =	swait.ge [sflag:s12], $0x4000  }
0x34: {  	s17 =	sadd.s32 $0x1, s17;
	[sflag:s12] =	ssyncset.done $0x0  }
0x35: {  	p0 =	sne.s32 s17, s10;
	[sflag:s12] =	ssyncadd.s32 $0xFFFFC000  }
.Ltmp1:
0x36: {  	[bflag:$0x0] =	sbarrier.arrive $0xFFFF;
	(pc) =	sbr.rel @p0 .LBB2_1-.Ltmp1, $4  }
0x37: {  	[hbm:s9], [sflag:s6] =	dma.local [spmem:s11], $0x2800  }
0x38: {  	_ =	swait.ge [sflag:s12], $0x2800  }
0x39: {  	[sflag:s12] =	ssyncset.done $0x0  }
0x3a: {  	[sflag:s12] =	ssyncadd.s32 $0xFFFFD800  }
0x3b: {  	_ =	sfence.sel $0x180000  }
0x3c: {  	[bflag:$0x0] =	sbarrier.arrive $0xFFFF  }
0x3d: {  	p0 =	sne.s32 s0, $0x0;
	_ =	strace $0x90000050  }
0x3e: {  	s0 =	sadd.s32 @!p0 $0x100000, s1;
	[bflag:$0x2] =	sbarrier.arrive $0xFFFF  }
0x3f: {  	[sflag:s0] =	ssyncadd.tile.s32 @!p0 $0x1;
	_ =	shalt  }
.Lfunc_end2:
_tile_overlayer_lowered:
.L_overlay_start_2:
0x40: {  	(tag) =	ssettag $0x2  }
0x41: {  	s0 =	rddreg [dreg:$0x0];
	s2 =	stileid.u32  }
0x42: {  	s1 =	rddreg [dreg:$0x1];
	p0 =	sne.s32 s2, $0x0  }
0x43: {  	s3 =	rddreg [dreg:$0x2];
	[bflag:$0x3] =	sbarrier.arrive $0xFFFF;
	s2 =	simm.s32 @!p0 $0x1C02  }
0x44: {  	[timem:s3], [sflag:s2] =	dma.local @!p0 [hbm:s0], s1  }
0x45: {  	s0 =	simm.s32 @!p0 $0x2  }
0x46: {  	_ =	swait.ge @!p0 [sflag:s0], s1  }
0x47: {  	s1 =	ssub.s32 @!p0 $0x0, s1;
	[sflag:s0] =	ssyncset.done @!p0 $0x0  }
0x48: {  	[sflag:s0] =	ssyncadd.s32 @!p0 s1  }
0x49: {  	[bflag:$0x3] =	sbarrier.arrive $0xFFFF  }
0x4a: {  	_ =	shalt  }

// kernel: kernel.33.cloned.1.call-start
scs
__scs_entry_jumppad:
0x0: {  	(pc) =	sbr.rel $0x88, $3  }
0x1: {  	(tag) =	ssettag $0x0;
	lr =	simm.s32 $0x1  }
0x2: {  	[smem:$0x3F9D] =	sst lr;
	_ =	strace $0xD0000000  }
0x3: {  	_ = 	snop  }
0x4: {  	_ = 	snop  }
0x5: {  	_ = 	snop  }
0x6: {  	_ = 	snop  }
0x7: {  	_ = 	snop  }
__scs_overlays_trampoline_lowered:
0x8: {  	[smem:$0x3FAC] =	sst s0  }
0x9: {  	[smem:$0x3FAD] =	sst s1  }
0xa: {  	[smem:$0x3FAE] =	sst s2  }
0xb: {  	[smem:$0x3FAF] =	sst s3  }
0xc: {  	[smem:$0x3FB0] =	sst s4  }
0xd: {  	[smem:$0x3FB1] =	sst s5  }
0xe: {  	[smem:$0x3FB2] =	sst s6  }
0xf: {  	[smem:$0x3FB3] =	sst s7  }
0x10: {  	[smem:$0x3FB4] =	sst s8  }
0x11: {  	[smem:$0x3FB5] =	sst s9;
	s0 =	simm.s32 @!p0 $0x0  }
0x12: {  	s1 =	sld [smem:$0x3F9B];
	s0 =	simm.s32 @p0 $0x1  }
0x13: {  	[smem:$0x3FB6] =	sst s0;
	s0 =	simm.s32 @!p1 $0x0  }
0x14: {  	s2 =	sld [smem:$0x3F9A];
	s0 =	simm.s32 @p1 $0x1  }
0x15: {  	[smem:$0x3FB7] =	sst s0;
	s0 =	simm.s32 @!p2 $0x0  }
0x16: {  	s3 =	sld [smem:$0x3FDB];
	s0 =	simm.s32 @p2 $0x1  }
0x17: {  	s4 =	simm.s32 $0x1BF5;
	[smem:$0x3FB9] =	sst s0  }
0x18: {  	s0 =	sld [smem:$0x3F9C];
	_ =	swait.ge [sflag:s4], $0x0  }
0x19: {  	s7 =	sld [smem:$0x3F9D]  }
0x1a: {  	s8 =	sadd.s32 $0xFFFFE003, lr  }
0x1b: {  	s9 =	sadd.s32 $0xFFFFFEF7, lr;
	s5 =	simm.s32 $0xFFFFFFFF;
	p2 =	slt.u32 s8, $0xFFFFF086  }
0x1c: {  	p1 =	slt.u32 s9, $0xF7A;
	s5 =	simm.s32 @!p2 $0x0  }
0x1d: {  	s5 =	simm.s32 @p1 $0x1;
	p0 =	seq.s32 s7, s2  }
0x1e: {  	s7 =	smul.u32 @!p0 $0xF7A, s2;
	p2 =	seq.s32 @!p0 s5, $0x0  }
0x1f: {  	s9 =	smul.u32 $0xF7A, s1;
	s8 =	simm.s32 @!p0 $0x1BF5;
	p2 =	por !p2, p0  }
0x20: {  	[sflag:s8] =	ssyncset.s32 @!p0 $0xFFFFF086;
	s6 =	sadd.s32 @!p0 s3, s7;
	s7 =	simm.s32 @!p0 $0x108  }
0x21: {  	s3 =	sadd.s32 s3, s9;
	s6 =	sadd.s32 @!p0 $0x88, s6;
	s7 =	simm.s32 @p2 $0x1082  }
0x22: {  	[simem:s7], [sflag:s8] =	dma.local @!p0 [hbm:s6], $0xF7A  }
0x23: {  	s9 =	sor.u32 $0xD0000000, s2;
	s6 =	simm.s32 $0x108;
	_ =	swait.ge @!p0 [sflag:s8], $0x0  }
0x24: {  	s3 =	sadd.s32 $0x88, s3;
	s6 =	simm.s32 @!p1 $0x1082;
	[sflag:s4] =	ssyncset.s32 $0xFFFFF086  }
0x25: {  	[simem:s6], [sflag:s4] =	dma.local [hbm:s3], $0xF7A  }
0x26: {  	[smem:$0x3F9D] =	sst s1;
	(tag) =	ssettag s2;
	_ =	strace s9  }
0x27: {  	s1 =	sld [smem:$0x3FAD]  }
0x28: {  	s2 =	sld [smem:$0x3FAE]  }
0x29: {  	s4 =	sld [smem:$0x3FB0]  }
0x2a: {  	p0 =	seq.s32 s5, $0x0;
	s5 =	sld [smem:$0x3FB1]  }
0x2b: {  	s6 =	sld [smem:$0x3FB2]  }
0x2c: {  	s7 =	sld [smem:$0x3FB3]  }
0x2d: {  	s3 =	simm.s32 $0x108;
	s8 =	sld [smem:$0x3FB4]  }
0x2e: {  	s3 =	simm.s32 @!p0 $0x1082;
	s9 =	sld [smem:$0x3FB5]  }
0x2f: {  	lr =	sadd.s32 s0, s3;
	s0 =	sld [smem:$0x3FAC]  }
0x30: {  	s3 =	sld [smem:$0x3FAF]  }
0x31: {  	[smem:$0x3FB8] =	sst s10  }
0x32: {  	s10 =	sld [smem:$0x3FB6];
	_ =	sdelay $0x3  }
0x33: {  	p0 =	seq.s32 s10, $0x1;
	s10 =	sld [smem:$0x3FB8];
	_ =	sdelay $0x3  }
0x34: {  	[smem:$0x3FB8] =	sst s10  }
0x35: {  	s10 =	sld [smem:$0x3FB7];
	_ =	sdelay $0x3  }
0x36: {  	p1 =	seq.s32 s10, $0x1;
	s10 =	sld [smem:$0x3FB8];
	_ =	sdelay $0x3  }
0x37: {  	[smem:$0x3FB8] =	sst s10  }
0x38: {  	s10 =	sld [smem:$0x3FB9]  }
0x39: {  	_ = 	snop;
	(pc) =	sbr.ind lr, $3  }
0x3a: {  	_ = 	snop  }
0x3b: {  	_ = 	snop  }
0x3c: {  	p2 =	seq.s32 s10, $0x1;
	s10 =	sld [smem:$0x3FB8]  }
0x3d: {  	_ =	shalt  }
0x3e: {  	_ =	shalt  }
0x3f: {  	_ =	shalt  }
0x40: {  	_ =	shalt  }
0x41: {  	_ =	shalt  }
0x42: {  	_ =	shalt  }
0x43: {  	_ =	shalt  }
0x44: {  	_ =	shalt  }
0x45: {  	_ =	shalt  }
0x46: {  	_ =	shalt  }
0x47: {  	_ =	shalt  }
0x48: {  	_ =	shalt  }
0x49: {  	_ =	shalt  }
0x4a: {  	_ =	shalt  }
0x4b: {  	_ =	shalt  }
0x4c: {  	_ =	shalt  }
0x4d: {  	_ =	shalt  }
0x4e: {  	_ =	shalt  }
0x4f: {  	_ =	shalt  }
0x50: {  	_ =	shalt  }
0x51: {  	_ =	shalt  }
0x52: {  	_ =	shalt  }
0x53: {  	_ =	shalt  }
0x54: {  	_ =	shalt  }
0x55: {  	_ =	shalt  }
0x56: {  	_ =	shalt  }
0x57: {  	_ =	shalt  }
0x58: {  	_ =	shalt  }
0x59: {  	_ =	shalt  }
0x5a: {  	_ =	shalt  }
0x5b: {  	_ =	shalt  }
0x5c: {  	_ =	shalt  }
0x5d: {  	_ =	shalt  }
0x5e: {  	_ =	shalt  }
0x5f: {  	_ =	shalt  }
0x60: {  	_ =	shalt  }
0x61: {  	_ =	shalt  }
0x62: {  	_ =	shalt  }
0x63: {  	_ =	shalt  }
0x64: {  	_ =	shalt  }
0x65: {  	_ =	shalt  }
0x66: {  	_ =	shalt  }
0x67: {  	_ =	shalt  }
0x68: {  	_ =	shalt  }
0x69: {  	_ =	shalt  }
0x6a: {  	_ =	shalt  }
0x6b: {  	_ =	shalt  }
0x6c: {  	_ =	shalt  }
0x6d: {  	_ =	shalt  }
0x6e: {  	_ =	shalt  }
0x6f: {  	_ =	shalt  }
0x70: {  	_ =	shalt  }
0x71: {  	_ =	shalt  }
0x72: {  	_ =	shalt  }
0x73: {  	_ =	shalt  }
0x74: {  	_ =	shalt  }
0x75: {  	_ =	shalt  }
0x76: {  	_ =	shalt  }
0x77: {  	_ =	shalt  }
0x78: {  	_ =	shalt  }
0x79: {  	_ =	shalt  }
0x7a: {  	_ =	shalt  }
0x7b: {  	_ =	shalt  }
0x7c: {  	_ =	shalt  }
0x7d: {  	_ =	shalt  }
0x7e: {  	_ =	shalt  }
0x7f: {  	_ =	shalt  }
0x80: {  	_ =	shalt  }
0x81: {  	_ =	shalt  }
0x82: {  	_ =	shalt  }
0x83: {  	_ =	shalt  }
0x84: {  	_ =	shalt  }
0x85: {  	_ =	shalt  }
0x86: {  	_ =	shalt  }
0x87: {  	_ =	shalt  }
.Lfunc_end0:
.L_simem_size_0:
called_computation.4_lowered:
.L_overlay_start_0:
0x88: {  	s2 =	sld [smem:$0x3FD9]  }
0x89: {  	s3 =	sld [smem:$0x3FFE];
	_ =	sdelay $0x1  }
0x8a: {  	s1 =	srdreg.scid  }
0x8b: {  	s0 =	sand.u32 $0x1, s1  }
0x8c: {  	s17 =	sshll.u32 s0, $0xA;
	s2 =	sadd.s32 s3, s2  }
0x8d: {  	s2 =	sadd.s32 s2, s17  }
0x8e: {  	[smem:$0x3FC4] =	sst s2  }
0x8f: {  	_ = 	snop  }
0x90: {  	s2 =	sld [smem:$0x3FD0];
	(tm) =	ssettm $0x1  }
0x91: {  	s18 =	sld [smem:$0x3FFB];
	_ =	sdelay $0x3  }
0x92: {  	_ =	strace s18  }
0x93: {  	s3 =	sld [smem:$0x3FFC];
	_ =	sdelay $0x3  }
0x94: {  	_ =	strace s3  }
0x95: {  	s3 =	sld [smem:$0x3FFD];
	_ =	sdelay $0x3  }
0x96: {  	_ =	strace s3  }
0x97: {  	_ =	strace $0x8FFFFFFF  }
0x98: {  	s19 =	sld [smem:$0x3FDB];
	_ =	sdelay $0x1  }
0x99: {  	s4 =	simm.s32 $_scs_section_size  }
0x9a: {  	s5 =	simm.s32 $_size__tile_overlayer_lowered;
	s6 =	simm.s32 $_tile_overlayer_lowered  }
0x9b: {  	s22 =	simm.s32 $0x1BFF;
	s21 =	sshll.u32 s6, $0x1;
	s3 =	sadd.s32 s4, s19  }
0x9c: {  	s7 =	simm.s32 $0x0;
	s20 =	sshll.u32 s5, $0x1;
	s5 =	sadd.s32 s21, s3  }
0x9d: {  	[timem:s7], [sflag:s22] =	dma.local [hbm:s5], s20  }
0x9e: {  	_ =	swait.ge [sflag:s22], s20  }
0x9f: {  	s4 =	ssub.s32 $0x0, s20;
	[sflag:s22] =	ssyncset.done $0x0  }
0xa0: {  	[sflag:s22] =	ssyncadd.s32 s4;
	_ =	sdelay $0x1  }
0xa1: {  	s23 =	simm.s32 $0x1B8B  }
0xa2: {  	_ =	swait.ge [sflag:s23], $0x1  }
0xa3: {  	[sflag:s23] =	ssyncset.done $0x0  }
0xa4: {  	s25 =	simm.s32 $0x1B8E;
	s24 =	sld [smem:$0x3FFE];
	[sflag:s23] =	ssyncadd.s32 $0xFFFFFFFF  }
0xa5: {  	s26 =	simm.s32 $execute0_lowered;
	[smem:$0x3FD2] =	sst s25  }
0xa6: {  	s5 =	sshll.u32 s26, $0x1;
	_ =	strace $0x80000052;
	[dreg:$0x1] =	wrdreg $0xFFFFFFFF  }
0xa7: {  	s28 =	simm.s32 $_size_execute0_lowered;
	s3 =	sadd.s32 s3, s5;
	[dreg:$0x0] =	wrdreg $0x0  }
0xa8: {  	s5 =	sshll.u32 s28, $0x1;
	[dreg:$0x2] =	wrdreg s3  }
0xa9: {  	[dreg:$0x3] =	wrdreg s5  }
0xaa: {  	[dreg:$0x4] =	wrdreg $0xC0  }
0xab: {  	_ =	task [dreg:s7], $0x5FFFF  }
0xac: {  	[dreg:$0x1] =	wrdreg $0xFFFFFFFF  }
0xad: {  	[dreg:$0x0] =	wrdreg $0x60  }
0xae: {  	[dreg:$0x2] =	wrdreg s24  }
0xaf: {  	[dreg:$0x3] =	wrdreg s2  }
0xb0: {  	[dreg:$0x4] =	wrdreg $0x90000  }
0xb1: {  	[dreg:$0x5] =	wrdreg $0x9  }
0xb2: {  	_ =	task.clear_ibuf [dreg:s7], $0x6FFFF;
	_ =	strace $0x90000052  }
0xb3: {  	s29 =	simm.s32 $0x9;
	_ =	strace $0x80000054  }
0xb4: {  	_ =	swait.ge [sflag:s29], $0x1  }
0xb5: {  	[sflag:s29] =	ssyncadd.s32 $0xFFFFFFFF  }
0xb6: {  	_ =	strace $0x90000054  }
0xb7: {  	_ =	sfence  }
0xb8: {  	s30 =	sld [smem:$0x0];
	_ =	sdelay $0x2  }
0xb9: {  	s31 =	sshll.u32 s1, $0xD;
	s1 =	sshrl.u32 s1, $0x2  }
0xba: {  	s3 =	sand.u32 $0x4000, s31;
	s1 =	sadd.s32 s1, s30  }
0xbb: {  	s0 =	sor.u32 s3, s0;
	s1 =	sshll.u32 s1, $0x11  }
0xbc: {  	s0 =	sor.u32 s1, s0  }
0xbd: {  	s0 =	sadd.s32 $0x8F2B, s0  }
0xbe: {  	[sflag:s0] =	ssyncadd.remote.s32 $0x1  }
0xbf: {  	_ =	sfence.sel $0xFFFF  }
0xc0: {  	[dreg:$0x0] =	wrdreg $0xFFFFFFFF;
	(pc) =	sbr.abs _section_cstart, $3  }
0xc1: {  	[dreg:$0x1] =	wrdreg $0xFFFFFFFF  }
0xc2: {  	_ =	task.clear_ibuf [dreg:s7], $0x2FFFF;
	_ =	strace $0x9FFFFFFF  }
0xc3: {  	(tm) =	ssettm $0x7FFFFFFF  }
tec
execute0_lowered:
.L_overlay_start_1:
0x0: {  	(tag) =	ssettag $0x1  }
0x1: {  	s5 =	rddreg [dreg:$0x0]  }
0x2: {  	s7 =	rddreg [dreg:$0x1]  }
0x3: {  	s0 =	srdreg.scid;
	s2 =	rddreg [dreg:$0x2]  }
0x4: {  	s3 =	simm.s32 $0x0;
	s14 =	simm.s32 $0x80;
	s15 =	simm.s32 $0x5000  }
0x5: {  	s16 =	simm.s32 $0x1;
	s6 =	sand.u32 $0x1, s0;
	s0 =	stileid.u32  }
0x6: {  	s17 =	simm.s32 $0x0;
	[smem:$0x7FF] =	sst s3;
	s9 =	smul.u32 $0x2800, s0  }
0x7: {  	s1 =	sshll.u32 s6, $0x4;
	s10 =	smul.u32 $0x28000, s6;
	s6 =	ssub.s32 $0x2, s6  }
0x8: {  	s12 =	smul.u32 $0x50000, s0;
	s31 =	sshll.u32 s0, $0x6;
	s4 =	sor.u32 s0, s1  }
0x9: {  	s1 =	rddreg [dreg:$0x3];
	_ =	strace $0x80000053;
	s29 =	sshrl.u32 s6, $0x1  }
0xa: {  	s8 =	smul.u32 $0x500, s4;
	s4 =	sadd.s32 $0xEE00, s5;
	s13 =	sadd.s32 s9, s5  }
0xb: {  	s9 =	sadd.s32 s9, s10;
	s10 =	ssub.s32 s6, s29;
	s30 =	sshrl.u32 s12, $0x2  }
0xc: {  	s6 =	sor.u32 $0x1C02, s31;
	s9 =	sadd.s32 s9, s5;
	s12 =	sadd.s32 s30, s2  }
0xd: {  	s10 =	smax.u32 s10, $0x1;
	s11 =	sadd.s32 s8, s5;
	s5 =	sadd.s32 $0x36E00, s13  }
0xe: {  	s7 =	sadd.s32 s7, s8;
	s9 =	sadd.s32 $0x86E00, s9;
	s13 =	simm.s32 $0x2800  }
0xf: {  	s8 =	sadd.s32 $0x4E00, s11;
	s11 =	sshrl.u32 s12, $0x3;
	s12 =	simm.s32 $0x2  }
.LBB2_1:
0x10: {  	[spmem:s11], [sflag:s6] =	dma.local [hbm:s5], $0x2800  }
0x11: {  	_ =	swait.ge [sflag:s12], $0x2800  }
0x12: {  	[sflag:s12] =	ssyncset.done $0x0  }
0x13: {  	[sflag:s12] =	ssyncadd.s32 $0xFFFFD800  }
0x14: {  	[bflag:$0x0] =	sbarrier.arrive $0xFFFF  }
0x15: {  	[tilespmem:s3], [sflag:$0x2] =	stream.linear.gather [hbm4b:s7+s3], $0x2780, $0x38;
	[tilespmem:$0x1D000] =	vst v63  }
0x16: {  	_ =	swait.ge [sflag:s12], $0x2780  }
0x17: {  	[sflag:s12] =	ssyncset.done $0x0  }
0x18: {  	[sflag:s12] =	ssyncadd.s32 $0xFFFFD880  }
0x19: {  	[tilespmem:s13], [sflag:$0x2] =	stream.linear.gather [hbm4b:s8+s3], $0x2780, $0x38;
	[tilespmem:$0x1D000] =	vst v63  }
0x1a: {  	_ =	swait.ge [sflag:s12], $0x2780  }
0x1b: {  	[sflag:s12] =	ssyncset.done $0x0  }
0x1c: {  	s18 =	simm.s32 $0x0;
	[sflag:s12] =	ssyncadd.s32 $0xFFFFD880  }
0x1d: {  	[tilespmem:s15], [sflag:$0x1] =	stream.indirect.gather [hbm4b:s4+s14], $0x80, s18, s14, $0xb8;
	[tilespmem:$0x1D000] =	vst v63  }
0x1e: {  	_ =	swait.ge [sflag:s16], $0x4000  }
0x1f: {  	[sflag:s16] =	ssyncset.done $0x0  }
0x20: {  	s31 =	simm.s32 $0x2800;
	[sflag:s16] =	ssyncadd.s32 $0xFFFFC000  }
0x21: {  	[spmem:s2] =	stream.indirect.scatter.add.f32 [tilespmem:s15], [sflag:$0x2], $0x80, s31, s14, $0xb8;
	[tilespmem:$0x1D000] =	vst v63  }
0x22: {  	_ =	swait.ge [sflag:s12], $0x4000  }
0x23: {  	s19 =	simm.s32 $0x400;
	s18 =	simm.s32 $0x200;
	[sflag:s12] =	ssyncset.done $0x0  }
.LBB2_2:
0x24: {  	s20 =	sshra.s32 s18, $0x2  }
0x25: {  	[sflag:s12] =	ssyncadd.s32 $0xFFFFC000;
	s18 =	smov.u32 s19;
	s21 =	sadd.s32 $0x200, s19  }
0x26: {  	[tilespmem:s15], [sflag:$0x1] =	stream.indirect.gather [hbm4b:s4+s14], $0x80, s20, s14, $0xb8;
	[tilespmem:$0x1D000] =	vst v63  }
0x27: {  	p0 =	sne.s32 s19, $0x9C00;
	_ =	swait.ge [sflag:s16], $0x4000  }
.Ltmp0:
0x28: {  	[sflag:s16] =	ssyncset.done $0x0;
	(pc) =	sbr.rel @p0 .LBB2_2-.Ltmp0, $4  }
0x29: {  	s19 =	sadd.s32 $0x2800, s20;
	[sflag:s16] =	ssyncadd.s32 $0xFFFFC000  }
0x2a: {  	[spmem:s2] =	stream.indirect.scatter.add.f32 [tilespmem:s15], [sflag:$0x2], $0x80, s19, s14, $0xb8;
	[tilespmem:$0x1D000] =	vst v63  }
0x2b: {  	_ =	swait.ge [sflag:s12], $0x4000  }
0x2c: {  	s19 =	smov.u32 s21;
	[sflag:s12] =	ssyncset.done $0x0  }
0x2d: {  	s18 =	sshra.s32 s18, $0x2;
	[sflag:s12] =	ssyncadd.s32 $0xFFFFC000  }
0x2e: {  	[tilespmem:s15], [sflag:$0x1] =	stream.indirect.gather [hbm4b:s4+s14], $0x80, s18, s14, $0xb8;
	[tilespmem:$0x1D000] =	vst v63  }
0x2f: {  	_ =	swait.ge [sflag:s16], $0x4000  }
0x30: {  	[sflag:s16] =	ssyncset.done $0x0  }
0x31: {  	s18 =	sadd.s32 $0x2800, s18;
	[sflag:s16] =	ssyncadd.s32 $0xFFFFC000  }
0x32: {  	[spmem:s2] =	stream.indirect.scatter.add.f32 [tilespmem:s15], [sflag:$0x2], $0x80, s18, s14, $0xb8;
	[tilespmem:$0x1D000] =	vst v63  }
0x33: {  	_ =	swait.ge [sflag:s12], $0x4000  }
0x34: {  	s17 =	sadd.s32 $0x1, s17;
	[sflag:s12] =	ssyncset.done $0x0  }
0x35: {  	p0 =	sne.s32 s17, s10;
	[sflag:s12] =	ssyncadd.s32 $0xFFFFC000  }
.Ltmp1:
0x36: {  	[bflag:$0x0] =	sbarrier.arrive $0xFFFF;
	(pc) =	sbr.rel @p0 .LBB2_1-.Ltmp1, $4  }
0x37: {  	[hbm:s9], [sflag:s6] =	dma.local [spmem:s11], $0x2800  }
0x38: {  	_ =	swait.ge [sflag:s12], $0x2800  }
0x39: {  	[sflag:s12] =	ssyncset.done $0x0  }
0x3a: {  	[sflag:s12] =	ssyncadd.s32 $0xFFFFD800  }
0x3b: {  	_ =	sfence.sel $0x180000  }
0x3c: {  	[bflag:$0x0] =	sbarrier.arrive $0xFFFF  }
0x3d: {  	p0 =	sne.s32 s0, $0x0;
	_ =	strace $0x90000053  }
0x3e: {  	s0 =	sadd.s32 @!p0 $0x100000, s1;
	[bflag:$0x2] =	sbarrier.arrive $0xFFFF  }
0x3f: {  	[sflag:s0] =	ssyncadd.tile.s32 @!p0 $0x1;
	_ =	shalt  }
.Lfunc_end2:
_tile_overlayer_lowered:
.L_overlay_start_2:
0x40: {  	(tag) =	ssettag $0x2  }
0x41: {  	s0 =	rddreg [dreg:$0x0];
	s2 =	stileid.u32  }
0x42: {  	s1 =	rddreg [dreg:$0x1];
	p0 =	sne.s32 s2, $0x0  }
0x43: {  	s3 =	rddreg [dreg:$0x2];
	[bflag:$0x3] =	sbarrier.arrive $0xFFFF;
	s2 =	simm.s32 @!p0 $0x1C02  }
0x44: {  	[timem:s3], [sflag:s2] =	dma.local @!p0 [hbm:s0], s1  }
0x45: {  	s0 =	simm.s32 @!p0 $0x2  }
0x46: {  	_ =	swait.ge @!p0 [sflag:s0], s1  }
0x47: {  	s1 =	ssub.s32 @!p0 $0x0, s1;
	[sflag:s0] =	ssyncset.done @!p0 $0x0  }
0x48: {  	[sflag:s0] =	ssyncadd.s32 @!p0 s1  }
0x49: {  	[bflag:$0x3] =	sbarrier.arrive $0xFFFF  }
0x4a: {  	_ =	shalt  }

// kernel: kernel.36.cloned.1.call-start
scs
__scs_entry_jumppad:
0x0: {  	(pc) =	sbr.rel $0x88, $3  }
0x1: {  	(tag) =	ssettag $0x0;
	lr =	simm.s32 $0x1  }
0x2: {  	[smem:$0x3F9D] =	sst lr;
	_ =	strace $0xD0000000  }
0x3: {  	_ = 	snop  }
0x4: {  	_ = 	snop  }
0x5: {  	_ = 	snop  }
0x6: {  	_ = 	snop  }
0x7: {  	_ = 	snop  }
__scs_overlays_trampoline_lowered:
0x8: {  	[smem:$0x3FAC] =	sst s0  }
0x9: {  	[smem:$0x3FAD] =	sst s1  }
0xa: {  	[smem:$0x3FAE] =	sst s2  }
0xb: {  	[smem:$0x3FAF] =	sst s3  }
0xc: {  	[smem:$0x3FB0] =	sst s4  }
0xd: {  	[smem:$0x3FB1] =	sst s5  }
0xe: {  	[smem:$0x3FB2] =	sst s6  }
0xf: {  	[smem:$0x3FB3] =	sst s7  }
0x10: {  	[smem:$0x3FB4] =	sst s8  }
0x11: {  	[smem:$0x3FB5] =	sst s9;
	s0 =	simm.s32 @!p0 $0x0  }
0x12: {  	s1 =	sld [smem:$0x3F9B];
	s0 =	simm.s32 @p0 $0x1  }
0x13: {  	[smem:$0x3FB6] =	sst s0;
	s0 =	simm.s32 @!p1 $0x0  }
0x14: {  	s2 =	sld [smem:$0x3F9A];
	s0 =	simm.s32 @p1 $0x1  }
0x15: {  	[smem:$0x3FB7] =	sst s0;
	s0 =	simm.s32 @!p2 $0x0  }
0x16: {  	s3 =	sld [smem:$0x3FDB];
	s0 =	simm.s32 @p2 $0x1  }
0x17: {  	s4 =	simm.s32 $0x1BF5;
	[smem:$0x3FB9] =	sst s0  }
0x18: {  	s0 =	sld [smem:$0x3F9C];
	_ =	swait.ge [sflag:s4], $0x0  }
0x19: {  	s7 =	sld [smem:$0x3F9D]  }
0x1a: {  	s8 =	sadd.s32 $0xFFFFE003, lr  }
0x1b: {  	s9 =	sadd.s32 $0xFFFFFEF7, lr;
	s5 =	simm.s32 $0xFFFFFFFF;
	p2 =	slt.u32 s8, $0xFFFFF086  }
0x1c: {  	p1 =	slt.u32 s9, $0xF7A;
	s5 =	simm.s32 @!p2 $0x0  }
0x1d: {  	s5 =	simm.s32 @p1 $0x1;
	p0 =	seq.s32 s7, s2  }
0x1e: {  	s7 =	smul.u32 @!p0 $0xF7A, s2;
	p2 =	seq.s32 @!p0 s5, $0x0  }
0x1f: {  	s9 =	smul.u32 $0xF7A, s1;
	s8 =	simm.s32 @!p0 $0x1BF5;
	p2 =	por !p2, p0  }
0x20: {  	[sflag:s8] =	ssyncset.s32 @!p0 $0xFFFFF086;
	s6 =	sadd.s32 @!p0 s3, s7;
	s7 =	simm.s32 @!p0 $0x108  }
0x21: {  	s3 =	sadd.s32 s3, s9;
	s6 =	sadd.s32 @!p0 $0x88, s6;
	s7 =	simm.s32 @p2 $0x1082  }
0x22: {  	[simem:s7], [sflag:s8] =	dma.local @!p0 [hbm:s6], $0xF7A  }
0x23: {  	s9 =	sor.u32 $0xD0000000, s2;
	s6 =	simm.s32 $0x108;
	_ =	swait.ge @!p0 [sflag:s8], $0x0  }
0x24: {  	s3 =	sadd.s32 $0x88, s3;
	s6 =	simm.s32 @!p1 $0x1082;
	[sflag:s4] =	ssyncset.s32 $0xFFFFF086  }
0x25: {  	[simem:s6], [sflag:s4] =	dma.local [hbm:s3], $0xF7A  }
0x26: {  	[smem:$0x3F9D] =	sst s1;
	(tag) =	ssettag s2;
	_ =	strace s9  }
0x27: {  	s1 =	sld [smem:$0x3FAD]  }
0x28: {  	s2 =	sld [smem:$0x3FAE]  }
0x29: {  	s4 =	sld [smem:$0x3FB0]  }
0x2a: {  	p0 =	seq.s32 s5, $0x0;
	s5 =	sld [smem:$0x3FB1]  }
0x2b: {  	s6 =	sld [smem:$0x3FB2]  }
0x2c: {  	s7 =	sld [smem:$0x3FB3]  }
0x2d: {  	s3 =	simm.s32 $0x108;
	s8 =	sld [smem:$0x3FB4]  }
0x2e: {  	s3 =	simm.s32 @!p0 $0x1082;
	s9 =	sld [smem:$0x3FB5]  }
0x2f: {  	lr =	sadd.s32 s0, s3;
	s0 =	sld [smem:$0x3FAC]  }
0x30: {  	s3 =	sld [smem:$0x3FAF]  }
0x31: {  	[smem:$0x3FB8] =	sst s10  }
0x32: {  	s10 =	sld [smem:$0x3FB6];
	_ =	sdelay $0x3  }
0x33: {  	p0 =	seq.s32 s10, $0x1;
	s10 =	sld [smem:$0x3FB8];
	_ =	sdelay $0x3  }
0x34: {  	[smem:$0x3FB8] =	sst s10  }
0x35: {  	s10 =	sld [smem:$0x3FB7];
	_ =	sdelay $0x3  }
0x36: {  	p1 =	seq.s32 s10, $0x1;
	s10 =	sld [smem:$0x3FB8];
	_ =	sdelay $0x3  }
0x37: {  	[smem:$0x3FB8] =	sst s10  }
0x38: {  	s10 =	sld [smem:$0x3FB9]  }
0x39: {  	_ = 	snop;
	(pc) =	sbr.ind lr, $3  }
0x3a: {  	_ = 	snop  }
0x3b: {  	_ = 	snop  }
0x3c: {  	p2 =	seq.s32 s10, $0x1;
	s10 =	sld [smem:$0x3FB8]  }
0x3d: {  	_ =	shalt  }
0x3e: {  	_ =	shalt  }
0x3f: {  	_ =	shalt  }
0x40: {  	_ =	shalt  }
0x41: {  	_ =	shalt  }
0x42: {  	_ =	shalt  }
0x43: {  	_ =	shalt  }
0x44: {  	_ =	shalt  }
0x45: {  	_ =	shalt  }
0x46: {  	_ =	shalt  }
0x47: {  	_ =	shalt  }
0x48: {  	_ =	shalt  }
0x49: {  	_ =	shalt  }
0x4a: {  	_ =	shalt  }
0x4b: {  	_ =	shalt  }
0x4c: {  	_ =	shalt  }
0x4d: {  	_ =	shalt  }
0x4e: {  	_ =	shalt  }
0x4f: {  	_ =	shalt  }
0x50: {  	_ =	shalt  }
0x51: {  	_ =	shalt  }
0x52: {  	_ =	shalt  }
0x53: {  	_ =	shalt  }
0x54: {  	_ =	shalt  }
0x55: {  	_ =	shalt  }
0x56: {  	_ =	shalt  }
0x57: {  	_ =	shalt  }
0x58: {  	_ =	shalt  }
0x59: {  	_ =	shalt  }
0x5a: {  	_ =	shalt  }
0x5b: {  	_ =	shalt  }
0x5c: {  	_ =	shalt  }
0x5d: {  	_ =	shalt  }
0x5e: {  	_ =	shalt  }
0x5f: {  	_ =	shalt  }
0x60: {  	_ =	shalt  }
0x61: {  	_ =	shalt  }
0x62: {  	_ =	shalt  }
0x63: {  	_ =	shalt  }
0x64: {  	_ =	shalt  }
0x65: {  	_ =	shalt  }
0x66: {  	_ =	shalt  }
0x67: {  	_ =	shalt  }
0x68: {  	_ =	shalt  }
0x69: {  	_ =	shalt  }
0x6a: {  	_ =	shalt  }
0x6b: {  	_ =	shalt  }
0x6c: {  	_ =	shalt  }
0x6d: {  	_ =	shalt  }
0x6e: {  	_ =	shalt  }
0x6f: {  	_ =	shalt  }
0x70: {  	_ =	shalt  }
0x71: {  	_ =	shalt  }
0x72: {  	_ =	shalt  }
0x73: {  	_ =	shalt  }
0x74: {  	_ =	shalt  }
0x75: {  	_ =	shalt  }
0x76: {  	_ =	shalt  }
0x77: {  	_ =	shalt  }
0x78: {  	_ =	shalt  }
0x79: {  	_ =	shalt  }
0x7a: {  	_ =	shalt  }
0x7b: {  	_ =	shalt  }
0x7c: {  	_ =	shalt  }
0x7d: {  	_ =	shalt  }
0x7e: {  	_ =	shalt  }
0x7f: {  	_ =	shalt  }
0x80: {  	_ =	shalt  }
0x81: {  	_ =	shalt  }
0x82: {  	_ =	shalt  }
0x83: {  	_ =	shalt  }
0x84: {  	_ =	shalt  }
0x85: {  	_ =	shalt  }
0x86: {  	_ =	shalt  }
0x87: {  	_ =	shalt  }
.Lfunc_end0:
.L_simem_size_0:
called_computation.5_lowered:
.L_overlay_start_0:
0x88: {  	s2 =	sld [smem:$0x3FD9]  }
0x89: {  	s3 =	sld [smem:$0x3FFE];
	_ =	sdelay $0x1  }
0x8a: {  	s1 =	srdreg.scid  }
0x8b: {  	s0 =	sand.u32 $0x1, s1  }
0x8c: {  	s17 =	sshll.u32 s0, $0xA;
	s2 =	sadd.s32 s3, s2  }
0x8d: {  	s2 =	sadd.s32 s2, s17  }
0x8e: {  	[smem:$0x3FC4] =	sst s2  }
0x8f: {  	_ = 	snop  }
0x90: {  	s2 =	sld [smem:$0x3FD0];
	(tm) =	ssettm $0x1  }
0x91: {  	s18 =	sld [smem:$0x3FFB];
	_ =	sdelay $0x3  }
0x92: {  	_ =	strace s18  }
0x93: {  	s3 =	sld [smem:$0x3FFC];
	_ =	sdelay $0x3  }
0x94: {  	_ =	strace s3  }
0x95: {  	s3 =	sld [smem:$0x3FFD];
	_ =	sdelay $0x3  }
0x96: {  	_ =	strace s3  }
0x97: {  	_ =	strace $0x8FFFFFFF  }
0x98: {  	s19 =	sld [smem:$0x3FDB];
	_ =	sdelay $0x1  }
0x99: {  	s4 =	simm.s32 $_scs_section_size  }
0x9a: {  	s5 =	simm.s32 $_size__tile_overlayer_lowered;
	s6 =	simm.s32 $_tile_overlayer_lowered  }
0x9b: {  	s22 =	simm.s32 $0x1BFF;
	s21 =	sshll.u32 s6, $0x1;
	s3 =	sadd.s32 s4, s19  }
0x9c: {  	s7 =	simm.s32 $0x0;
	s20 =	sshll.u32 s5, $0x1;
	s5 =	sadd.s32 s21, s3  }
0x9d: {  	[timem:s7], [sflag:s22] =	dma.local [hbm:s5], s20  }
0x9e: {  	_ =	swait.ge [sflag:s22], s20  }
0x9f: {  	s4 =	ssub.s32 $0x0, s20;
	[sflag:s22] =	ssyncset.done $0x0  }
0xa0: {  	[sflag:s22] =	ssyncadd.s32 s4;
	_ =	sdelay $0x1  }
0xa1: {  	s23 =	simm.s32 $0x1B8B  }
0xa2: {  	_ =	swait.ge [sflag:s23], $0x1  }
0xa3: {  	[sflag:s23] =	ssyncset.done $0x0  }
0xa4: {  	s25 =	simm.s32 $0x1B8E;
	s24 =	sld [smem:$0x3FFE];
	[sflag:s23] =	ssyncadd.s32 $0xFFFFFFFF  }
0xa5: {  	s26 =	simm.s32 $execute0_lowered;
	[smem:$0x3FD2] =	sst s25  }
0xa6: {  	s5 =	sshll.u32 s26, $0x1;
	_ =	strace $0x80000055;
	[dreg:$0x1] =	wrdreg $0xFFFFFFFF  }
0xa7: {  	s28 =	simm.s32 $_size_execute0_lowered;
	s3 =	sadd.s32 s3, s5;
	[dreg:$0x0] =	wrdreg $0x0  }
0xa8: {  	s5 =	sshll.u32 s28, $0x1;
	[dreg:$0x2] =	wrdreg s3  }
0xa9: {  	[dreg:$0x3] =	wrdreg s5  }
0xaa: {  	[dreg:$0x4] =	wrdreg $0xC0  }
0xab: {  	_ =	task [dreg:s7], $0x5FFFF  }
0xac: {  	[dreg:$0x1] =	wrdreg $0xFFFFFFFF  }
0xad: {  	[dreg:$0x0] =	wrdreg $0x60  }
0xae: {  	[dreg:$0x2] =	wrdreg s24  }
0xaf: {  	[dreg:$0x3] =	wrdreg s2  }
0xb0: {  	[dreg:$0x4] =	wrdreg $0x90000  }
0xb1: {  	[dreg:$0x5] =	wrdreg $0x9  }
0xb2: {  	_ =	task.clear_ibuf [dreg:s7], $0x6FFFF;
	_ =	strace $0x90000055  }
0xb3: {  	s29 =	simm.s32 $0x9;
	_ =	strace $0x80000057  }
0xb4: {  	_ =	swait.ge [sflag:s29], $0x1  }
0xb5: {  	[sflag:s29] =	ssyncadd.s32 $0xFFFFFFFF  }
0xb6: {  	_ =	strace $0x90000057  }
0xb7: {  	_ =	sfence  }
0xb8: {  	s30 =	sld [smem:$0x0];
	_ =	sdelay $0x2  }
0xb9: {  	s31 =	sshll.u32 s1, $0xD;
	s1 =	sshrl.u32 s1, $0x2  }
0xba: {  	s3 =	sand.u32 $0x4000, s31;
	s1 =	sadd.s32 s1, s30  }
0xbb: {  	s0 =	sor.u32 s3, s0;
	s1 =	sshll.u32 s1, $0x11  }
0xbc: {  	s0 =	sor.u32 s1, s0  }
0xbd: {  	s0 =	sadd.s32 $0x8F2B, s0  }
0xbe: {  	[sflag:s0] =	ssyncadd.remote.s32 $0x1  }
0xbf: {  	_ =	sfence.sel $0xFFFF  }
0xc0: {  	[dreg:$0x0] =	wrdreg $0xFFFFFFFF;
	(pc) =	sbr.abs _section_cstart, $3  }
0xc1: {  	[dreg:$0x1] =	wrdreg $0xFFFFFFFF  }
0xc2: {  	_ =	task.clear_ibuf [dreg:s7], $0x2FFFF;
	_ =	strace $0x9FFFFFFF  }
0xc3: {  	(tm) =	ssettm $0x7FFFFFFF  }
tec
execute0_lowered:
.L_overlay_start_1:
0x0: {  	(tag) =	ssettag $0x1  }
0x1: {  	s5 =	rddreg [dreg:$0x0]  }
0x2: {  	s7 =	rddreg [dreg:$0x1]  }
0x3: {  	s0 =	srdreg.scid;
	s2 =	rddreg [dreg:$0x2]  }
0x4: {  	s3 =	simm.s32 $0x0;
	s14 =	simm.s32 $0x80;
	s15 =	simm.s32 $0x5000  }
0x5: {  	s16 =	simm.s32 $0x1;
	s6 =	sand.u32 $0x1, s0;
	s0 =	stileid.u32  }
0x6: {  	s17 =	simm.s32 $0x0;
	[smem:$0x7FF] =	sst s3;
	s9 =	smul.u32 $0x2800, s0  }
0x7: {  	s1 =	sshll.u32 s6, $0x4;
	s10 =	smul.u32 $0x28000, s6;
	s6 =	ssub.s32 $0x2, s6  }
0x8: {  	s12 =	smul.u32 $0x50000, s0;
	s31 =	sshll.u32 s0, $0x6;
	s4 =	sor.u32 s0, s1  }
0x9: {  	s1 =	rddreg [dreg:$0x3];
	_ =	strace $0x80000056;
	s29 =	sshrl.u32 s6, $0x1  }
0xa: {  	s8 =	smul.u32 $0x500, s4;
	s4 =	sadd.s32 $0xEE00, s5;
	s13 =	sadd.s32 s9, s5  }
0xb: {  	s9 =	sadd.s32 s9, s10;
	s10 =	ssub.s32 s6, s29;
	s30 =	sshrl.u32 s12, $0x2  }
0xc: {  	s6 =	sor.u32 $0x1C02, s31;
	s9 =	sadd.s32 s9, s5;
	s12 =	sadd.s32 s30, s2  }
0xd: {  	s10 =	smax.u32 s10, $0x1;
	s11 =	sadd.s32 s8, s5;
	s5 =	sadd.s32 $0x36E00, s13  }
0xe: {  	s7 =	sadd.s32 s7, s8;
	s9 =	sadd.s32 $0x86E00, s9;
	s13 =	simm.s32 $0x2800  }
0xf: {  	s8 =	sadd.s32 $0x4E00, s11;
	s11 =	sshrl.u32 s12, $0x3;
	s12 =	simm.s32 $0x2  }
.LBB2_1:
0x10: {  	[spmem:s11], [sflag:s6] =	dma.local [hbm:s5], $0x2800  }
0x11: {  	_ =	swait.ge [sflag:s12], $0x2800  }
0x12: {  	[sflag:s12] =	ssyncset.done $0x0  }
0x13: {  	[sflag:s12] =	ssyncadd.s32 $0xFFFFD800  }
0x14: {  	[bflag:$0x0] =	sbarrier.arrive $0xFFFF  }
0x15: {  	[tilespmem:s3], [sflag:$0x2] =	stream.linear.gather [hbm4b:s7+s3], $0x2780, $0x38;
	[tilespmem:$0x1D000] =	vst v63  }
0x16: {  	_ =	swait.ge [sflag:s12], $0x2780  }
0x17: {  	[sflag:s12] =	ssyncset.done $0x0  }
0x18: {  	[sflag:s12] =	ssyncadd.s32 $0xFFFFD880  }
0x19: {  	[tilespmem:s13], [sflag:$0x2] =	stream.linear.gather [hbm4b:s8+s3], $0x2780, $0x38;
	[tilespmem:$0x1D000] =	vst v63  }
0x1a: {  	_ =	swait.ge [sflag:s12], $0x2780  }
0x1b: {  	[sflag:s12] =	ssyncset.done $0x0  }
0x1c: {  	s18 =	simm.s32 $0x0;
	[sflag:s12] =	ssyncadd.s32 $0xFFFFD880  }
0x1d: {  	[tilespmem:s15], [sflag:$0x1] =	stream.indirect.gather [hbm4b:s4+s14], $0x80, s18, s14, $0xb8;
	[tilespmem:$0x1D000] =	vst v63  }
0x1e: {  	_ =	swait.ge [sflag:s16], $0x4000  }
0x1f: {  	[sflag:s16] =	ssyncset.done $0x0  }
0x20: {  	s31 =	simm.s32 $0x2800;
	[sflag:s16] =	ssyncadd.s32 $0xFFFFC000  }
0x21: {  	[spmem:s2] =	stream.indirect.scatter.add.f32 [tilespmem:s15], [sflag:$0x2], $0x80, s31, s14, $0xb8;
	[tilespmem:$0x1D000] =	vst v63  }
0x22: {  	_ =	swait.ge [sflag:s12], $0x4000  }
0x23: {  	s19 =	simm.s32 $0x400;
	s18 =	simm.s32 $0x200;
	[sflag:s12] =	ssyncset.done $0x0  }
.LBB2_2:
0x24: {  	s20 =	sshra.s32 s18, $0x2  }
0x25: {  	[sflag:s12] =	ssyncadd.s32 $0xFFFFC000;
	s18 =	smov.u32 s19;
	s21 =	sadd.s32 $0x200, s19  }
0x26: {  	[tilespmem:s15], [sflag:$0x1] =	stream.indirect.gather [hbm4b:s4+s14], $0x80, s20, s14, $0xb8;
	[tilespmem:$0x1D000] =	vst v63  }
0x27: {  	p0 =	sne.s32 s19, $0x9C00;
	_ =	swait.ge [sflag:s16], $0x4000  }
.Ltmp0:
0x28: {  	[sflag:s16] =	ssyncset.done $0x0;
	(pc) =	sbr.rel @p0 .LBB2_2-.Ltmp0, $4  }
0x29: {  	s19 =	sadd.s32 $0x2800, s20;
	[sflag:s16] =	ssyncadd.s32 $0xFFFFC000  }
0x2a: {  	[spmem:s2] =	stream.indirect.scatter.add.f32 [tilespmem:s15], [sflag:$0x2], $0x80, s19, s14, $0xb8;
	[tilespmem:$0x1D000] =	vst v63  }
0x2b: {  	_ =	swait.ge [sflag:s12], $0x4000  }
0x2c: {  	s19 =	smov.u32 s21;
	[sflag:s12] =	ssyncset.done $0x0  }
0x2d: {  	s18 =	sshra.s32 s18, $0x2;
	[sflag:s12] =	ssyncadd.s32 $0xFFFFC000  }
0x2e: {  	[tilespmem:s15], [sflag:$0x1] =	stream.indirect.gather [hbm4b:s4+s14], $0x80, s18, s14, $0xb8;
	[tilespmem:$0x1D000] =	vst v63  }
0x2f: {  	_ =	swait.ge [sflag:s16], $0x4000  }
0x30: {  	[sflag:s16] =	ssyncset.done $0x0  }
0x31: {  	s18 =	sadd.s32 $0x2800, s18;
	[sflag:s16] =	ssyncadd.s32 $0xFFFFC000  }
0x32: {  	[spmem:s2] =	stream.indirect.scatter.add.f32 [tilespmem:s15], [sflag:$0x2], $0x80, s18, s14, $0xb8;
	[tilespmem:$0x1D000] =	vst v63  }
0x33: {  	_ =	swait.ge [sflag:s12], $0x4000  }
0x34: {  	s17 =	sadd.s32 $0x1, s17;
	[sflag:s12] =	ssyncset.done $0x0  }
0x35: {  	p0 =	sne.s32 s17, s10;
	[sflag:s12] =	ssyncadd.s32 $0xFFFFC000  }
.Ltmp1:
0x36: {  	[bflag:$0x0] =	sbarrier.arrive $0xFFFF;
	(pc) =	sbr.rel @p0 .LBB2_1-.Ltmp1, $4  }
0x37: {  	[hbm:s9], [sflag:s6] =	dma.local [spmem:s11], $0x2800  }
0x38: {  	_ =	swait.ge [sflag:s12], $0x2800  }
0x39: {  	[sflag:s12] =	ssyncset.done $0x0  }
0x3a: {  	[sflag:s12] =	ssyncadd.s32 $0xFFFFD800  }
0x3b: {  	_ =	sfence.sel $0x180000  }
0x3c: {  	[bflag:$0x0] =	sbarrier.arrive $0xFFFF  }
0x3d: {  	p0 =	sne.s32 s0, $0x0;
	_ =	strace $0x90000056  }
0x3e: {  	s0 =	sadd.s32 @!p0 $0x100000, s1;
	[bflag:$0x2] =	sbarrier.arrive $0xFFFF  }
0x3f: {  	[sflag:s0] =	ssyncadd.tile.s32 @!p0 $0x1;
	_ =	shalt  }
.Lfunc_end2:
_tile_overlayer_lowered:
.L_overlay_start_2:
0x40: {  	(tag) =	ssettag $0x2  }
0x41: {  	s0 =	rddreg [dreg:$0x0];
	s2 =	stileid.u32  }
0x42: {  	s1 =	rddreg [dreg:$0x1];
	p0 =	sne.s32 s2, $0x0  }
0x43: {  	s3 =	rddreg [dreg:$0x2];
	[bflag:$0x3] =	sbarrier.arrive $0xFFFF;
	s2 =	simm.s32 @!p0 $0x1C02  }
0x44: {  	[timem:s3], [sflag:s2] =	dma.local @!p0 [hbm:s0], s1  }
0x45: {  	s0 =	simm.s32 @!p0 $0x2  }
0x46: {  	_ =	swait.ge @!p0 [sflag:s0], s1  }
0x47: {  	s1 =	ssub.s32 @!p0 $0x0, s1;
	[sflag:s0] =	ssyncset.done @!p0 $0x0  }
0x48: {  	[sflag:s0] =	ssyncadd.s32 @!p0 s1  }
0x49: {  	[bflag:$0x3] =	sbarrier.arrive $0xFFFF  }
0x4a: {  	_ =	shalt  }

// kernel: kernel.39.cloned.1.call-start
scs
__scs_entry_jumppad:
0x0: {  	(pc) =	sbr.rel $0x88, $3  }
0x1: {  	(tag) =	ssettag $0x0;
	lr =	simm.s32 $0x1  }
0x2: {  	[smem:$0x3F9D] =	sst lr;
	_ =	strace $0xD0000000  }
0x3: {  	_ = 	snop  }
0x4: {  	_ = 	snop  }
0x5: {  	_ = 	snop  }
0x6: {  	_ = 	snop  }
0x7: {  	_ = 	snop  }
__scs_overlays_trampoline_lowered:
0x8: {  	[smem:$0x3FAC] =	sst s0  }
0x9: {  	[smem:$0x3FAD] =	sst s1  }
0xa: {  	[smem:$0x3FAE] =	sst s2  }
0xb: {  	[smem:$0x3FAF] =	sst s3  }
0xc: {  	[smem:$0x3FB0] =	sst s4  }
0xd: {  	[smem:$0x3FB1] =	sst s5  }
0xe: {  	[smem:$0x3FB2] =	sst s6  }
0xf: {  	[smem:$0x3FB3] =	sst s7  }
0x10: {  	[smem:$0x3FB4] =	sst s8  }
0x11: {  	[smem:$0x3FB5] =	sst s9;
	s0 =	simm.s32 @!p0 $0x0  }
0x12: {  	s1 =	sld [smem:$0x3F9B];
	s0 =	simm.s32 @p0 $0x1  }
0x13: {  	[smem:$0x3FB6] =	sst s0;
	s0 =	simm.s32 @!p1 $0x0  }
0x14: {  	s2 =	sld [smem:$0x3F9A];
	s0 =	simm.s32 @p1 $0x1  }
0x15: {  	[smem:$0x3FB7] =	sst s0;
	s0 =	simm.s32 @!p2 $0x0  }
0x16: {  	s3 =	sld [smem:$0x3FDB];
	s0 =	simm.s32 @p2 $0x1  }
0x17: {  	s4 =	simm.s32 $0x1BF5;
	[smem:$0x3FB9] =	sst s0  }
0x18: {  	s0 =	sld [smem:$0x3F9C];
	_ =	swait.ge [sflag:s4], $0x0  }
0x19: {  	s7 =	sld [smem:$0x3F9D]  }
0x1a: {  	s8 =	sadd.s32 $0xFFFFE003, lr  }
0x1b: {  	s9 =	sadd.s32 $0xFFFFFEF7, lr;
	s5 =	simm.s32 $0xFFFFFFFF;
	p2 =	slt.u32 s8, $0xFFFFF086  }
0x1c: {  	p1 =	slt.u32 s9, $0xF7A;
	s5 =	simm.s32 @!p2 $0x0  }
0x1d: {  	s5 =	simm.s32 @p1 $0x1;
	p0 =	seq.s32 s7, s2  }
0x1e: {  	s7 =	smul.u32 @!p0 $0xF7A, s2;
	p2 =	seq.s32 @!p0 s5, $0x0  }
0x1f: {  	s9 =	smul.u32 $0xF7A, s1;
	s8 =	simm.s32 @!p0 $0x1BF5;
	p2 =	por !p2, p0  }
0x20: {  	[sflag:s8] =	ssyncset.s32 @!p0 $0xFFFFF086;
	s6 =	sadd.s32 @!p0 s3, s7;
	s7 =	simm.s32 @!p0 $0x108  }
0x21: {  	s3 =	sadd.s32 s3, s9;
	s6 =	sadd.s32 @!p0 $0x88, s6;
	s7 =	simm.s32 @p2 $0x1082  }
0x22: {  	[simem:s7], [sflag:s8] =	dma.local @!p0 [hbm:s6], $0xF7A  }
0x23: {  	s9 =	sor.u32 $0xD0000000, s2;
	s6 =	simm.s32 $0x108;
	_ =	swait.ge @!p0 [sflag:s8], $0x0  }
0x24: {  	s3 =	sadd.s32 $0x88, s3;
	s6 =	simm.s32 @!p1 $0x1082;
	[sflag:s4] =	ssyncset.s32 $0xFFFFF086  }
0x25: {  	[simem:s6], [sflag:s4] =	dma.local [hbm:s3], $0xF7A  }
0x26: {  	[smem:$0x3F9D] =	sst s1;
	(tag) =	ssettag s2;
	_ =	strace s9  }
0x27: {  	s1 =	sld [smem:$0x3FAD]  }
0x28: {  	s2 =	sld [smem:$0x3FAE]  }
0x29: {  	s4 =	sld [smem:$0x3FB0]  }
0x2a: {  	p0 =	seq.s32 s5, $0x0;
	s5 =	sld [smem:$0x3FB1]  }
0x2b: {  	s6 =	sld [smem:$0x3FB2]  }
0x2c: {  	s7 =	sld [smem:$0x3FB3]  }
0x2d: {  	s3 =	simm.s32 $0x108;
	s8 =	sld [smem:$0x3FB4]  }
0x2e: {  	s3 =	simm.s32 @!p0 $0x1082;
	s9 =	sld [smem:$0x3FB5]  }
0x2f: {  	lr =	sadd.s32 s0, s3;
	s0 =	sld [smem:$0x3FAC]  }
0x30: {  	s3 =	sld [smem:$0x3FAF]  }
0x31: {  	[smem:$0x3FB8] =	sst s10  }
0x32: {  	s10 =	sld [smem:$0x3FB6];
	_ =	sdelay $0x3  }
0x33: {  	p0 =	seq.s32 s10, $0x1;
	s10 =	sld [smem:$0x3FB8];
	_ =	sdelay $0x3  }
0x34: {  	[smem:$0x3FB8] =	sst s10  }
0x35: {  	s10 =	sld [smem:$0x3FB7];
	_ =	sdelay $0x3  }
0x36: {  	p1 =	seq.s32 s10, $0x1;
	s10 =	sld [smem:$0x3FB8];
	_ =	sdelay $0x3  }
0x37: {  	[smem:$0x3FB8] =	sst s10  }
0x38: {  	s10 =	sld [smem:$0x3FB9]  }
0x39: {  	_ = 	snop;
	(pc) =	sbr.ind lr, $3  }
0x3a: {  	_ = 	snop  }
0x3b: {  	_ = 	snop  }
0x3c: {  	p2 =	seq.s32 s10, $0x1;
	s10 =	sld [smem:$0x3FB8]  }
0x3d: {  	_ =	shalt  }
0x3e: {  	_ =	shalt  }
0x3f: {  	_ =	shalt  }
0x40: {  	_ =	shalt  }
0x41: {  	_ =	shalt  }
0x42: {  	_ =	shalt  }
0x43: {  	_ =	shalt  }
0x44: {  	_ =	shalt  }
0x45: {  	_ =	shalt  }
0x46: {  	_ =	shalt  }
0x47: {  	_ =	shalt  }
0x48: {  	_ =	shalt  }
0x49: {  	_ =	shalt  }
0x4a: {  	_ =	shalt  }
0x4b: {  	_ =	shalt  }
0x4c: {  	_ =	shalt  }
0x4d: {  	_ =	shalt  }
0x4e: {  	_ =	shalt  }
0x4f: {  	_ =	shalt  }
0x50: {  	_ =	shalt  }
0x51: {  	_ =	shalt  }
0x52: {  	_ =	shalt  }
0x53: {  	_ =	shalt  }
0x54: {  	_ =	shalt  }
0x55: {  	_ =	shalt  }
0x56: {  	_ =	shalt  }
0x57: {  	_ =	shalt  }
0x58: {  	_ =	shalt  }
0x59: {  	_ =	shalt  }
0x5a: {  	_ =	shalt  }
0x5b: {  	_ =	shalt  }
0x5c: {  	_ =	shalt  }
0x5d: {  	_ =	shalt  }
0x5e: {  	_ =	shalt  }
0x5f: {  	_ =	shalt  }
0x60: {  	_ =	shalt  }
0x61: {  	_ =	shalt  }
0x62: {  	_ =	shalt  }
0x63: {  	_ =	shalt  }
0x64: {  	_ =	shalt  }
0x65: {  	_ =	shalt  }
0x66: {  	_ =	shalt  }
0x67: {  	_ =	shalt  }
0x68: {  	_ =	shalt  }
0x69: {  	_ =	shalt  }
0x6a: {  	_ =	shalt  }
0x6b: {  	_ =	shalt  }
0x6c: {  	_ =	shalt  }
0x6d: {  	_ =	shalt  }
0x6e: {  	_ =	shalt  }
0x6f: {  	_ =	shalt  }
0x70: {  	_ =	shalt  }
0x71: {  	_ =	shalt  }
0x72: {  	_ =	shalt  }
0x73: {  	_ =	shalt  }
0x74: {  	_ =	shalt  }
0x75: {  	_ =	shalt  }
0x76: {  	_ =	shalt  }
0x77: {  	_ =	shalt  }
0x78: {  	_ =	shalt  }
0x79: {  	_ =	shalt  }
0x7a: {  	_ =	shalt  }
0x7b: {  	_ =	shalt  }
0x7c: {  	_ =	shalt  }
0x7d: {  	_ =	shalt  }
0x7e: {  	_ =	shalt  }
0x7f: {  	_ =	shalt  }
0x80: {  	_ =	shalt  }
0x81: {  	_ =	shalt  }
0x82: {  	_ =	shalt  }
0x83: {  	_ =	shalt  }
0x84: {  	_ =	shalt  }
0x85: {  	_ =	shalt  }
0x86: {  	_ =	shalt  }
0x87: {  	_ =	shalt  }
.Lfunc_end0:
.L_simem_size_0:
called_computation.6_lowered:
.L_overlay_start_0:
0x88: {  	s2 =	sld [smem:$0x3FD9]  }
0x89: {  	s3 =	sld [smem:$0x3FFE];
	_ =	sdelay $0x1  }
0x8a: {  	s1 =	srdreg.scid  }
0x8b: {  	s0 =	sand.u32 $0x1, s1  }
0x8c: {  	s17 =	sshll.u32 s0, $0xA;
	s2 =	sadd.s32 s3, s2  }
0x8d: {  	s2 =	sadd.s32 s2, s17  }
0x8e: {  	[smem:$0x3FC4] =	sst s2  }
0x8f: {  	_ = 	snop  }
0x90: {  	s2 =	sld [smem:$0x3FD0];
	(tm) =	ssettm $0x1  }
0x91: {  	s18 =	sld [smem:$0x3FFB];
	_ =	sdelay $0x3  }
0x92: {  	_ =	strace s18  }
0x93: {  	s3 =	sld [smem:$0x3FFC];
	_ =	sdelay $0x3  }
0x94: {  	_ =	strace s3  }
0x95: {  	s3 =	sld [smem:$0x3FFD];
	_ =	sdelay $0x3  }
0x96: {  	_ =	strace s3  }
0x97: {  	_ =	strace $0x8FFFFFFF  }
0x98: {  	s19 =	sld [smem:$0x3FDB];
	_ =	sdelay $0x1  }
0x99: {  	s4 =	simm.s32 $_scs_section_size  }
0x9a: {  	s5 =	simm.s32 $_size__tile_overlayer_lowered;
	s6 =	simm.s32 $_tile_overlayer_lowered  }
0x9b: {  	s22 =	simm.s32 $0x1BFF;
	s21 =	sshll.u32 s6, $0x1;
	s3 =	sadd.s32 s4, s19  }
0x9c: {  	s7 =	simm.s32 $0x0;
	s20 =	sshll.u32 s5, $0x1;
	s5 =	sadd.s32 s21, s3  }
0x9d: {  	[timem:s7], [sflag:s22] =	dma.local [hbm:s5], s20  }
0x9e: {  	_ =	swait.ge [sflag:s22], s20  }
0x9f: {  	s4 =	ssub.s32 $0x0, s20;
	[sflag:s22] =	ssyncset.done $0x0  }
0xa0: {  	[sflag:s22] =	ssyncadd.s32 s4;
	_ =	sdelay $0x1  }
0xa1: {  	s23 =	simm.s32 $0x1B8B  }
0xa2: {  	_ =	swait.ge [sflag:s23], $0x1  }
0xa3: {  	[sflag:s23] =	ssyncset.done $0x0  }
0xa4: {  	s25 =	simm.s32 $0x1B8E;
	s24 =	sld [smem:$0x3FFE];
	[sflag:s23] =	ssyncadd.s32 $0xFFFFFFFF  }
0xa5: {  	s26 =	simm.s32 $execute0_lowered;
	[smem:$0x3FD2] =	sst s25  }
0xa6: {  	s5 =	sshll.u32 s26, $0x1;
	_ =	strace $0x80000058;
	[dreg:$0x1] =	wrdreg $0xFFFFFFFF  }
0xa7: {  	s28 =	simm.s32 $_size_execute0_lowered;
	s3 =	sadd.s32 s3, s5;
	[dreg:$0x0] =	wrdreg $0x0  }
0xa8: {  	s5 =	sshll.u32 s28, $0x1;
	[dreg:$0x2] =	wrdreg s3  }
0xa9: {  	[dreg:$0x3] =	wrdreg s5  }
0xaa: {  	[dreg:$0x4] =	wrdreg $0xC0  }
0xab: {  	_ =	task [dreg:s7], $0x5FFFF  }
0xac: {  	[dreg:$0x1] =	wrdreg $0xFFFFFFFF  }
0xad: {  	[dreg:$0x0] =	wrdreg $0x60  }
0xae: {  	[dreg:$0x2] =	wrdreg s24  }
0xaf: {  	[dreg:$0x3] =	wrdreg s2  }
0xb0: {  	[dreg:$0x4] =	wrdreg $0x90000  }
0xb1: {  	[dreg:$0x5] =	wrdreg $0x9  }
0xb2: {  	_ =	task.clear_ibuf [dreg:s7], $0x6FFFF;
	_ =	strace $0x90000058  }
0xb3: {  	s29 =	simm.s32 $0x9;
	_ =	strace $0x8000005A  }
0xb4: {  	_ =	swait.ge [sflag:s29], $0x1  }
0xb5: {  	[sflag:s29] =	ssyncadd.s32 $0xFFFFFFFF  }
0xb6: {  	_ =	strace $0x9000005A  }
0xb7: {  	_ =	sfence  }
0xb8: {  	s30 =	sld [smem:$0x0];
	_ =	sdelay $0x2  }
0xb9: {  	s31 =	sshll.u32 s1, $0xD;
	s1 =	sshrl.u32 s1, $0x2  }
0xba: {  	s3 =	sand.u32 $0x4000, s31;
	s1 =	sadd.s32 s1, s30  }
0xbb: {  	s0 =	sor.u32 s3, s0;
	s1 =	sshll.u32 s1, $0x11  }
0xbc: {  	s0 =	sor.u32 s1, s0  }
0xbd: {  	s0 =	sadd.s32 $0x8F2B, s0  }
0xbe: {  	[sflag:s0] =	ssyncadd.remote.s32 $0x1  }
0xbf: {  	_ =	sfence.sel $0xFFFF  }
0xc0: {  	[dreg:$0x0] =	wrdreg $0xFFFFFFFF;
	(pc) =	sbr.abs _section_cstart, $3  }
0xc1: {  	[dreg:$0x1] =	wrdreg $0xFFFFFFFF  }
0xc2: {  	_ =	task.clear_ibuf [dreg:s7], $0x2FFFF;
	_ =	strace $0x9FFFFFFF  }
0xc3: {  	(tm) =	ssettm $0x7FFFFFFF  }
tec
execute0_lowered:
.L_overlay_start_1:
0x0: {  	(tag) =	ssettag $0x1  }
0x1: {  	s5 =	rddreg [dreg:$0x0]  }
0x2: {  	s7 =	rddreg [dreg:$0x1]  }
0x3: {  	s0 =	srdreg.scid;
	s2 =	rddreg [dreg:$0x2]  }
0x4: {  	s3 =	simm.s32 $0x0;
	s14 =	simm.s32 $0x80;
	s15 =	simm.s32 $0x5000  }
0x5: {  	s16 =	simm.s32 $0x1;
	s6 =	sand.u32 $0x1, s0;
	s0 =	stileid.u32  }
0x6: {  	s17 =	simm.s32 $0x0;
	[smem:$0x7FF] =	sst s3;
	s9 =	smul.u32 $0x2800, s0  }
0x7: {  	s1 =	sshll.u32 s6, $0x4;
	s10 =	smul.u32 $0x28000, s6;
	s6 =	ssub.s32 $0x2, s6  }
0x8: {  	s12 =	smul.u32 $0x50000, s0;
	s31 =	sshll.u32 s0, $0x6;
	s4 =	sor.u32 s0, s1  }
0x9: {  	s1 =	rddreg [dreg:$0x3];
	_ =	strace $0x80000059;
	s29 =	sshrl.u32 s6, $0x1  }
0xa: {  	s8 =	smul.u32 $0x500, s4;
	s4 =	sadd.s32 $0xEE00, s5;
	s13 =	sadd.s32 s9, s5  }
0xb: {  	s9 =	sadd.s32 s9, s10;
	s10 =	ssub.s32 s6, s29;
	s30 =	sshrl.u32 s12, $0x2  }
0xc: {  	s6 =	sor.u32 $0x1C02, s31;
	s9 =	sadd.s32 s9, s5;
	s12 =	sadd.s32 s30, s2  }
0xd: {  	s10 =	smax.u32 s10, $0x1;
	s11 =	sadd.s32 s8, s5;
	s5 =	sadd.s32 $0x36E00, s13  }
0xe: {  	s7 =	sadd.s32 s7, s8;
	s9 =	sadd.s32 $0x86E00, s9;
	s13 =	simm.s32 $0x2800  }
0xf: {  	s8 =	sadd.s32 $0x4E00, s11;
	s11 =	sshrl.u32 s12, $0x3;
	s12 =	simm.s32 $0x2  }
.LBB2_1:
0x10: {  	[spmem:s11], [sflag:s6] =	dma.local [hbm:s5], $0x2800  }
0x11: {  	_ =	swait.ge [sflag:s12], $0x2800  }
0x12: {  	[sflag:s12] =	ssyncset.done $0x0  }
0x13: {  	[sflag:s12] =	ssyncadd.s32 $0xFFFFD800  }
0x14: {  	[bflag:$0x0] =	sbarrier.arrive $0xFFFF  }
0x15: {  	[tilespmem:s3], [sflag:$0x2] =	stream.linear.gather [hbm4b:s7+s3], $0x2780, $0x38;
	[tilespmem:$0x1D000] =	vst v63  }
0x16: {  	_ =	swait.ge [sflag:s12], $0x2780  }
0x17: {  	[sflag:s12] =	ssyncset.done $0x0  }
0x18: {  	[sflag:s12] =	ssyncadd.s32 $0xFFFFD880  }
0x19: {  	[tilespmem:s13], [sflag:$0x2] =	stream.linear.gather [hbm4b:s8+s3], $0x2780, $0x38;
	[tilespmem:$0x1D000] =	vst v63  }
0x1a: {  	_ =	swait.ge [sflag:s12], $0x2780  }
0x1b: {  	[sflag:s12] =	ssyncset.done $0x0  }
0x1c: {  	s18 =	simm.s32 $0x0;
	[sflag:s12] =	ssyncadd.s32 $0xFFFFD880  }
0x1d: {  	[tilespmem:s15], [sflag:$0x1] =	stream.indirect.gather [hbm4b:s4+s14], $0x80, s18, s14, $0xb8;
	[tilespmem:$0x1D000] =	vst v63  }
0x1e: {  	_ =	swait.ge [sflag:s16], $0x4000  }
0x1f: {  	[sflag:s16] =	ssyncset.done $0x0  }
0x20: {  	s31 =	simm.s32 $0x2800;
	[sflag:s16] =	ssyncadd.s32 $0xFFFFC000  }
0x21: {  	[spmem:s2] =	stream.indirect.scatter.add.f32 [tilespmem:s15], [sflag:$0x2], $0x80, s31, s14, $0xb8;
	[tilespmem:$0x1D000] =	vst v63  }
0x22: {  	_ =	swait.ge [sflag:s12], $0x4000  }
0x23: {  	s19 =	simm.s32 $0x400;
	s18 =	simm.s32 $0x200;
	[sflag:s12] =	ssyncset.done $0x0  }
.LBB2_2:
0x24: {  	s20 =	sshra.s32 s18, $0x2  }
0x25: {  	[sflag:s12] =	ssyncadd.s32 $0xFFFFC000;
	s18 =	smov.u32 s19;
	s21 =	sadd.s32 $0x200, s19  }
0x26: {  	[tilespmem:s15], [sflag:$0x1] =	stream.indirect.gather [hbm4b:s4+s14], $0x80, s20, s14, $0xb8;
	[tilespmem:$0x1D000] =	vst v63  }
0x27: {  	p0 =	sne.s32 s19, $0x9C00;
	_ =	swait.ge [sflag:s16], $0x4000  }
.Ltmp0:
0x28: {  	[sflag:s16] =	ssyncset.done $0x0;
	(pc) =	sbr.rel @p0 .LBB2_2-.Ltmp0, $4  }
0x29: {  	s19 =	sadd.s32 $0x2800, s20;
	[sflag:s16] =	ssyncadd.s32 $0xFFFFC000  }
0x2a: {  	[spmem:s2] =	stream.indirect.scatter.add.f32 [tilespmem:s15], [sflag:$0x2], $0x80, s19, s14, $0xb8;
	[tilespmem:$0x1D000] =	vst v63  }
0x2b: {  	_ =	swait.ge [sflag:s12], $0x4000  }
0x2c: {  	s19 =	smov.u32 s21;
	[sflag:s12] =	ssyncset.done $0x0  }
0x2d: {  	s18 =	sshra.s32 s18, $0x2;
	[sflag:s12] =	ssyncadd.s32 $0xFFFFC000  }
0x2e: {  	[tilespmem:s15], [sflag:$0x1] =	stream.indirect.gather [hbm4b:s4+s14], $0x80, s18, s14, $0xb8;
	[tilespmem:$0x1D000] =	vst v63  }
0x2f: {  	_ =	swait.ge [sflag:s16], $0x4000  }
0x30: {  	[sflag:s16] =	ssyncset.done $0x0  }
0x31: {  	s18 =	sadd.s32 $0x2800, s18;
	[sflag:s16] =	ssyncadd.s32 $0xFFFFC000  }
0x32: {  	[spmem:s2] =	stream.indirect.scatter.add.f32 [tilespmem:s15], [sflag:$0x2], $0x80, s18, s14, $0xb8;
	[tilespmem:$0x1D000] =	vst v63  }
0x33: {  	_ =	swait.ge [sflag:s12], $0x4000  }
0x34: {  	s17 =	sadd.s32 $0x1, s17;
	[sflag:s12] =	ssyncset.done $0x0  }
0x35: {  	p0 =	sne.s32 s17, s10;
	[sflag:s12] =	ssyncadd.s32 $0xFFFFC000  }
.Ltmp1:
0x36: {  	[bflag:$0x0] =	sbarrier.arrive $0xFFFF;
	(pc) =	sbr.rel @p0 .LBB2_1-.Ltmp1, $4  }
0x37: {  	[hbm:s9], [sflag:s6] =	dma.local [spmem:s11], $0x2800  }
0x38: {  	_ =	swait.ge [sflag:s12], $0x2800  }
0x39: {  	[sflag:s12] =	ssyncset.done $0x0  }
0x3a: {  	[sflag:s12] =	ssyncadd.s32 $0xFFFFD800  }
0x3b: {  	_ =	sfence.sel $0x180000  }
0x3c: {  	[bflag:$0x0] =	sbarrier.arrive $0xFFFF  }
0x3d: {  	p0 =	sne.s32 s0, $0x0;
	_ =	strace $0x90000059  }
0x3e: {  	s0 =	sadd.s32 @!p0 $0x100000, s1;
	[bflag:$0x2] =	sbarrier.arrive $0xFFFF  }
0x3f: {  	[sflag:s0] =	ssyncadd.tile.s32 @!p0 $0x1;
	_ =	shalt  }
.Lfunc_end2:
_tile_overlayer_lowered:
.L_overlay_start_2:
0x40: {  	(tag) =	ssettag $0x2  }
0x41: {  	s0 =	rddreg [dreg:$0x0];
	s2 =	stileid.u32  }
0x42: {  	s1 =	rddreg [dreg:$0x1];
	p0 =	sne.s32 s2, $0x0  }
0x43: {  	s3 =	rddreg [dreg:$0x2];
	[bflag:$0x3] =	sbarrier.arrive $0xFFFF;
	s2 =	simm.s32 @!p0 $0x1C02  }
0x44: {  	[timem:s3], [sflag:s2] =	dma.local @!p0 [hbm:s0], s1  }
0x45: {  	s0 =	simm.s32 @!p0 $0x2  }
0x46: {  	_ =	swait.ge @!p0 [sflag:s0], s1  }
0x47: {  	s1 =	ssub.s32 @!p0 $0x0, s1;
	[sflag:s0] =	ssyncset.done @!p0 $0x0  }
0x48: {  	[sflag:s0] =	ssyncadd.s32 @!p0 s1  }
0x49: {  	[bflag:$0x3] =	sbarrier.arrive $0xFFFF  }
0x4a: {  	_ =	shalt  }

// kernel: kernel.42.cloned.1.call-start
scs
__scs_entry_jumppad:
0x0: {  	(pc) =	sbr.rel $0x88, $3  }
0x1: {  	(tag) =	ssettag $0x0;
	lr =	simm.s32 $0x1  }
0x2: {  	[smem:$0x3F9D] =	sst lr;
	_ =	strace $0xD0000000  }
0x3: {  	_ = 	snop  }
0x4: {  	_ = 	snop  }
0x5: {  	_ = 	snop  }
0x6: {  	_ = 	snop  }
0x7: {  	_ = 	snop  }
__scs_overlays_trampoline_lowered:
0x8: {  	[smem:$0x3FAC] =	sst s0  }
0x9: {  	[smem:$0x3FAD] =	sst s1  }
0xa: {  	[smem:$0x3FAE] =	sst s2  }
0xb: {  	[smem:$0x3FAF] =	sst s3  }
0xc: {  	[smem:$0x3FB0] =	sst s4  }
0xd: {  	[smem:$0x3FB1] =	sst s5  }
0xe: {  	[smem:$0x3FB2] =	sst s6  }
0xf: {  	[smem:$0x3FB3] =	sst s7  }
0x10: {  	[smem:$0x3FB4] =	sst s8  }
0x11: {  	[smem:$0x3FB5] =	sst s9;
	s0 =	simm.s32 @!p0 $0x0  }
0x12: {  	s1 =	sld [smem:$0x3F9B];
	s0 =	simm.s32 @p0 $0x1  }
0x13: {  	[smem:$0x3FB6] =	sst s0;
	s0 =	simm.s32 @!p1 $0x0  }
0x14: {  	s2 =	sld [smem:$0x3F9A];
	s0 =	simm.s32 @p1 $0x1  }
0x15: {  	[smem:$0x3FB7] =	sst s0;
	s0 =	simm.s32 @!p2 $0x0  }
0x16: {  	s3 =	sld [smem:$0x3FDB];
	s0 =	simm.s32 @p2 $0x1  }
0x17: {  	s4 =	simm.s32 $0x1BF5;
	[smem:$0x3FB9] =	sst s0  }
0x18: {  	s0 =	sld [smem:$0x3F9C];
	_ =	swait.ge [sflag:s4], $0x0  }
0x19: {  	s7 =	sld [smem:$0x3F9D]  }
0x1a: {  	s8 =	sadd.s32 $0xFFFFE003, lr  }
0x1b: {  	s9 =	sadd.s32 $0xFFFFFEF7, lr;
	s5 =	simm.s32 $0xFFFFFFFF;
	p2 =	slt.u32 s8, $0xFFFFF086  }
0x1c: {  	p1 =	slt.u32 s9, $0xF7A;
	s5 =	simm.s32 @!p2 $0x0  }
0x1d: {  	s5 =	simm.s32 @p1 $0x1;
	p0 =	seq.s32 s7, s2  }
0x1e: {  	s7 =	smul.u32 @!p0 $0xF7A, s2;
	p2 =	seq.s32 @!p0 s5, $0x0  }
0x1f: {  	s9 =	smul.u32 $0xF7A, s1;
	s8 =	simm.s32 @!p0 $0x1BF5;
	p2 =	por !p2, p0  }
0x20: {  	[sflag:s8] =	ssyncset.s32 @!p0 $0xFFFFF086;
	s6 =	sadd.s32 @!p0 s3, s7;
	s7 =	simm.s32 @!p0 $0x108  }
0x21: {  	s3 =	sadd.s32 s3, s9;
	s6 =	sadd.s32 @!p0 $0x88, s6;
	s7 =	simm.s32 @p2 $0x1082  }
0x22: {  	[simem:s7], [sflag:s8] =	dma.local @!p0 [hbm:s6], $0xF7A  }
0x23: {  	s9 =	sor.u32 $0xD0000000, s2;
	s6 =	simm.s32 $0x108;
	_ =	swait.ge @!p0 [sflag:s8], $0x0  }
0x24: {  	s3 =	sadd.s32 $0x88, s3;
	s6 =	simm.s32 @!p1 $0x1082;
	[sflag:s4] =	ssyncset.s32 $0xFFFFF086  }
0x25: {  	[simem:s6], [sflag:s4] =	dma.local [hbm:s3], $0xF7A  }
0x26: {  	[smem:$0x3F9D] =	sst s1;
	(tag) =	ssettag s2;
	_ =	strace s9  }
0x27: {  	s1 =	sld [smem:$0x3FAD]  }
0x28: {  	s2 =	sld [smem:$0x3FAE]  }
0x29: {  	s4 =	sld [smem:$0x3FB0]  }
0x2a: {  	p0 =	seq.s32 s5, $0x0;
	s5 =	sld [smem:$0x3FB1]  }
0x2b: {  	s6 =	sld [smem:$0x3FB2]  }
0x2c: {  	s7 =	sld [smem:$0x3FB3]  }
0x2d: {  	s3 =	simm.s32 $0x108;
	s8 =	sld [smem:$0x3FB4]  }
0x2e: {  	s3 =	simm.s32 @!p0 $0x1082;
	s9 =	sld [smem:$0x3FB5]  }
0x2f: {  	lr =	sadd.s32 s0, s3;
	s0 =	sld [smem:$0x3FAC]  }
0x30: {  	s3 =	sld [smem:$0x3FAF]  }
0x31: {  	[smem:$0x3FB8] =	sst s10  }
0x32: {  	s10 =	sld [smem:$0x3FB6];
	_ =	sdelay $0x3  }
0x33: {  	p0 =	seq.s32 s10, $0x1;
	s10 =	sld [smem:$0x3FB8];
	_ =	sdelay $0x3  }
0x34: {  	[smem:$0x3FB8] =	sst s10  }
0x35: {  	s10 =	sld [smem:$0x3FB7];
	_ =	sdelay $0x3  }
0x36: {  	p1 =	seq.s32 s10, $0x1;
	s10 =	sld [smem:$0x3FB8];
	_ =	sdelay $0x3  }
0x37: {  	[smem:$0x3FB8] =	sst s10  }
0x38: {  	s10 =	sld [smem:$0x3FB9]  }
0x39: {  	_ = 	snop;
	(pc) =	sbr.ind lr, $3  }
0x3a: {  	_ = 	snop  }
0x3b: {  	_ = 	snop  }
0x3c: {  	p2 =	seq.s32 s10, $0x1;
	s10 =	sld [smem:$0x3FB8]  }
0x3d: {  	_ =	shalt  }
0x3e: {  	_ =	shalt  }
0x3f: {  	_ =	shalt  }
0x40: {  	_ =	shalt  }
0x41: {  	_ =	shalt  }
0x42: {  	_ =	shalt  }
0x43: {  	_ =	shalt  }
0x44: {  	_ =	shalt  }
0x45: {  	_ =	shalt  }
0x46: {  	_ =	shalt  }
0x47: {  	_ =	shalt  }
0x48: {  	_ =	shalt  }
0x49: {  	_ =	shalt  }
0x4a: {  	_ =	shalt  }
0x4b: {  	_ =	shalt  }
0x4c: {  	_ =	shalt  }
0x4d: {  	_ =	shalt  }
0x4e: {  	_ =	shalt  }
0x4f: {  	_ =	shalt  }
0x50: {  	_ =	shalt  }
0x51: {  	_ =	shalt  }
0x52: {  	_ =	shalt  }
0x53: {  	_ =	shalt  }
0x54: {  	_ =	shalt  }
0x55: {  	_ =	shalt  }
0x56: {  	_ =	shalt  }
0x57: {  	_ =	shalt  }
0x58: {  	_ =	shalt  }
0x59: {  	_ =	shalt  }
0x5a: {  	_ =	shalt  }
0x5b: {  	_ =	shalt  }
0x5c: {  	_ =	shalt  }
0x5d: {  	_ =	shalt  }
0x5e: {  	_ =	shalt  }
0x5f: {  	_ =	shalt  }
0x60: {  	_ =	shalt  }
0x61: {  	_ =	shalt  }
0x62: {  	_ =	shalt  }
0x63: {  	_ =	shalt  }
0x64: {  	_ =	shalt  }
0x65: {  	_ =	shalt  }
0x66: {  	_ =	shalt  }
0x67: {  	_ =	shalt  }
0x68: {  	_ =	shalt  }
0x69: {  	_ =	shalt  }
0x6a: {  	_ =	shalt  }
0x6b: {  	_ =	shalt  }
0x6c: {  	_ =	shalt  }
0x6d: {  	_ =	shalt  }
0x6e: {  	_ =	shalt  }
0x6f: {  	_ =	shalt  }
0x70: {  	_ =	shalt  }
0x71: {  	_ =	shalt  }
0x72: {  	_ =	shalt  }
0x73: {  	_ =	shalt  }
0x74: {  	_ =	shalt  }
0x75: {  	_ =	shalt  }
0x76: {  	_ =	shalt  }
0x77: {  	_ =	shalt  }
0x78: {  	_ =	shalt  }
0x79: {  	_ =	shalt  }
0x7a: {  	_ =	shalt  }
0x7b: {  	_ =	shalt  }
0x7c: {  	_ =	shalt  }
0x7d: {  	_ =	shalt  }
0x7e: {  	_ =	shalt  }
0x7f: {  	_ =	shalt  }
0x80: {  	_ =	shalt  }
0x81: {  	_ =	shalt  }
0x82: {  	_ =	shalt  }
0x83: {  	_ =	shalt  }
0x84: {  	_ =	shalt  }
0x85: {  	_ =	shalt  }
0x86: {  	_ =	shalt  }
0x87: {  	_ =	shalt  }
.Lfunc_end0:
.L_simem_size_0:
called_computation.7_lowered:
.L_overlay_start_0:
0x88: {  	s2 =	sld [smem:$0x3FD9]  }
0x89: {  	s3 =	sld [smem:$0x3FFE];
	_ =	sdelay $0x1  }
0x8a: {  	s1 =	srdreg.scid  }
0x8b: {  	s0 =	sand.u32 $0x1, s1  }
0x8c: {  	s17 =	sshll.u32 s0, $0xA;
	s2 =	sadd.s32 s3, s2  }
0x8d: {  	s2 =	sadd.s32 s2, s17  }
0x8e: {  	[smem:$0x3FC4] =	sst s2  }
0x8f: {  	_ = 	snop  }
0x90: {  	s2 =	sld [smem:$0x3FD0];
	(tm) =	ssettm $0x1  }
0x91: {  	s18 =	sld [smem:$0x3FFB];
	_ =	sdelay $0x3  }
0x92: {  	_ =	strace s18  }
0x93: {  	s3 =	sld [smem:$0x3FFC];
	_ =	sdelay $0x3  }
0x94: {  	_ =	strace s3  }
0x95: {  	s3 =	sld [smem:$0x3FFD];
	_ =	sdelay $0x3  }
0x96: {  	_ =	strace s3  }
0x97: {  	_ =	strace $0x8FFFFFFF  }
0x98: {  	s19 =	sld [smem:$0x3FDB];
	_ =	sdelay $0x1  }
0x99: {  	s4 =	simm.s32 $_scs_section_size  }
0x9a: {  	s5 =	simm.s32 $_size__tile_overlayer_lowered;
	s6 =	simm.s32 $_tile_overlayer_lowered  }
0x9b: {  	s22 =	simm.s32 $0x1BFF;
	s21 =	sshll.u32 s6, $0x1;
	s3 =	sadd.s32 s4, s19  }
0x9c: {  	s7 =	simm.s32 $0x0;
	s20 =	sshll.u32 s5, $0x1;
	s5 =	sadd.s32 s21, s3  }
0x9d: {  	[timem:s7], [sflag:s22] =	dma.local [hbm:s5], s20  }
0x9e: {  	_ =	swait.ge [sflag:s22], s20  }
0x9f: {  	s4 =	ssub.s32 $0x0, s20;
	[sflag:s22] =	ssyncset.done $0x0  }
0xa0: {  	[sflag:s22] =	ssyncadd.s32 s4;
	_ =	sdelay $0x1  }
0xa1: {  	s23 =	simm.s32 $0x1B8B  }
0xa2: {  	_ =	swait.ge [sflag:s23], $0x1  }
0xa3: {  	[sflag:s23] =	ssyncset.done $0x0  }
0xa4: {  	s25 =	simm.s32 $0x1B8E;
	s24 =	sld [smem:$0x3FFE];
	[sflag:s23] =	ssyncadd.s32 $0xFFFFFFFF  }
0xa5: {  	s26 =	simm.s32 $execute0_lowered;
	[smem:$0x3FD2] =	sst s25  }
0xa6: {  	s5 =	sshll.u32 s26, $0x1;
	_ =	strace $0x8000005B;
	[dreg:$0x1] =	wrdreg $0xFFFFFFFF  }
0xa7: {  	s28 =	simm.s32 $_size_execute0_lowered;
	s3 =	sadd.s32 s3, s5;
	[dreg:$0x0] =	wrdreg $0x0  }
0xa8: {  	s5 =	sshll.u32 s28, $0x1;
	[dreg:$0x2] =	wrdreg s3  }
0xa9: {  	[dreg:$0x3] =	wrdreg s5  }
0xaa: {  	[dreg:$0x4] =	wrdreg $0xC0  }
0xab: {  	_ =	task [dreg:s7], $0x5FFFF  }
0xac: {  	[dreg:$0x1] =	wrdreg $0xFFFFFFFF  }
0xad: {  	[dreg:$0x0] =	wrdreg $0x60  }
0xae: {  	[dreg:$0x2] =	wrdreg s24  }
0xaf: {  	[dreg:$0x3] =	wrdreg s2  }
0xb0: {  	[dreg:$0x4] =	wrdreg $0x90000  }
0xb1: {  	[dreg:$0x5] =	wrdreg $0x9  }
0xb2: {  	_ =	task.clear_ibuf [dreg:s7], $0x6FFFF;
	_ =	strace $0x9000005B  }
0xb3: {  	s29 =	simm.s32 $0x9;
	_ =	strace $0x8000005D  }
0xb4: {  	_ =	swait.ge [sflag:s29], $0x1  }
0xb5: {  	[sflag:s29] =	ssyncadd.s32 $0xFFFFFFFF  }
0xb6: {  	_ =	strace $0x9000005D  }
0xb7: {  	_ =	sfence  }
0xb8: {  	s30 =	sld [smem:$0x0];
	_ =	sdelay $0x2  }
0xb9: {  	s31 =	sshll.u32 s1, $0xD;
	s1 =	sshrl.u32 s1, $0x2  }
0xba: {  	s3 =	sand.u32 $0x4000, s31;
	s1 =	sadd.s32 s1, s30  }
0xbb: {  	s0 =	sor.u32 s3, s0;
	s1 =	sshll.u32 s1, $0x11  }
0xbc: {  	s0 =	sor.u32 s1, s0  }
0xbd: {  	s0 =	sadd.s32 $0x8F2B, s0  }
0xbe: {  	[sflag:s0] =	ssyncadd.remote.s32 $0x1  }
0xbf: {  	_ =	sfence.sel $0xFFFF  }
0xc0: {  	[dreg:$0x0] =	wrdreg $0xFFFFFFFF;
	(pc) =	sbr.abs _section_cstart, $3  }
0xc1: {  	[dreg:$0x1] =	wrdreg $0xFFFFFFFF  }
0xc2: {  	_ =	task.clear_ibuf [dreg:s7], $0x2FFFF;
	_ =	strace $0x9FFFFFFF  }
0xc3: {  	(tm) =	ssettm $0x7FFFFFFF  }
tec
execute0_lowered:
.L_overlay_start_1:
0x0: {  	(tag) =	ssettag $0x1  }
0x1: {  	s5 =	rddreg [dreg:$0x0]  }
0x2: {  	s7 =	rddreg [dreg:$0x1]  }
0x3: {  	s0 =	srdreg.scid;
	s2 =	rddreg [dreg:$0x2]  }
0x4: {  	s3 =	simm.s32 $0x0;
	s14 =	simm.s32 $0x80;
	s15 =	simm.s32 $0x5000  }
0x5: {  	s16 =	simm.s32 $0x1;
	s6 =	sand.u32 $0x1, s0;
	s0 =	stileid.u32  }
0x6: {  	s17 =	simm.s32 $0x0;
	[smem:$0x7FF] =	sst s3;
	s9 =	smul.u32 $0x2800, s0  }
0x7: {  	s1 =	sshll.u32 s6, $0x4;
	s10 =	smul.u32 $0x28000, s6;
	s6 =	ssub.s32 $0x2, s6  }
0x8: {  	s12 =	smul.u32 $0x50000, s0;
	s31 =	sshll.u32 s0, $0x6;
	s4 =	sor.u32 s0, s1  }
0x9: {  	s1 =	rddreg [dreg:$0x3];
	_ =	strace $0x8000005C;
	s29 =	sshrl.u32 s6, $0x1  }
0xa: {  	s8 =	smul.u32 $0x500, s4;
	s4 =	sadd.s32 $0xEE00, s5;
	s13 =	sadd.s32 s9, s5  }
0xb: {  	s9 =	sadd.s32 s9, s10;
	s10 =	ssub.s32 s6, s29;
	s30 =	sshrl.u32 s12, $0x2  }
0xc: {  	s6 =	sor.u32 $0x1C02, s31;
	s9 =	sadd.s32 s9, s5;
	s12 =	sadd.s32 s30, s2  }
0xd: {  	s10 =	smax.u32 s10, $0x1;
	s11 =	sadd.s32 s8, s5;
	s5 =	sadd.s32 $0x36E00, s13  }
0xe: {  	s7 =	sadd.s32 s7, s8;
	s9 =	sadd.s32 $0x86E00, s9;
	s13 =	simm.s32 $0x2800  }
0xf: {  	s8 =	sadd.s32 $0x4E00, s11;
	s11 =	sshrl.u32 s12, $0x3;
	s12 =	simm.s32 $0x2  }
.LBB2_1:
0x10: {  	[spmem:s11], [sflag:s6] =	dma.local [hbm:s5], $0x2800  }
0x11: {  	_ =	swait.ge [sflag:s12], $0x2800  }
0x12: {  	[sflag:s12] =	ssyncset.done $0x0  }
0x13: {  	[sflag:s12] =	ssyncadd.s32 $0xFFFFD800  }
0x14: {  	[bflag:$0x0] =	sbarrier.arrive $0xFFFF  }
0x15: {  	[tilespmem:s3], [sflag:$0x2] =	stream.linear.gather [hbm4b:s7+s3], $0x2780, $0x38;
	[tilespmem:$0x1D000] =	vst v63  }
0x16: {  	_ =	swait.ge [sflag:s12], $0x2780  }
0x17: {  	[sflag:s12] =	ssyncset.done $0x0  }
0x18: {  	[sflag:s12] =	ssyncadd.s32 $0xFFFFD880  }
0x19: {  	[tilespmem:s13], [sflag:$0x2] =	stream.linear.gather [hbm4b:s8+s3], $0x2780, $0x38;
	[tilespmem:$0x1D000] =	vst v63  }
0x1a: {  	_ =	swait.ge [sflag:s12], $0x2780  }
0x1b: {  	[sflag:s12] =	ssyncset.done $0x0  }
0x1c: {  	s18 =	simm.s32 $0x0;
	[sflag:s12] =	ssyncadd.s32 $0xFFFFD880  }
0x1d: {  	[tilespmem:s15], [sflag:$0x1] =	stream.indirect.gather [hbm4b:s4+s14], $0x80, s18, s14, $0xb8;
	[tilespmem:$0x1D000] =	vst v63  }
0x1e: {  	_ =	swait.ge [sflag:s16], $0x4000  }
0x1f: {  	[sflag:s16] =	ssyncset.done $0x0  }
0x20: {  	s31 =	simm.s32 $0x2800;
	[sflag:s16] =	ssyncadd.s32 $0xFFFFC000  }
0x21: {  	[spmem:s2] =	stream.indirect.scatter.add.f32 [tilespmem:s15], [sflag:$0x2], $0x80, s31, s14, $0xb8;
	[tilespmem:$0x1D000] =	vst v63  }
0x22: {  	_ =	swait.ge [sflag:s12], $0x4000  }
0x23: {  	s19 =	simm.s32 $0x400;
	s18 =	simm.s32 $0x200;
	[sflag:s12] =	ssyncset.done $0x0  }
.LBB2_2:
0x24: {  	s20 =	sshra.s32 s18, $0x2  }
0x25: {  	[sflag:s12] =	ssyncadd.s32 $0xFFFFC000;
	s18 =	smov.u32 s19;
	s21 =	sadd.s32 $0x200, s19  }
0x26: {  	[tilespmem:s15], [sflag:$0x1] =	stream.indirect.gather [hbm4b:s4+s14], $0x80, s20, s14, $0xb8;
	[tilespmem:$0x1D000] =	vst v63  }
0x27: {  	p0 =	sne.s32 s19, $0x9C00;
	_ =	swait.ge [sflag:s16], $0x4000  }
.Ltmp0:
0x28: {  	[sflag:s16] =	ssyncset.done $0x0;
	(pc) =	sbr.rel @p0 .LBB2_2-.Ltmp0, $4  }
0x29: {  	s19 =	sadd.s32 $0x2800, s20;
	[sflag:s16] =	ssyncadd.s32 $0xFFFFC000  }
0x2a: {  	[spmem:s2] =	stream.indirect.scatter.add.f32 [tilespmem:s15], [sflag:$0x2], $0x80, s19, s14, $0xb8;
	[tilespmem:$0x1D000] =	vst v63  }
0x2b: {  	_ =	swait.ge [sflag:s12], $0x4000  }
0x2c: {  	s19 =	smov.u32 s21;
	[sflag:s12] =	ssyncset.done $0x0  }
0x2d: {  	s18 =	sshra.s32 s18, $0x2;
	[sflag:s12] =	ssyncadd.s32 $0xFFFFC000  }
0x2e: {  	[tilespmem:s15], [sflag:$0x1] =	stream.indirect.gather [hbm4b:s4+s14], $0x80, s18, s14, $0xb8;
	[tilespmem:$0x1D000] =	vst v63  }
0x2f: {  	_ =	swait.ge [sflag:s16], $0x4000  }
0x30: {  	[sflag:s16] =	ssyncset.done $0x0  }
0x31: {  	s18 =	sadd.s32 $0x2800, s18;
	[sflag:s16] =	ssyncadd.s32 $0xFFFFC000  }
0x32: {  	[spmem:s2] =	stream.indirect.scatter.add.f32 [tilespmem:s15], [sflag:$0x2], $0x80, s18, s14, $0xb8;
	[tilespmem:$0x1D000] =	vst v63  }
0x33: {  	_ =	swait.ge [sflag:s12], $0x4000  }
0x34: {  	s17 =	sadd.s32 $0x1, s17;
	[sflag:s12] =	ssyncset.done $0x0  }
0x35: {  	p0 =	sne.s32 s17, s10;
	[sflag:s12] =	ssyncadd.s32 $0xFFFFC000  }
.Ltmp1:
0x36: {  	[bflag:$0x0] =	sbarrier.arrive $0xFFFF;
	(pc) =	sbr.rel @p0 .LBB2_1-.Ltmp1, $4  }
0x37: {  	[hbm:s9], [sflag:s6] =	dma.local [spmem:s11], $0x2800  }
0x38: {  	_ =	swait.ge [sflag:s12], $0x2800  }
0x39: {  	[sflag:s12] =	ssyncset.done $0x0  }
0x3a: {  	[sflag:s12] =	ssyncadd.s32 $0xFFFFD800  }
0x3b: {  	_ =	sfence.sel $0x180000  }
0x3c: {  	[bflag:$0x0] =	sbarrier.arrive $0xFFFF  }
0x3d: {  	p0 =	sne.s32 s0, $0x0;
	_ =	strace $0x9000005C  }
0x3e: {  	s0 =	sadd.s32 @!p0 $0x100000, s1;
	[bflag:$0x2] =	sbarrier.arrive $0xFFFF  }
0x3f: {  	[sflag:s0] =	ssyncadd.tile.s32 @!p0 $0x1;
	_ =	shalt  }
.Lfunc_end2:
_tile_overlayer_lowered:
.L_overlay_start_2:
0x40: {  	(tag) =	ssettag $0x2  }
0x41: {  	s0 =	rddreg [dreg:$0x0];
	s2 =	stileid.u32  }
0x42: {  	s1 =	rddreg [dreg:$0x1];
	p0 =	sne.s32 s2, $0x0  }
0x43: {  	s3 =	rddreg [dreg:$0x2];
	[bflag:$0x3] =	sbarrier.arrive $0xFFFF;
	s2 =	simm.s32 @!p0 $0x1C02  }
0x44: {  	[timem:s3], [sflag:s2] =	dma.local @!p0 [hbm:s0], s1  }
0x45: {  	s0 =	simm.s32 @!p0 $0x2  }
0x46: {  	_ =	swait.ge @!p0 [sflag:s0], s1  }
0x47: {  	s1 =	ssub.s32 @!p0 $0x0, s1;
	[sflag:s0] =	ssyncset.done @!p0 $0x0  }
0x48: {  	[sflag:s0] =	ssyncadd.s32 @!p0 s1  }
0x49: {  	[bflag:$0x3] =	sbarrier.arrive $0xFFFF  }
0x4a: {  	_ =	shalt  }

// kernel: kernel.45.cloned.1.call-start
scs
__scs_entry_jumppad:
0x0: {  	(pc) =	sbr.rel $0x88, $3  }
0x1: {  	(tag) =	ssettag $0x0;
	lr =	simm.s32 $0x1  }
0x2: {  	[smem:$0x3F9D] =	sst lr;
	_ =	strace $0xD0000000  }
0x3: {  	_ = 	snop  }
0x4: {  	_ = 	snop  }
0x5: {  	_ = 	snop  }
0x6: {  	_ = 	snop  }
0x7: {  	_ = 	snop  }
__scs_overlays_trampoline_lowered:
0x8: {  	[smem:$0x3FAC] =	sst s0  }
0x9: {  	[smem:$0x3FAD] =	sst s1  }
0xa: {  	[smem:$0x3FAE] =	sst s2  }
0xb: {  	[smem:$0x3FAF] =	sst s3  }
0xc: {  	[smem:$0x3FB0] =	sst s4  }
0xd: {  	[smem:$0x3FB1] =	sst s5  }
0xe: {  	[smem:$0x3FB2] =	sst s6  }
0xf: {  	[smem:$0x3FB3] =	sst s7  }
0x10: {  	[smem:$0x3FB4] =	sst s8  }
0x11: {  	[smem:$0x3FB5] =	sst s9;
	s0 =	simm.s32 @!p0 $0x0  }
0x12: {  	s1 =	sld [smem:$0x3F9B];
	s0 =	simm.s32 @p0 $0x1  }
0x13: {  	[smem:$0x3FB6] =	sst s0;
	s0 =	simm.s32 @!p1 $0x0  }
0x14: {  	s2 =	sld [smem:$0x3F9A];
	s0 =	simm.s32 @p1 $0x1  }
0x15: {  	[smem:$0x3FB7] =	sst s0;
	s0 =	simm.s32 @!p2 $0x0  }
0x16: {  	s3 =	sld [smem:$0x3FDB];
	s0 =	simm.s32 @p2 $0x1  }
0x17: {  	s4 =	simm.s32 $0x1BF5;
	[smem:$0x3FB9] =	sst s0  }
0x18: {  	s0 =	sld [smem:$0x3F9C];
	_ =	swait.ge [sflag:s4], $0x0  }
0x19: {  	s7 =	sld [smem:$0x3F9D]  }
0x1a: {  	s8 =	sadd.s32 $0xFFFFE003, lr  }
0x1b: {  	s9 =	sadd.s32 $0xFFFFFEF7, lr;
	s5 =	simm.s32 $0xFFFFFFFF;
	p2 =	slt.u32 s8, $0xFFFFF086  }
0x1c: {  	p1 =	slt.u32 s9, $0xF7A;
	s5 =	simm.s32 @!p2 $0x0  }
0x1d: {  	s5 =	simm.s32 @p1 $0x1;
	p0 =	seq.s32 s7, s2  }
0x1e: {  	s7 =	smul.u32 @!p0 $0xF7A, s2;
	p2 =	seq.s32 @!p0 s5, $0x0  }
0x1f: {  	s9 =	smul.u32 $0xF7A, s1;
	s8 =	simm.s32 @!p0 $0x1BF5;
	p2 =	por !p2, p0  }
0x20: {  	[sflag:s8] =	ssyncset.s32 @!p0 $0xFFFFF086;
	s6 =	sadd.s32 @!p0 s3, s7;
	s7 =	simm.s32 @!p0 $0x108  }
0x21: {  	s3 =	sadd.s32 s3, s9;
	s6 =	sadd.s32 @!p0 $0x88, s6;
	s7 =	simm.s32 @p2 $0x1082  }
0x22: {  	[simem:s7], [sflag:s8] =	dma.local @!p0 [hbm:s6], $0xF7A  }
0x23: {  	s9 =	sor.u32 $0xD0000000, s2;
	s6 =	simm.s32 $0x108;
	_ =	swait.ge @!p0 [sflag:s8], $0x0  }
0x24: {  	s3 =	sadd.s32 $0x88, s3;
	s6 =	simm.s32 @!p1 $0x1082;
	[sflag:s4] =	ssyncset.s32 $0xFFFFF086  }
0x25: {  	[simem:s6], [sflag:s4] =	dma.local [hbm:s3], $0xF7A  }
0x26: {  	[smem:$0x3F9D] =	sst s1;
	(tag) =	ssettag s2;
	_ =	strace s9  }
0x27: {  	s1 =	sld [smem:$0x3FAD]  }
0x28: {  	s2 =	sld [smem:$0x3FAE]  }
0x29: {  	s4 =	sld [smem:$0x3FB0]  }
0x2a: {  	p0 =	seq.s32 s5, $0x0;
	s5 =	sld [smem:$0x3FB1]  }
0x2b: {  	s6 =	sld [smem:$0x3FB2]  }
0x2c: {  	s7 =	sld [smem:$0x3FB3]  }
0x2d: {  	s3 =	simm.s32 $0x108;
	s8 =	sld [smem:$0x3FB4]  }
0x2e: {  	s3 =	simm.s32 @!p0 $0x1082;
	s9 =	sld [smem:$0x3FB5]  }
0x2f: {  	lr =	sadd.s32 s0, s3;
	s0 =	sld [smem:$0x3FAC]  }
0x30: {  	s3 =	sld [smem:$0x3FAF]  }
0x31: {  	[smem:$0x3FB8] =	sst s10  }
0x32: {  	s10 =	sld [smem:$0x3FB6];
	_ =	sdelay $0x3  }
0x33: {  	p0 =	seq.s32 s10, $0x1;
	s10 =	sld [smem:$0x3FB8];
	_ =	sdelay $0x3  }
0x34: {  	[smem:$0x3FB8] =	sst s10  }
0x35: {  	s10 =	sld [smem:$0x3FB7];
	_ =	sdelay $0x3  }
0x36: {  	p1 =	seq.s32 s10, $0x1;
	s10 =	sld [smem:$0x3FB8];
	_ =	sdelay $0x3  }
0x37: {  	[smem:$0x3FB8] =	sst s10  }
0x38: {  	s10 =	sld [smem:$0x3FB9]  }
0x39: {  	_ = 	snop;
	(pc) =	sbr.ind lr, $3  }
0x3a: {  	_ = 	snop  }
0x3b: {  	_ = 	snop  }
0x3c: {  	p2 =	seq.s32 s10, $0x1;
	s10 =	sld [smem:$0x3FB8]  }
0x3d: {  	_ =	shalt  }
0x3e: {  	_ =	shalt  }
0x3f: {  	_ =	shalt  }
0x40: {  	_ =	shalt  }
0x41: {  	_ =	shalt  }
0x42: {  	_ =	shalt  }
0x43: {  	_ =	shalt  }
0x44: {  	_ =	shalt  }
0x45: {  	_ =	shalt  }
0x46: {  	_ =	shalt  }
0x47: {  	_ =	shalt  }
0x48: {  	_ =	shalt  }
0x49: {  	_ =	shalt  }
0x4a: {  	_ =	shalt  }
0x4b: {  	_ =	shalt  }
0x4c: {  	_ =	shalt  }
0x4d: {  	_ =	shalt  }
0x4e: {  	_ =	shalt  }
0x4f: {  	_ =	shalt  }
0x50: {  	_ =	shalt  }
0x51: {  	_ =	shalt  }
0x52: {  	_ =	shalt  }
0x53: {  	_ =	shalt  }
0x54: {  	_ =	shalt  }
0x55: {  	_ =	shalt  }
0x56: {  	_ =	shalt  }
0x57: {  	_ =	shalt  }
0x58: {  	_ =	shalt  }
0x59: {  	_ =	shalt  }
0x5a: {  	_ =	shalt  }
0x5b: {  	_ =	shalt  }
0x5c: {  	_ =	shalt  }
0x5d: {  	_ =	shalt  }
0x5e: {  	_ =	shalt  }
0x5f: {  	_ =	shalt  }
0x60: {  	_ =	shalt  }
0x61: {  	_ =	shalt  }
0x62: {  	_ =	shalt  }
0x63: {  	_ =	shalt  }
0x64: {  	_ =	shalt  }
0x65: {  	_ =	shalt  }
0x66: {  	_ =	shalt  }
0x67: {  	_ =	shalt  }
0x68: {  	_ =	shalt  }
0x69: {  	_ =	shalt  }
0x6a: {  	_ =	shalt  }
0x6b: {  	_ =	shalt  }
0x6c: {  	_ =	shalt  }
0x6d: {  	_ =	shalt  }
0x6e: {  	_ =	shalt  }
0x6f: {  	_ =	shalt  }
0x70: {  	_ =	shalt  }
0x71: {  	_ =	shalt  }
0x72: {  	_ =	shalt  }
0x73: {  	_ =	shalt  }
0x74: {  	_ =	shalt  }
0x75: {  	_ =	shalt  }
0x76: {  	_ =	shalt  }
0x77: {  	_ =	shalt  }
0x78: {  	_ =	shalt  }
0x79: {  	_ =	shalt  }
0x7a: {  	_ =	shalt  }
0x7b: {  	_ =	shalt  }
0x7c: {  	_ =	shalt  }
0x7d: {  	_ =	shalt  }
0x7e: {  	_ =	shalt  }
0x7f: {  	_ =	shalt  }
0x80: {  	_ =	shalt  }
0x81: {  	_ =	shalt  }
0x82: {  	_ =	shalt  }
0x83: {  	_ =	shalt  }
0x84: {  	_ =	shalt  }
0x85: {  	_ =	shalt  }
0x86: {  	_ =	shalt  }
0x87: {  	_ =	shalt  }
.Lfunc_end0:
.L_simem_size_0:
called_computation.8_lowered:
.L_overlay_start_0:
0x88: {  	s2 =	sld [smem:$0x3FD9]  }
0x89: {  	s3 =	sld [smem:$0x3FFE];
	_ =	sdelay $0x1  }
0x8a: {  	s1 =	srdreg.scid  }
0x8b: {  	s0 =	sand.u32 $0x1, s1  }
0x8c: {  	s17 =	sshll.u32 s0, $0xA;
	s2 =	sadd.s32 s3, s2  }
0x8d: {  	s2 =	sadd.s32 s2, s17  }
0x8e: {  	[smem:$0x3FC4] =	sst s2  }
0x8f: {  	_ = 	snop  }
0x90: {  	s2 =	sld [smem:$0x3FD0];
	(tm) =	ssettm $0x1  }
0x91: {  	s18 =	sld [smem:$0x3FFB];
	_ =	sdelay $0x3  }
0x92: {  	_ =	strace s18  }
0x93: {  	s3 =	sld [smem:$0x3FFC];
	_ =	sdelay $0x3  }
0x94: {  	_ =	strace s3  }
0x95: {  	s3 =	sld [smem:$0x3FFD];
	_ =	sdelay $0x3  }
0x96: {  	_ =	strace s3  }
0x97: {  	_ =	strace $0x8FFFFFFF  }
0x98: {  	s19 =	sld [smem:$0x3FDB];
	_ =	sdelay $0x1  }
0x99: {  	s4 =	simm.s32 $_scs_section_size  }
0x9a: {  	s5 =	simm.s32 $_size__tile_overlayer_lowered;
	s6 =	simm.s32 $_tile_overlayer_lowered  }
0x9b: {  	s22 =	simm.s32 $0x1BFF;
	s21 =	sshll.u32 s6, $0x1;
	s3 =	sadd.s32 s4, s19  }
0x9c: {  	s7 =	simm.s32 $0x0;
	s20 =	sshll.u32 s5, $0x1;
	s5 =	sadd.s32 s21, s3  }
0x9d: {  	[timem:s7], [sflag:s22] =	dma.local [hbm:s5], s20  }
0x9e: {  	_ =	swait.ge [sflag:s22], s20  }
0x9f: {  	s4 =	ssub.s32 $0x0, s20;
	[sflag:s22] =	ssyncset.done $0x0  }
0xa0: {  	[sflag:s22] =	ssyncadd.s32 s4;
	_ =	sdelay $0x1  }
0xa1: {  	s23 =	simm.s32 $0x1B8B  }
0xa2: {  	_ =	swait.ge [sflag:s23], $0x1  }
0xa3: {  	[sflag:s23] =	ssyncset.done $0x0  }
0xa4: {  	s25 =	simm.s32 $0x1B8E;
	s24 =	sld [smem:$0x3FFE];
	[sflag:s23] =	ssyncadd.s32 $0xFFFFFFFF  }
0xa5: {  	s26 =	simm.s32 $execute0_lowered;
	[smem:$0x3FD2] =	sst s25  }
0xa6: {  	s5 =	sshll.u32 s26, $0x1;
	_ =	strace $0x8000005E;
	[dreg:$0x1] =	wrdreg $0xFFFFFFFF  }
0xa7: {  	s28 =	simm.s32 $_size_execute0_lowered;
	s3 =	sadd.s32 s3, s5;
	[dreg:$0x0] =	wrdreg $0x0  }
0xa8: {  	s5 =	sshll.u32 s28, $0x1;
	[dreg:$0x2] =	wrdreg s3  }
0xa9: {  	[dreg:$0x3] =	wrdreg s5  }
0xaa: {  	[dreg:$0x4] =	wrdreg $0xC0  }
0xab: {  	_ =	task [dreg:s7], $0x5FFFF  }
0xac: {  	[dreg:$0x1] =	wrdreg $0xFFFFFFFF  }
0xad: {  	[dreg:$0x0] =	wrdreg $0x60  }
0xae: {  	[dreg:$0x2] =	wrdreg s24  }
0xaf: {  	[dreg:$0x3] =	wrdreg s2  }
0xb0: {  	[dreg:$0x4] =	wrdreg $0x90000  }
0xb1: {  	[dreg:$0x5] =	wrdreg $0x9  }
0xb2: {  	_ =	task.clear_ibuf [dreg:s7], $0x6FFFF;
	_ =	strace $0x9000005E  }
0xb3: {  	s29 =	simm.s32 $0x9;
	_ =	strace $0x80000060  }
0xb4: {  	_ =	swait.ge [sflag:s29], $0x1  }
0xb5: {  	[sflag:s29] =	ssyncadd.s32 $0xFFFFFFFF  }
0xb6: {  	_ =	strace $0x90000060  }
0xb7: {  	_ =	sfence  }
0xb8: {  	s30 =	sld [smem:$0x0];
	_ =	sdelay $0x2  }
0xb9: {  	s31 =	sshll.u32 s1, $0xD;
	s1 =	sshrl.u32 s1, $0x2  }
0xba: {  	s3 =	sand.u32 $0x4000, s31;
	s1 =	sadd.s32 s1, s30  }
0xbb: {  	s0 =	sor.u32 s3, s0;
	s1 =	sshll.u32 s1, $0x11  }
0xbc: {  	s0 =	sor.u32 s1, s0  }
0xbd: {  	s0 =	sadd.s32 $0x8F2B, s0  }
0xbe: {  	[sflag:s0] =	ssyncadd.remote.s32 $0x1  }
0xbf: {  	_ =	sfence.sel $0xFFFF  }
0xc0: {  	[dreg:$0x0] =	wrdreg $0xFFFFFFFF;
	(pc) =	sbr.abs _section_cstart, $3  }
0xc1: {  	[dreg:$0x1] =	wrdreg $0xFFFFFFFF  }
0xc2: {  	_ =	task.clear_ibuf [dreg:s7], $0x2FFFF;
	_ =	strace $0x9FFFFFFF  }
0xc3: {  	(tm) =	ssettm $0x7FFFFFFF  }
tec
execute0_lowered:
.L_overlay_start_1:
0x0: {  	(tag) =	ssettag $0x1  }
0x1: {  	s5 =	rddreg [dreg:$0x0]  }
0x2: {  	s7 =	rddreg [dreg:$0x1]  }
0x3: {  	s0 =	srdreg.scid;
	s2 =	rddreg [dreg:$0x2]  }
0x4: {  	s3 =	simm.s32 $0x0;
	s14 =	simm.s32 $0x80;
	s15 =	simm.s32 $0x5000  }
0x5: {  	s16 =	simm.s32 $0x1;
	s6 =	sand.u32 $0x1, s0;
	s0 =	stileid.u32  }
0x6: {  	s17 =	simm.s32 $0x0;
	[smem:$0x7FF] =	sst s3;
	s9 =	smul.u32 $0x2800, s0  }
0x7: {  	s1 =	sshll.u32 s6, $0x4;
	s10 =	smul.u32 $0x28000, s6;
	s6 =	ssub.s32 $0x2, s6  }
0x8: {  	s12 =	smul.u32 $0x50000, s0;
	s31 =	sshll.u32 s0, $0x6;
	s4 =	sor.u32 s0, s1  }
0x9: {  	s1 =	rddreg [dreg:$0x3];
	_ =	strace $0x8000005F;
	s29 =	sshrl.u32 s6, $0x1  }
0xa: {  	s8 =	smul.u32 $0x500, s4;
	s4 =	sadd.s32 $0xEE00, s5;
	s13 =	sadd.s32 s9, s5  }
0xb: {  	s9 =	sadd.s32 s9, s10;
	s10 =	ssub.s32 s6, s29;
	s30 =	sshrl.u32 s12, $0x2  }
0xc: {  	s6 =	sor.u32 $0x1C02, s31;
	s9 =	sadd.s32 s9, s5;
	s12 =	sadd.s32 s30, s2  }
0xd: {  	s10 =	smax.u32 s10, $0x1;
	s11 =	sadd.s32 s8, s5;
	s5 =	sadd.s32 $0x36E00, s13  }
0xe: {  	s7 =	sadd.s32 s7, s8;
	s9 =	sadd.s32 $0x86E00, s9;
	s13 =	simm.s32 $0x2800  }
0xf: {  	s8 =	sadd.s32 $0x4E00, s11;
	s11 =	sshrl.u32 s12, $0x3;
	s12 =	simm.s32 $0x2  }
.LBB2_1:
0x10: {  	[spmem:s11], [sflag:s6] =	dma.local [hbm:s5], $0x2800  }
0x11: {  	_ =	swait.ge [sflag:s12], $0x2800  }
0x12: {  	[sflag:s12] =	ssyncset.done $0x0  }
0x13: {  	[sflag:s12] =	ssyncadd.s32 $0xFFFFD800  }
0x14: {  	[bflag:$0x0] =	sbarrier.arrive $0xFFFF  }
0x15: {  	[tilespmem:s3], [sflag:$0x2] =	stream.linear.gather [hbm4b:s7+s3], $0x2780, $0x38;
	[tilespmem:$0x1D000] =	vst v63  }
0x16: {  	_ =	swait.ge [sflag:s12], $0x2780  }
0x17: {  	[sflag:s12] =	ssyncset.done $0x0  }
0x18: {  	[sflag:s12] =	ssyncadd.s32 $0xFFFFD880  }
0x19: {  	[tilespmem:s13], [sflag:$0x2] =	stream.linear.gather [hbm4b:s8+s3], $0x2780, $0x38;
	[tilespmem:$0x1D000] =	vst v63  }
0x1a: {  	_ =	swait.ge [sflag:s12], $0x2780  }
0x1b: {  	[sflag:s12] =	ssyncset.done $0x0  }
0x1c: {  	s18 =	simm.s32 $0x0;
	[sflag:s12] =	ssyncadd.s32 $0xFFFFD880  }
0x1d: {  	[tilespmem:s15], [sflag:$0x1] =	stream.indirect.gather [hbm4b:s4+s14], $0x80, s18, s14, $0xb8;
	[tilespmem:$0x1D000] =	vst v63  }
0x1e: {  	_ =	swait.ge [sflag:s16], $0x4000  }
0x1f: {  	[sflag:s16] =	ssyncset.done $0x0  }
0x20: {  	s31 =	simm.s32 $0x2800;
	[sflag:s16] =	ssyncadd.s32 $0xFFFFC000  }
0x21: {  	[spmem:s2] =	stream.indirect.scatter.add.f32 [tilespmem:s15], [sflag:$0x2], $0x80, s31, s14, $0xb8;
	[tilespmem:$0x1D000] =	vst v63  }
0x22: {  	_ =	swait.ge [sflag:s12], $0x4000  }
0x23: {  	s19 =	simm.s32 $0x400;
	s18 =	simm.s32 $0x200;
	[sflag:s12] =	ssyncset.done $0x0  }
.LBB2_2:
0x24: {  	s20 =	sshra.s32 s18, $0x2  }
0x25: {  	[sflag:s12] =	ssyncadd.s32 $0xFFFFC000;
	s18 =	smov.u32 s19;
	s21 =	sadd.s32 $0x200, s19  }
0x26: {  	[tilespmem:s15], [sflag:$0x1] =	stream.indirect.gather [hbm4b:s4+s14], $0x80, s20, s14, $0xb8;
	[tilespmem:$0x1D000] =	vst v63  }
0x27: {  	p0 =	sne.s32 s19, $0x9C00;
	_ =	swait.ge [sflag:s16], $0x4000  }
.Ltmp0:
0x28: {  	[sflag:s16] =	ssyncset.done $0x0;
	(pc) =	sbr.rel @p0 .LBB2_2-.Ltmp0, $4  }
0x29: {  	s19 =	sadd.s32 $0x2800, s20;
	[sflag:s16] =	ssyncadd.s32 $0xFFFFC000  }
0x2a: {  	[spmem:s2] =	stream.indirect.scatter.add.f32 [tilespmem:s15], [sflag:$0x2], $0x80, s19, s14, $0xb8;
	[tilespmem:$0x1D000] =	vst v63  }
0x2b: {  	_ =	swait.ge [sflag:s12], $0x4000  }
0x2c: {  	s19 =	smov.u32 s21;
	[sflag:s12] =	ssyncset.done $0x0  }
0x2d: {  	s18 =	sshra.s32 s18, $0x2;
	[sflag:s12] =	ssyncadd.s32 $0xFFFFC000  }
0x2e: {  	[tilespmem:s15], [sflag:$0x1] =	stream.indirect.gather [hbm4b:s4+s14], $0x80, s18, s14, $0xb8;
	[tilespmem:$0x1D000] =	vst v63  }
0x2f: {  	_ =	swait.ge [sflag:s16], $0x4000  }
0x30: {  	[sflag:s16] =	ssyncset.done $0x0  }
0x31: {  	s18 =	sadd.s32 $0x2800, s18;
	[sflag:s16] =	ssyncadd.s32 $0xFFFFC000  }
0x32: {  	[spmem:s2] =	stream.indirect.scatter.add.f32 [tilespmem:s15], [sflag:$0x2], $0x80, s18, s14, $0xb8;
	[tilespmem:$0x1D000] =	vst v63  }
0x33: {  	_ =	swait.ge [sflag:s12], $0x4000  }
0x34: {  	s17 =	sadd.s32 $0x1, s17;
	[sflag:s12] =	ssyncset.done $0x0  }
0x35: {  	p0 =	sne.s32 s17, s10;
	[sflag:s12] =	ssyncadd.s32 $0xFFFFC000  }
.Ltmp1:
0x36: {  	[bflag:$0x0] =	sbarrier.arrive $0xFFFF;
	(pc) =	sbr.rel @p0 .LBB2_1-.Ltmp1, $4  }
0x37: {  	[hbm:s9], [sflag:s6] =	dma.local [spmem:s11], $0x2800  }
0x38: {  	_ =	swait.ge [sflag:s12], $0x2800  }
0x39: {  	[sflag:s12] =	ssyncset.done $0x0  }
0x3a: {  	[sflag:s12] =	ssyncadd.s32 $0xFFFFD800  }
0x3b: {  	_ =	sfence.sel $0x180000  }
0x3c: {  	[bflag:$0x0] =	sbarrier.arrive $0xFFFF  }
0x3d: {  	p0 =	sne.s32 s0, $0x0;
	_ =	strace $0x9000005F  }
0x3e: {  	s0 =	sadd.s32 @!p0 $0x100000, s1;
	[bflag:$0x2] =	sbarrier.arrive $0xFFFF  }
0x3f: {  	[sflag:s0] =	ssyncadd.tile.s32 @!p0 $0x1;
	_ =	shalt  }
.Lfunc_end2:
_tile_overlayer_lowered:
.L_overlay_start_2:
0x40: {  	(tag) =	ssettag $0x2  }
0x41: {  	s0 =	rddreg [dreg:$0x0];
	s2 =	stileid.u32  }
0x42: {  	s1 =	rddreg [dreg:$0x1];
	p0 =	sne.s32 s2, $0x0  }
0x43: {  	s3 =	rddreg [dreg:$0x2];
	[bflag:$0x3] =	sbarrier.arrive $0xFFFF;
	s2 =	simm.s32 @!p0 $0x1C02  }
0x44: {  	[timem:s3], [sflag:s2] =	dma.local @!p0 [hbm:s0], s1  }
0x45: {  	s0 =	simm.s32 @!p0 $0x2  }
0x46: {  	_ =	swait.ge @!p0 [sflag:s0], s1  }
0x47: {  	s1 =	ssub.s32 @!p0 $0x0, s1;
	[sflag:s0] =	ssyncset.done @!p0 $0x0  }
0x48: {  	[sflag:s0] =	ssyncadd.s32 @!p0 s1  }
0x49: {  	[bflag:$0x3] =	sbarrier.arrive $0xFFFF  }
0x4a: {  	_ =	shalt  }

</sc_bundles>
